<compile_context>
chip_gen: v7x
topology: tpu7x:2x2x1
jax: 0.10.2.dev20260603
libtpu: 0.0.44.dev20260713+nightly
codegen_flags: <defaults>
</compile_context>

<pallas_src>
import jax
import jax.numpy as jnp
from jax import lax
from jax.experimental import pallas as pl
from jax.experimental.pallas import tpu as pltpu
from jax.experimental.pallas import tpu_sc as plsc

_FIELD_DIM = 38461
_NF = 26
_CONT = 13
_BATCH = 16384
_VOCAB = _FIELD_DIM * _NF
_NUM_CORES = 2
_NW = 32
_BPW = _BATCH // _NW
_L = 16
_CHUNK = 128
_BLK = 128
_NBLK = _BPW // _BLK


_VMAIN = (_VOCAB // 1024) * 1024
_VTAIL = _VOCAB - _VMAIN
_TAILPAD = 1024


def _sc_body(xt_h, xct_h, table_h, tail_h, bias_h, w_h, out_h,
             xt_v, xct_v, idx_v, g_v, tail_v, w_v, b_v, out_v,
             sem_in, sem_xc, sem0, sem1, sem2, sem3):
    c = lax.axis_index("c")
    s = lax.axis_index("s")
    wid = s * _NUM_CORES + c
    base = wid * _BPW
    sems = [sem0, sem1, sem2, sem3]

    in_copy = pltpu.make_async_copy(
        xt_h.at[:, pl.ds(base, _BPW)], xt_v, sem_in)
    in_copy.start()
    xc_copy = pltpu.make_async_copy(
        xct_h.at[:, pl.ds(base, _BPW)], xct_v, sem_xc)
    xc_copy.start()
    pltpu.sync_copy(w_h, w_v.at[pl.ds(0, _CONT)])
    pltpu.sync_copy(bias_h, b_v.at[pl.ds(0, 1)])
    pltpu.sync_copy(tail_h, tail_v)
    in_copy.wait()

    for j in range(_NBLK):
        jo = j * _BLK

        @pl.loop(0, _NF)
        def _idx_fire(f, jo=jo, sem=sems[j]):
            fo = f * _FIELD_DIM
            o = f * _BPW + jo
            for k in range(_BLK // _L):
                xv = xt_v[f, pl.ds(jo + k * _L, _L)]
                idx_v[pl.ds(o + k * _L, _L)] = jnp.minimum(
                    xv + fo, _VMAIN - 1)
            pltpu.make_async_copy(
                table_h.at[idx_v.at[pl.ds(o, _CHUNK)]],
                g_v.at[pl.ds(o, _CHUNK)], sem,
            ).start()

    w_vec = w_v[...]
    w_s = [w_vec[i] for i in range(_CONT)]
    bias_s = b_v[...][0]
    xc_copy.wait()

    for j in range(_NBLK):
        jo = j * _BLK

        @pl.loop(0, _NF)
        def _drain(f, jo=jo, sem=sems[j]):
            o = f * _BPW + jo
            pltpu.make_async_copy(
                table_h.at[idx_v.at[pl.ds(o, _CHUNK)]],
                g_v.at[pl.ds(o, _CHUNK)], sem,
            ).wait()

        @pl.loop(0, _BLK // _L)
        def _acc_loop(k, jo=jo):
            o = jo + k * _L
            acc = jnp.full((_L,), bias_s, jnp.float32)
            for f in range(_NF - 1):
                acc = acc + g_v[pl.ds(o + f * _BPW, _L)]
            raw25 = xt_v[_NF - 1, pl.ds(o, _L)] + (_NF - 1) * _FIELD_DIM
            toff = jnp.clip(raw25 - _VMAIN, 0, _TAILPAD - 1)
            tval = plsc.load_gather(tail_v, [toff])
            gval = g_v[pl.ds(o + (_NF - 1) * _BPW, _L)]
            acc = acc + jnp.where(raw25 >= _VMAIN, tval, gval)
            for cc in range(_CONT):
                acc = acc + xct_v[cc, pl.ds(o, _L)] * w_s[cc]
            out_v[pl.ds(o, _L)] = acc

    pltpu.sync_copy(out_v, out_h.at[pl.ds(base, _BPW)])


def _make_kernel():
    mesh = plsc.VectorSubcoreMesh(core_axis_name="c", subcore_axis_name="s")
    return pl.kernel(
        _sc_body,
        out_type=jax.ShapeDtypeStruct((_BATCH,), jnp.float32),
        mesh=mesh,
        scratch_types=[
            pltpu.VMEM((_NF, _BPW), jnp.int32),
            pltpu.VMEM((_CONT, _BPW), jnp.float32),
            pltpu.VMEM((_NF * _BPW,), jnp.int32),
            pltpu.VMEM((_NF * _BPW,), jnp.float32),
            pltpu.VMEM((_TAILPAD,), jnp.float32),
            pltpu.VMEM((_L,), jnp.float32),
            pltpu.VMEM((_L,), jnp.float32),
            pltpu.VMEM((_BPW,), jnp.float32),
            pltpu.SemaphoreType.DMA,
            pltpu.SemaphoreType.DMA,
            pltpu.SemaphoreType.DMA,
            pltpu.SemaphoreType.DMA,
            pltpu.SemaphoreType.DMA,
            pltpu.SemaphoreType.DMA,
        ],
        compiler_params=pltpu.CompilerParams(needs_layout_passes=False),
    )


_fm_linear_sc = _make_kernel()


@jax.jit
def kernel(x, x_cont, table, bias, w):
    tab_main = table[:_VMAIN, :].reshape(-1)
    tab_tail = jnp.pad(
        table[_VMAIN:, :], ((0, _TAILPAD - _VTAIL), (0, 0))
    ).reshape(-1)
    out = _fm_linear_sc(x.T, x_cont.T, tab_main, tab_tail, bias, w)
    return out.reshape(-1, 1)

# --- scband reference (transcript-rebuilt; emitter-appended) ---
"""Pipeline reference for scband-fm-linear-70858370450045 (READ-ONLY COPY).

The authoritative reference and input builder live on the scoring server;
editing this copy changes nothing except your own understanding.
"""

import jax, jax.numpy as jnp
import numpy as np

FIELD_DIMS = [38461] * 26
BATCH = 16384
CONT_DIMS = 13
TOTAL_VOCAB = sum(FIELD_DIMS)


def setup_inputs(seed: int = 0) -> dict:
    key = jax.random.key(seed)
    k1, k2, k3, k4, k5 = jax.random.split(key, 5)
    x = jax.random.randint(k1, (BATCH, 26), 0, FIELD_DIMS[0], dtype=jnp.int32)
    x_cont = jax.random.normal(k2, (BATCH, CONT_DIMS), dtype=jnp.float32)
    table = jax.random.normal(k3, (TOTAL_VOCAB, 1), dtype=jnp.float32) * 0.01
    bias = jax.random.normal(k4, (1,), dtype=jnp.float32)
    w = jax.random.normal(k5, (CONT_DIMS,), dtype=jnp.float32)
    return {"x": x, "x_cont": x_cont, "table": table, "bias": bias, "w": w}


def reference(x, x_cont, table, bias, w):
    offsets = jnp.asarray(
        np.concatenate([[0], np.cumsum(FIELD_DIMS)[:-1]]), dtype=x.dtype
    )
    idx = x + offsets[None, :]
    linear_term = jnp.take(table, idx, axis=0)  # [B, 26, 1]
    cont_linear = jnp.matmul(x_cont, w).reshape(-1, 1)  # [B, 1]
    out = jnp.sum(linear_term, axis=1) + bias + cont_linear  # [B, 1]
    return out

if __name__ == "__main__":
    import jax
    _d = setup_inputs()
    print(jax.jit(kernel)(*tuple(_d.values())))

</pallas_src>

<mosaic_0001>
#map = affine_map<(d0, d1) -> (0, 0)>
#map1 = affine_map<(d0, d1) -> (0)>
module attributes {stable_mosaic.version = 14 : i64} {
  func.func @_sc_body(%arg0: i32, %arg1: i32, %arg2: memref<26x16384xi32, #tpu.memory_space<hbm>>, %arg3: memref<13x16384xf32, #tpu.memory_space<hbm>>, %arg4: memref<999424xf32, #tpu.memory_space<hbm>>, %arg5: memref<1024xf32, #tpu.memory_space<hbm>>, %arg6: memref<1xf32, #tpu.memory_space<hbm>>, %arg7: memref<13xf32, #tpu.memory_space<hbm>>, %arg8: memref<16384xf32, #tpu.memory_space<hbm>>, %arg9: memref<26x512xi32, #tpu.memory_space<vmem>>, %arg10: memref<13x512xf32, #tpu.memory_space<vmem>>, %arg11: memref<13312xi32, #tpu.memory_space<vmem>>, %arg12: memref<13312xf32, #tpu.memory_space<vmem>>, %arg13: memref<1024xf32, #tpu.memory_space<vmem>>, %arg14: memref<16xf32, #tpu.memory_space<vmem>>, %arg15: memref<16xf32, #tpu.memory_space<vmem>>, %arg16: memref<512xf32, #tpu.memory_space<vmem>>, %arg17: memref<!tpu.dma_semaphore, #tpu.memory_space<semaphore_mem>>, %arg18: memref<!tpu.dma_semaphore, #tpu.memory_space<semaphore_mem>>, %arg19: memref<!tpu.dma_semaphore, #tpu.memory_space<semaphore_mem>>, %arg20: memref<!tpu.dma_semaphore, #tpu.memory_space<semaphore_mem>>, %arg21: memref<!tpu.dma_semaphore, #tpu.memory_space<semaphore_mem>>, %arg22: memref<!tpu.dma_semaphore, #tpu.memory_space<semaphore_mem>>) attributes {dimension_semantics = [#tpu.dimension_semantics<core_parallel>, #tpu.dimension_semantics<subcore_parallel>], iteration_bounds = array<i64: 2, 16>, scalar_prefetch = 0 : i64, scratch_operands = 14 : i64, tpu.core_type = #tpu.core_type<sc_vector_subcore>, window_params = [{transform_indices = #map}, {transform_indices = #map}, {transform_indices = #map1}, {transform_indices = #map1}, {transform_indices = #map1}, {transform_indices = #map1}, {transform_indices = #map1}]} {
    %mul3A = arith.constant 2 : i32
    %mul3A_0 = arith.muli %arg1, %mul3A : i32
    %add3A = arith.addi %mul3A_0, %arg0 : i32
    %mul3A_1 = arith.constant 512 : i32
    %mul3A_2 = arith.muli %add3A, %mul3A_1 : i32
    %dma_start3A = arith.constant 0 : i32
    %dma_start3A_3 = tpu.memref_slice %arg2[%dma_start3A, %mul3A_2] : memref<26x16384xi32, #tpu.memory_space<hbm>> -> memref<26x512xi32, #tpu.memory_space<hbm>>
    %dma_start3A_4 = arith.constant 0 : i32
    %dma_start3A_5 = tpu.memref_slice %arg2[%dma_start3A_4, %mul3A_2] : memref<26x16384xi32, #tpu.memory_space<hbm>> -> memref<26x512xi32, #tpu.memory_space<hbm>>
    tpu.enqueue_dma source(%dma_start3A_5 : memref<26x512xi32, #tpu.memory_space<hbm>>) target(%arg9 : memref<26x512xi32, #tpu.memory_space<vmem>>) target_semaphore(%arg17 : memref<!tpu.dma_semaphore, #tpu.memory_space<semaphore_mem>>)
    %dma_start3A_6 = arith.constant 0 : i32
    %dma_start3A_7 = tpu.memref_slice %arg3[%dma_start3A_6, %mul3A_2] : memref<13x16384xf32, #tpu.memory_space<hbm>> -> memref<13x512xf32, #tpu.memory_space<hbm>>
    %dma_start3A_8 = arith.constant 0 : i32
    %dma_start3A_9 = tpu.memref_slice %arg3[%dma_start3A_8, %mul3A_2] : memref<13x16384xf32, #tpu.memory_space<hbm>> -> memref<13x512xf32, #tpu.memory_space<hbm>>
    tpu.enqueue_dma source(%dma_start3A_9 : memref<13x512xf32, #tpu.memory_space<hbm>>) target(%arg10 : memref<13x512xf32, #tpu.memory_space<vmem>>) target_semaphore(%arg18 : memref<!tpu.dma_semaphore, #tpu.memory_space<semaphore_mem>>)
    "tpu.region"() ({
      %run_scoped3A = tpu.sem_alloc : memref<!tpu.dma_semaphore, #tpu.memory_space<semaphore_mem>>
      %dma_start3A_105 = arith.constant 0 : i32
      %dma_start3A_106 = tpu.memref_slice %arg14[%dma_start3A_105] : memref<16xf32, #tpu.memory_space<vmem>> -> memref<13xf32, #tpu.memory_space<vmem>>
      %dma_start3A_107 = arith.constant 0 : i32
      %dma_start3A_108 = tpu.memref_slice %arg14[%dma_start3A_107] : memref<16xf32, #tpu.memory_space<vmem>> -> memref<13xf32, #tpu.memory_space<vmem>>
      tpu.enqueue_dma source(%arg7 : memref<13xf32, #tpu.memory_space<hbm>>) target(%dma_start3A_108 : memref<13xf32, #tpu.memory_space<vmem>>) target_semaphore(%run_scoped3A : memref<!tpu.dma_semaphore, #tpu.memory_space<semaphore_mem>>)
      %dma_wait3A_109 = arith.constant 0 : i32
      %dma_wait3A_110 = tpu.memref_slice %arg14[%dma_wait3A_109] : memref<16xf32, #tpu.memory_space<vmem>> -> memref<13xf32, #tpu.memory_space<vmem>>
      %dma_wait3A_111 = arith.constant 0 : i32
      %dma_wait3A_112 = tpu.memref_slice %arg14[%dma_wait3A_111] : memref<16xf32, #tpu.memory_space<vmem>> -> memref<13xf32, #tpu.memory_space<vmem>>
      tpu.wait_dma2 semaphore(%run_scoped3A : memref<!tpu.dma_semaphore, #tpu.memory_space<semaphore_mem>>) src(%arg7 : memref<13xf32, #tpu.memory_space<hbm>>) dst(%dma_wait3A_112 : memref<13xf32, #tpu.memory_space<vmem>>)
      tpu.yield
    }) : () -> ()
    "tpu.region"() ({
      %run_scoped3A = tpu.sem_alloc : memref<!tpu.dma_semaphore, #tpu.memory_space<semaphore_mem>>
      %dma_start3A_105 = arith.constant 0 : i32
      %dma_start3A_106 = tpu.memref_slice %arg15[%dma_start3A_105] : memref<16xf32, #tpu.memory_space<vmem>> -> memref<1xf32, #tpu.memory_space<vmem>>
      %dma_start3A_107 = arith.constant 0 : i32
      %dma_start3A_108 = tpu.memref_slice %arg15[%dma_start3A_107] : memref<16xf32, #tpu.memory_space<vmem>> -> memref<1xf32, #tpu.memory_space<vmem>>
      tpu.enqueue_dma source(%arg6 : memref<1xf32, #tpu.memory_space<hbm>>) target(%dma_start3A_108 : memref<1xf32, #tpu.memory_space<vmem>>) target_semaphore(%run_scoped3A : memref<!tpu.dma_semaphore, #tpu.memory_space<semaphore_mem>>)
      %dma_wait3A_109 = arith.constant 0 : i32
      %dma_wait3A_110 = tpu.memref_slice %arg15[%dma_wait3A_109] : memref<16xf32, #tpu.memory_space<vmem>> -> memref<1xf32, #tpu.memory_space<vmem>>
      %dma_wait3A_111 = arith.constant 0 : i32
      %dma_wait3A_112 = tpu.memref_slice %arg15[%dma_wait3A_111] : memref<16xf32, #tpu.memory_space<vmem>> -> memref<1xf32, #tpu.memory_space<vmem>>
      tpu.wait_dma2 semaphore(%run_scoped3A : memref<!tpu.dma_semaphore, #tpu.memory_space<semaphore_mem>>) src(%arg6 : memref<1xf32, #tpu.memory_space<hbm>>) dst(%dma_wait3A_112 : memref<1xf32, #tpu.memory_space<vmem>>)
      tpu.yield
    }) : () -> ()
    "tpu.region"() ({
      %run_scoped3A = tpu.sem_alloc : memref<!tpu.dma_semaphore, #tpu.memory_space<semaphore_mem>>
      tpu.enqueue_dma source(%arg5 : memref<1024xf32, #tpu.memory_space<hbm>>) target(%arg13 : memref<1024xf32, #tpu.memory_space<vmem>>) target_semaphore(%run_scoped3A : memref<!tpu.dma_semaphore, #tpu.memory_space<semaphore_mem>>)
      tpu.wait_dma2 semaphore(%run_scoped3A : memref<!tpu.dma_semaphore, #tpu.memory_space<semaphore_mem>>) src(%arg5 : memref<1024xf32, #tpu.memory_space<hbm>>) dst(%arg13 : memref<1024xf32, #tpu.memory_space<vmem>>)
      tpu.yield
    }) : () -> ()
    %dma_wait3A = arith.constant 0 : i32
    %dma_wait3A_10 = tpu.memref_slice %arg2[%dma_wait3A, %mul3A_2] : memref<26x16384xi32, #tpu.memory_space<hbm>> -> memref<26x512xi32, #tpu.memory_space<hbm>>
    %dma_wait3A_11 = arith.constant 0 : i32
    %dma_wait3A_12 = tpu.memref_slice %arg2[%dma_wait3A_11, %mul3A_2] : memref<26x16384xi32, #tpu.memory_space<hbm>> -> memref<26x512xi32, #tpu.memory_space<hbm>>
    tpu.wait_dma2 semaphore(%arg17 : memref<!tpu.dma_semaphore, #tpu.memory_space<semaphore_mem>>) src(%dma_wait3A_12 : memref<26x512xi32, #tpu.memory_space<hbm>>) dst(%arg9 : memref<26x512xi32, #tpu.memory_space<vmem>>)
    %scan3A = arith.constant 0 : i32
    %scan3A_13 = arith.constant 26 : i32
    %scan3A_14 = arith.addi %scan3A, %scan3A_13 : i32
    %scan3A_15 = arith.constant 1 : i32
    scf.for %scan3A_105 = %scan3A to %scan3A_14 step %scan3A_15  : i32 {
      %mul3A_106 = arith.constant 1 : i32
      %mul3A_107 = arith.muli %scan3A_105, %mul3A_106 : i32
      %add3A_108 = arith.constant 0 : i32
      %add3A_109 = arith.addi %add3A_108, %mul3A_107 : i32
      %mul3A_110 = arith.constant 38461 : i32
      %mul3A_111 = arith.muli %add3A_109, %mul3A_110 : i32
      %mul3A_112 = arith.constant 512 : i32
      %mul3A_113 = arith.muli %add3A_109, %mul3A_112 : i32
      %add3A_114 = arith.constant 0 : i32
      %add3A_115 = arith.addi %mul3A_113, %add3A_114 : i32
      %get3A_116 = arith.index_cast %add3A_109 : i32 to index
      %get3A_117 = arith.constant 0 : index
      %get3A_118 = tpu.vector_load %arg9[%get3A_116, %get3A_117] {strides = array<i32>} : memref<26x512xi32, #tpu.memory_space<vmem>>, vector<16xi32>,
      %add3A_119 = vector.broadcast %mul3A_111 : i32 to vector<16xi32>
      %add3A_120 = arith.addi %get3A_118, %add3A_119 : vector<16xi32>
      %min3A = arith.constant 999423 : i32
      %min3A_121 = vector.broadcast %min3A : i32 to vector<16xi32>
      %min3A_122 = arith.minsi %add3A_120, %min3A_121 : vector<16xi32>
      %add3A_123 = arith.constant 0 : i32
      %add3A_124 = arith.addi %add3A_115, %add3A_123 : i32
      %swap3A = arith.index_cast %add3A_124 : i32 to index
      %swap3A_125 = tpu.vector_load %arg11[%swap3A] {strides = array<i32>} : memref<13312xi32, #tpu.memory_space<vmem>>, vector<16xi32>,
      tpu.vector_store %arg11[%swap3A], %min3A_122 {strides = array<i32>} : memref<13312xi32, #tpu.memory_space<vmem>>, vector<16xi32>,
      %get3A_126 = arith.index_cast %add3A_109 : i32 to index
      %get3A_127 = arith.constant 16 : index
      %get3A_128 = tpu.vector_load %arg9[%get3A_126, %get3A_127] {strides = array<i32>} : memref<26x512xi32, #tpu.memory_space<vmem>>, vector<16xi32>,
      %add3A_129 = vector.broadcast %mul3A_111 : i32 to vector<16xi32>
      %add3A_130 = arith.addi %get3A_128, %add3A_129 : vector<16xi32>
      %min3A_131 = arith.constant 999423 : i32
      %min3A_132 = vector.broadcast %min3A_131 : i32 to vector<16xi32>
      %min3A_133 = arith.minsi %add3A_130, %min3A_132 : vector<16xi32>
      %add3A_134 = arith.constant 16 : i32
      %add3A_135 = arith.addi %add3A_115, %add3A_134 : i32
      %swap3A_136 = arith.index_cast %add3A_135 : i32 to index
      %swap3A_137 = tpu.vector_load %arg11[%swap3A_136] {strides = array<i32>} : memref<13312xi32, #tpu.memory_space<vmem>>, vector<16xi32>,
      tpu.vector_store %arg11[%swap3A_136], %min3A_133 {strides = array<i32>} : memref<13312xi32, #tpu.memory_space<vmem>>, vector<16xi32>,
      %get3A_138 = arith.index_cast %add3A_109 : i32 to index
      %get3A_139 = arith.constant 32 : index
      %get3A_140 = tpu.vector_load %arg9[%get3A_138, %get3A_139] {strides = array<i32>} : memref<26x512xi32, #tpu.memory_space<vmem>>, vector<16xi32>,
      %add3A_141 = vector.broadcast %mul3A_111 : i32 to vector<16xi32>
      %add3A_142 = arith.addi %get3A_140, %add3A_141 : vector<16xi32>
      %min3A_143 = arith.constant 999423 : i32
      %min3A_144 = vector.broadcast %min3A_143 : i32 to vector<16xi32>
      %min3A_145 = arith.minsi %add3A_142, %min3A_144 : vector<16xi32>
      %add3A_146 = arith.constant 32 : i32
      %add3A_147 = arith.addi %add3A_115, %add3A_146 : i32
      %swap3A_148 = arith.index_cast %add3A_147 : i32 to index
      %swap3A_149 = tpu.vector_load %arg11[%swap3A_148] {strides = array<i32>} : memref<13312xi32, #tpu.memory_space<vmem>>, vector<16xi32>,
      tpu.vector_store %arg11[%swap3A_148], %min3A_145 {strides = array<i32>} : memref<13312xi32, #tpu.memory_space<vmem>>, vector<16xi32>,
      %get3A_150 = arith.index_cast %add3A_109 : i32 to index
      %get3A_151 = arith.constant 48 : index
      %get3A_152 = tpu.vector_load %arg9[%get3A_150, %get3A_151] {strides = array<i32>} : memref<26x512xi32, #tpu.memory_space<vmem>>, vector<16xi32>,
      %add3A_153 = vector.broadcast %mul3A_111 : i32 to vector<16xi32>
      %add3A_154 = arith.addi %get3A_152, %add3A_153 : vector<16xi32>
      %min3A_155 = arith.constant 999423 : i32
      %min3A_156 = vector.broadcast %min3A_155 : i32 to vector<16xi32>
      %min3A_157 = arith.minsi %add3A_154, %min3A_156 : vector<16xi32>
      %add3A_158 = arith.constant 48 : i32
      %add3A_159 = arith.addi %add3A_115, %add3A_158 : i32
      %swap3A_160 = arith.index_cast %add3A_159 : i32 to index
      %swap3A_161 = tpu.vector_load %arg11[%swap3A_160] {strides = array<i32>} : memref<13312xi32, #tpu.memory_space<vmem>>, vector<16xi32>,
      tpu.vector_store %arg11[%swap3A_160], %min3A_157 {strides = array<i32>} : memref<13312xi32, #tpu.memory_space<vmem>>, vector<16xi32>,
      %get3A_162 = arith.index_cast %add3A_109 : i32 to index
      %get3A_163 = arith.constant 64 : index
      %get3A_164 = tpu.vector_load %arg9[%get3A_162, %get3A_163] {strides = array<i32>} : memref<26x512xi32, #tpu.memory_space<vmem>>, vector<16xi32>,
      %add3A_165 = vector.broadcast %mul3A_111 : i32 to vector<16xi32>
      %add3A_166 = arith.addi %get3A_164, %add3A_165 : vector<16xi32>
      %min3A_167 = arith.constant 999423 : i32
      %min3A_168 = vector.broadcast %min3A_167 : i32 to vector<16xi32>
      %min3A_169 = arith.minsi %add3A_166, %min3A_168 : vector<16xi32>
      %add3A_170 = arith.constant 64 : i32
      %add3A_171 = arith.addi %add3A_115, %add3A_170 : i32
      %swap3A_172 = arith.index_cast %add3A_171 : i32 to index
      %swap3A_173 = tpu.vector_load %arg11[%swap3A_172] {strides = array<i32>} : memref<13312xi32, #tpu.memory_space<vmem>>, vector<16xi32>,
      tpu.vector_store %arg11[%swap3A_172], %min3A_169 {strides = array<i32>} : memref<13312xi32, #tpu.memory_space<vmem>>, vector<16xi32>,
      %get3A_174 = arith.index_cast %add3A_109 : i32 to index
      %get3A_175 = arith.constant 80 : index
      %get3A_176 = tpu.vector_load %arg9[%get3A_174, %get3A_175] {strides = array<i32>} : memref<26x512xi32, #tpu.memory_space<vmem>>, vector<16xi32>,
      %add3A_177 = vector.broadcast %mul3A_111 : i32 to vector<16xi32>
      %add3A_178 = arith.addi %get3A_176, %add3A_177 : vector<16xi32>
      %min3A_179 = arith.constant 999423 : i32
      %min3A_180 = vector.broadcast %min3A_179 : i32 to vector<16xi32>
      %min3A_181 = arith.minsi %add3A_178, %min3A_180 : vector<16xi32>
      %add3A_182 = arith.constant 80 : i32
      %add3A_183 = arith.addi %add3A_115, %add3A_182 : i32
      %swap3A_184 = arith.index_cast %add3A_183 : i32 to index
      %swap3A_185 = tpu.vector_load %arg11[%swap3A_184] {strides = array<i32>} : memref<13312xi32, #tpu.memory_space<vmem>>, vector<16xi32>,
      tpu.vector_store %arg11[%swap3A_184], %min3A_181 {strides = array<i32>} : memref<13312xi32, #tpu.memory_space<vmem>>, vector<16xi32>,
      %get3A_186 = arith.index_cast %add3A_109 : i32 to index
      %get3A_187 = arith.constant 96 : index
      %get3A_188 = tpu.vector_load %arg9[%get3A_186, %get3A_187] {strides = array<i32>} : memref<26x512xi32, #tpu.memory_space<vmem>>, vector<16xi32>,
      %add3A_189 = vector.broadcast %mul3A_111 : i32 to vector<16xi32>
      %add3A_190 = arith.addi %get3A_188, %add3A_189 : vector<16xi32>
      %min3A_191 = arith.constant 999423 : i32
      %min3A_192 = vector.broadcast %min3A_191 : i32 to vector<16xi32>
      %min3A_193 = arith.minsi %add3A_190, %min3A_192 : vector<16xi32>
      %add3A_194 = arith.constant 96 : i32
      %add3A_195 = arith.addi %add3A_115, %add3A_194 : i32
      %swap3A_196 = arith.index_cast %add3A_195 : i32 to index
      %swap3A_197 = tpu.vector_load %arg11[%swap3A_196] {strides = array<i32>} : memref<13312xi32, #tpu.memory_space<vmem>>, vector<16xi32>,
      tpu.vector_store %arg11[%swap3A_196], %min3A_193 {strides = array<i32>} : memref<13312xi32, #tpu.memory_space<vmem>>, vector<16xi32>,
      %get3A_198 = arith.index_cast %add3A_109 : i32 to index
      %get3A_199 = arith.constant 112 : index
      %get3A_200 = tpu.vector_load %arg9[%get3A_198, %get3A_199] {strides = array<i32>} : memref<26x512xi32, #tpu.memory_space<vmem>>, vector<16xi32>,
      %add3A_201 = vector.broadcast %mul3A_111 : i32 to vector<16xi32>
      %add3A_202 = arith.addi %get3A_200, %add3A_201 : vector<16xi32>
      %min3A_203 = arith.constant 999423 : i32
      %min3A_204 = vector.broadcast %min3A_203 : i32 to vector<16xi32>
      %min3A_205 = arith.minsi %add3A_202, %min3A_204 : vector<16xi32>
      %add3A_206 = arith.constant 112 : i32
      %add3A_207 = arith.addi %add3A_115, %add3A_206 : i32
      %swap3A_208 = arith.index_cast %add3A_207 : i32 to index
      %swap3A_209 = tpu.vector_load %arg11[%swap3A_208] {strides = array<i32>} : memref<13312xi32, #tpu.memory_space<vmem>>, vector<16xi32>,
      tpu.vector_store %arg11[%swap3A_208], %min3A_205 {strides = array<i32>} : memref<13312xi32, #tpu.memory_space<vmem>>, vector<16xi32>,
      %dma_start3A_210 = tpu.memref_slice %arg12[%add3A_115] : memref<13312xf32, #tpu.memory_space<vmem>> -> memref<128xf32, #tpu.memory_space<vmem>>
      %dma_start3A_211 = tpu.memref_slice %arg11[%add3A_115] : memref<13312xi32, #tpu.memory_space<vmem>> -> memref<128xi32, #tpu.memory_space<vmem>>
      %dma_start3A_212 = arith.constant 0 : i32
      %dma_start3A_213 = tpu.memref_slice %arg4[%dma_start3A_212] : memref<999424xf32, #tpu.memory_space<hbm>> -> memref<999424xf32, #tpu.memory_space<hbm>>
      tpu.enqueue_indirect_dma source(%dma_start3A_213 : memref<999424xf32, #tpu.memory_space<hbm>>) target(%dma_start3A_210 : memref<128xf32, #tpu.memory_space<vmem>>) offsets(%dma_start3A_211 : memref<128xi32, #tpu.memory_space<vmem>>) semaphore(%arg19 : memref<!tpu.dma_semaphore, #tpu.memory_space<semaphore_mem>>)
    }
    %scan3A_16 = arith.constant 26 : i32
    %scan3A_17 = arith.constant 0 : i32
    %scan3A_18 = arith.constant 26 : i32
    %scan3A_19 = arith.addi %scan3A_17, %scan3A_18 : i32
    %scan3A_20 = arith.constant 1 : i32
    scf.for %scan3A_105 = %scan3A_17 to %scan3A_19 step %scan3A_20  : i32 {
      %mul3A_106 = arith.constant 1 : i32
      %mul3A_107 = arith.muli %scan3A_105, %mul3A_106 : i32
      %add3A_108 = arith.constant 0 : i32
      %add3A_109 = arith.addi %add3A_108, %mul3A_107 : i32
      %mul3A_110 = arith.constant 38461 : i32
      %mul3A_111 = arith.muli %add3A_109, %mul3A_110 : i32
      %mul3A_112 = arith.constant 512 : i32
      %mul3A_113 = arith.muli %add3A_109, %mul3A_112 : i32
      %add3A_114 = arith.constant 128 : i32
      %add3A_115 = arith.addi %mul3A_113, %add3A_114 : i32
      %get3A_116 = arith.index_cast %add3A_109 : i32 to index
      %get3A_117 = arith.constant 128 : index
      %get3A_118 = tpu.vector_load %arg9[%get3A_116, %get3A_117] {strides = array<i32>} : memref<26x512xi32, #tpu.memory_space<vmem>>, vector<16xi32>,
      %add3A_119 = vector.broadcast %mul3A_111 : i32 to vector<16xi32>
      %add3A_120 = arith.addi %get3A_118, %add3A_119 : vector<16xi32>
      %min3A = arith.constant 999423 : i32
      %min3A_121 = vector.broadcast %min3A : i32 to vector<16xi32>
      %min3A_122 = arith.minsi %add3A_120, %min3A_121 : vector<16xi32>
      %add3A_123 = arith.constant 0 : i32
      %add3A_124 = arith.addi %add3A_115, %add3A_123 : i32
      %swap3A = arith.index_cast %add3A_124 : i32 to index
      %swap3A_125 = tpu.vector_load %arg11[%swap3A] {strides = array<i32>} : memref<13312xi32, #tpu.memory_space<vmem>>, vector<16xi32>,
      tpu.vector_store %arg11[%swap3A], %min3A_122 {strides = array<i32>} : memref<13312xi32, #tpu.memory_space<vmem>>, vector<16xi32>,
      %get3A_126 = arith.index_cast %add3A_109 : i32 to index
      %get3A_127 = arith.constant 144 : index
      %get3A_128 = tpu.vector_load %arg9[%get3A_126, %get3A_127] {strides = array<i32>} : memref<26x512xi32, #tpu.memory_space<vmem>>, vector<16xi32>,
      %add3A_129 = vector.broadcast %mul3A_111 : i32 to vector<16xi32>
      %add3A_130 = arith.addi %get3A_128, %add3A_129 : vector<16xi32>
      %min3A_131 = arith.constant 999423 : i32
      %min3A_132 = vector.broadcast %min3A_131 : i32 to vector<16xi32>
      %min3A_133 = arith.minsi %add3A_130, %min3A_132 : vector<16xi32>
      %add3A_134 = arith.constant 16 : i32
      %add3A_135 = arith.addi %add3A_115, %add3A_134 : i32
      %swap3A_136 = arith.index_cast %add3A_135 : i32 to index
      %swap3A_137 = tpu.vector_load %arg11[%swap3A_136] {strides = array<i32>} : memref<13312xi32, #tpu.memory_space<vmem>>, vector<16xi32>,
      tpu.vector_store %arg11[%swap3A_136], %min3A_133 {strides = array<i32>} : memref<13312xi32, #tpu.memory_space<vmem>>, vector<16xi32>,
      %get3A_138 = arith.index_cast %add3A_109 : i32 to index
      %get3A_139 = arith.constant 160 : index
      %get3A_140 = tpu.vector_load %arg9[%get3A_138, %get3A_139] {strides = array<i32>} : memref<26x512xi32, #tpu.memory_space<vmem>>, vector<16xi32>,
      %add3A_141 = vector.broadcast %mul3A_111 : i32 to vector<16xi32>
      %add3A_142 = arith.addi %get3A_140, %add3A_141 : vector<16xi32>
      %min3A_143 = arith.constant 999423 : i32
      %min3A_144 = vector.broadcast %min3A_143 : i32 to vector<16xi32>
      %min3A_145 = arith.minsi %add3A_142, %min3A_144 : vector<16xi32>
      %add3A_146 = arith.constant 32 : i32
      %add3A_147 = arith.addi %add3A_115, %add3A_146 : i32
      %swap3A_148 = arith.index_cast %add3A_147 : i32 to index
      %swap3A_149 = tpu.vector_load %arg11[%swap3A_148] {strides = array<i32>} : memref<13312xi32, #tpu.memory_space<vmem>>, vector<16xi32>,
      tpu.vector_store %arg11[%swap3A_148], %min3A_145 {strides = array<i32>} : memref<13312xi32, #tpu.memory_space<vmem>>, vector<16xi32>,
      %get3A_150 = arith.index_cast %add3A_109 : i32 to index
      %get3A_151 = arith.constant 176 : index
      %get3A_152 = tpu.vector_load %arg9[%get3A_150, %get3A_151] {strides = array<i32>} : memref<26x512xi32, #tpu.memory_space<vmem>>, vector<16xi32>,
      %add3A_153 = vector.broadcast %mul3A_111 : i32 to vector<16xi32>
      %add3A_154 = arith.addi %get3A_152, %add3A_153 : vector<16xi32>
      %min3A_155 = arith.constant 999423 : i32
      %min3A_156 = vector.broadcast %min3A_155 : i32 to vector<16xi32>
      %min3A_157 = arith.minsi %add3A_154, %min3A_156 : vector<16xi32>
      %add3A_158 = arith.constant 48 : i32
      %add3A_159 = arith.addi %add3A_115, %add3A_158 : i32
      %swap3A_160 = arith.index_cast %add3A_159 : i32 to index
      %swap3A_161 = tpu.vector_load %arg11[%swap3A_160] {strides = array<i32>} : memref<13312xi32, #tpu.memory_space<vmem>>, vector<16xi32>,
      tpu.vector_store %arg11[%swap3A_160], %min3A_157 {strides = array<i32>} : memref<13312xi32, #tpu.memory_space<vmem>>, vector<16xi32>,
      %get3A_162 = arith.index_cast %add3A_109 : i32 to index
      %get3A_163 = arith.constant 192 : index
      %get3A_164 = tpu.vector_load %arg9[%get3A_162, %get3A_163] {strides = array<i32>} : memref<26x512xi32, #tpu.memory_space<vmem>>, vector<16xi32>,
      %add3A_165 = vector.broadcast %mul3A_111 : i32 to vector<16xi32>
      %add3A_166 = arith.addi %get3A_164, %add3A_165 : vector<16xi32>
      %min3A_167 = arith.constant 999423 : i32
      %min3A_168 = vector.broadcast %min3A_167 : i32 to vector<16xi32>
      %min3A_169 = arith.minsi %add3A_166, %min3A_168 : vector<16xi32>
      %add3A_170 = arith.constant 64 : i32
      %add3A_171 = arith.addi %add3A_115, %add3A_170 : i32
      %swap3A_172 = arith.index_cast %add3A_171 : i32 to index
      %swap3A_173 = tpu.vector_load %arg11[%swap3A_172] {strides = array<i32>} : memref<13312xi32, #tpu.memory_space<vmem>>, vector<16xi32>,
      tpu.vector_store %arg11[%swap3A_172], %min3A_169 {strides = array<i32>} : memref<13312xi32, #tpu.memory_space<vmem>>, vector<16xi32>,
      %get3A_174 = arith.index_cast %add3A_109 : i32 to index
      %get3A_175 = arith.constant 208 : index
      %get3A_176 = tpu.vector_load %arg9[%get3A_174, %get3A_175] {strides = array<i32>} : memref<26x512xi32, #tpu.memory_space<vmem>>, vector<16xi32>,
      %add3A_177 = vector.broadcast %mul3A_111 : i32 to vector<16xi32>
      %add3A_178 = arith.addi %get3A_176, %add3A_177 : vector<16xi32>
      %min3A_179 = arith.constant 999423 : i32
      %min3A_180 = vector.broadcast %min3A_179 : i32 to vector<16xi32>
      %min3A_181 = arith.minsi %add3A_178, %min3A_180 : vector<16xi32>
      %add3A_182 = arith.constant 80 : i32
      %add3A_183 = arith.addi %add3A_115, %add3A_182 : i32
      %swap3A_184 = arith.index_cast %add3A_183 : i32 to index
      %swap3A_185 = tpu.vector_load %arg11[%swap3A_184] {strides = array<i32>} : memref<13312xi32, #tpu.memory_space<vmem>>, vector<16xi32>,
      tpu.vector_store %arg11[%swap3A_184], %min3A_181 {strides = array<i32>} : memref<13312xi32, #tpu.memory_space<vmem>>, vector<16xi32>,
      %get3A_186 = arith.index_cast %add3A_109 : i32 to index
      %get3A_187 = arith.constant 224 : index
      %get3A_188 = tpu.vector_load %arg9[%get3A_186, %get3A_187] {strides = array<i32>} : memref<26x512xi32, #tpu.memory_space<vmem>>, vector<16xi32>,
      %add3A_189 = vector.broadcast %mul3A_111 : i32 to vector<16xi32>
      %add3A_190 = arith.addi %get3A_188, %add3A_189 : vector<16xi32>
      %min3A_191 = arith.constant 999423 : i32
      %min3A_192 = vector.broadcast %min3A_191 : i32 to vector<16xi32>
      %min3A_193 = arith.minsi %add3A_190, %min3A_192 : vector<16xi32>
      %add3A_194 = arith.constant 96 : i32
      %add3A_195 = arith.addi %add3A_115, %add3A_194 : i32
      %swap3A_196 = arith.index_cast %add3A_195 : i32 to index
      %swap3A_197 = tpu.vector_load %arg11[%swap3A_196] {strides = array<i32>} : memref<13312xi32, #tpu.memory_space<vmem>>, vector<16xi32>,
      tpu.vector_store %arg11[%swap3A_196], %min3A_193 {strides = array<i32>} : memref<13312xi32, #tpu.memory_space<vmem>>, vector<16xi32>,
      %get3A_198 = arith.index_cast %add3A_109 : i32 to index
      %get3A_199 = arith.constant 240 : index
      %get3A_200 = tpu.vector_load %arg9[%get3A_198, %get3A_199] {strides = array<i32>} : memref<26x512xi32, #tpu.memory_space<vmem>>, vector<16xi32>,
      %add3A_201 = vector.broadcast %mul3A_111 : i32 to vector<16xi32>
      %add3A_202 = arith.addi %get3A_200, %add3A_201 : vector<16xi32>
      %min3A_203 = arith.constant 999423 : i32
      %min3A_204 = vector.broadcast %min3A_203 : i32 to vector<16xi32>
      %min3A_205 = arith.minsi %add3A_202, %min3A_204 : vector<16xi32>
      %add3A_206 = arith.constant 112 : i32
      %add3A_207 = arith.addi %add3A_115, %add3A_206 : i32
      %swap3A_208 = arith.index_cast %add3A_207 : i32 to index
      %swap3A_209 = tpu.vector_load %arg11[%swap3A_208] {strides = array<i32>} : memref<13312xi32, #tpu.memory_space<vmem>>, vector<16xi32>,
      tpu.vector_store %arg11[%swap3A_208], %min3A_205 {strides = array<i32>} : memref<13312xi32, #tpu.memory_space<vmem>>, vector<16xi32>,
      %dma_start3A_210 = tpu.memref_slice %arg12[%add3A_115] : memref<13312xf32, #tpu.memory_space<vmem>> -> memref<128xf32, #tpu.memory_space<vmem>>
      %dma_start3A_211 = tpu.memref_slice %arg11[%add3A_115] : memref<13312xi32, #tpu.memory_space<vmem>> -> memref<128xi32, #tpu.memory_space<vmem>>
      %dma_start3A_212 = arith.constant 0 : i32
      %dma_start3A_213 = tpu.memref_slice %arg4[%dma_start3A_212] : memref<999424xf32, #tpu.memory_space<hbm>> -> memref<999424xf32, #tpu.memory_space<hbm>>
      tpu.enqueue_indirect_dma source(%dma_start3A_213 : memref<999424xf32, #tpu.memory_space<hbm>>) target(%dma_start3A_210 : memref<128xf32, #tpu.memory_space<vmem>>) offsets(%dma_start3A_211 : memref<128xi32, #tpu.memory_space<vmem>>) semaphore(%arg20 : memref<!tpu.dma_semaphore, #tpu.memory_space<semaphore_mem>>)
    }
    %scan3A_21 = arith.constant 26 : i32
    %scan3A_22 = arith.constant 0 : i32
    %scan3A_23 = arith.constant 26 : i32
    %scan3A_24 = arith.addi %scan3A_22, %scan3A_23 : i32
    %scan3A_25 = arith.constant 1 : i32
    scf.for %scan3A_105 = %scan3A_22 to %scan3A_24 step %scan3A_25  : i32 {
      %mul3A_106 = arith.constant 1 : i32
      %mul3A_107 = arith.muli %scan3A_105, %mul3A_106 : i32
      %add3A_108 = arith.constant 0 : i32
      %add3A_109 = arith.addi %add3A_108, %mul3A_107 : i32
      %mul3A_110 = arith.constant 38461 : i32
      %mul3A_111 = arith.muli %add3A_109, %mul3A_110 : i32
      %mul3A_112 = arith.constant 512 : i32
      %mul3A_113 = arith.muli %add3A_109, %mul3A_112 : i32
      %add3A_114 = arith.constant 256 : i32
      %add3A_115 = arith.addi %mul3A_113, %add3A_114 : i32
      %get3A_116 = arith.index_cast %add3A_109 : i32 to index
      %get3A_117 = arith.constant 256 : index
      %get3A_118 = tpu.vector_load %arg9[%get3A_116, %get3A_117] {strides = array<i32>} : memref<26x512xi32, #tpu.memory_space<vmem>>, vector<16xi32>,
      %add3A_119 = vector.broadcast %mul3A_111 : i32 to vector<16xi32>
      %add3A_120 = arith.addi %get3A_118, %add3A_119 : vector<16xi32>
      %min3A = arith.constant 999423 : i32
      %min3A_121 = vector.broadcast %min3A : i32 to vector<16xi32>
      %min3A_122 = arith.minsi %add3A_120, %min3A_121 : vector<16xi32>
      %add3A_123 = arith.constant 0 : i32
      %add3A_124 = arith.addi %add3A_115, %add3A_123 : i32
      %swap3A = arith.index_cast %add3A_124 : i32 to index
      %swap3A_125 = tpu.vector_load %arg11[%swap3A] {strides = array<i32>} : memref<13312xi32, #tpu.memory_space<vmem>>, vector<16xi32>,
      tpu.vector_store %arg11[%swap3A], %min3A_122 {strides = array<i32>} : memref<13312xi32, #tpu.memory_space<vmem>>, vector<16xi32>,
      %get3A_126 = arith.index_cast %add3A_109 : i32 to index
      %get3A_127 = arith.constant 272 : index
      %get3A_128 = tpu.vector_load %arg9[%get3A_126, %get3A_127] {strides = array<i32>} : memref<26x512xi32, #tpu.memory_space<vmem>>, vector<16xi32>,
      %add3A_129 = vector.broadcast %mul3A_111 : i32 to vector<16xi32>
      %add3A_130 = arith.addi %get3A_128, %add3A_129 : vector<16xi32>
      %min3A_131 = arith.constant 999423 : i32
      %min3A_132 = vector.broadcast %min3A_131 : i32 to vector<16xi32>
      %min3A_133 = arith.minsi %add3A_130, %min3A_132 : vector<16xi32>
      %add3A_134 = arith.constant 16 : i32
      %add3A_135 = arith.addi %add3A_115, %add3A_134 : i32
      %swap3A_136 = arith.index_cast %add3A_135 : i32 to index
      %swap3A_137 = tpu.vector_load %arg11[%swap3A_136] {strides = array<i32>} : memref<13312xi32, #tpu.memory_space<vmem>>, vector<16xi32>,
      tpu.vector_store %arg11[%swap3A_136], %min3A_133 {strides = array<i32>} : memref<13312xi32, #tpu.memory_space<vmem>>, vector<16xi32>,
      %get3A_138 = arith.index_cast %add3A_109 : i32 to index
      %get3A_139 = arith.constant 288 : index
      %get3A_140 = tpu.vector_load %arg9[%get3A_138, %get3A_139] {strides = array<i32>} : memref<26x512xi32, #tpu.memory_space<vmem>>, vector<16xi32>,
      %add3A_141 = vector.broadcast %mul3A_111 : i32 to vector<16xi32>
      %add3A_142 = arith.addi %get3A_140, %add3A_141 : vector<16xi32>
      %min3A_143 = arith.constant 999423 : i32
      %min3A_144 = vector.broadcast %min3A_143 : i32 to vector<16xi32>
      %min3A_145 = arith.minsi %add3A_142, %min3A_144 : vector<16xi32>
      %add3A_146 = arith.constant 32 : i32
      %add3A_147 = arith.addi %add3A_115, %add3A_146 : i32
      %swap3A_148 = arith.index_cast %add3A_147 : i32 to index
      %swap3A_149 = tpu.vector_load %arg11[%swap3A_148] {strides = array<i32>} : memref<13312xi32, #tpu.memory_space<vmem>>, vector<16xi32>,
      tpu.vector_store %arg11[%swap3A_148], %min3A_145 {strides = array<i32>} : memref<13312xi32, #tpu.memory_space<vmem>>, vector<16xi32>,
      %get3A_150 = arith.index_cast %add3A_109 : i32 to index
      %get3A_151 = arith.constant 304 : index
      %get3A_152 = tpu.vector_load %arg9[%get3A_150, %get3A_151] {strides = array<i32>} : memref<26x512xi32, #tpu.memory_space<vmem>>, vector<16xi32>,
      %add3A_153 = vector.broadcast %mul3A_111 : i32 to vector<16xi32>
      %add3A_154 = arith.addi %get3A_152, %add3A_153 : vector<16xi32>
      %min3A_155 = arith.constant 999423 : i32
      %min3A_156 = vector.broadcast %min3A_155 : i32 to vector<16xi32>
      %min3A_157 = arith.minsi %add3A_154, %min3A_156 : vector<16xi32>
      %add3A_158 = arith.constant 48 : i32
      %add3A_159 = arith.addi %add3A_115, %add3A_158 : i32
      %swap3A_160 = arith.index_cast %add3A_159 : i32 to index
      %swap3A_161 = tpu.vector_load %arg11[%swap3A_160] {strides = array<i32>} : memref<13312xi32, #tpu.memory_space<vmem>>, vector<16xi32>,
      tpu.vector_store %arg11[%swap3A_160], %min3A_157 {strides = array<i32>} : memref<13312xi32, #tpu.memory_space<vmem>>, vector<16xi32>,
      %get3A_162 = arith.index_cast %add3A_109 : i32 to index
      %get3A_163 = arith.constant 320 : index
      %get3A_164 = tpu.vector_load %arg9[%get3A_162, %get3A_163] {strides = array<i32>} : memref<26x512xi32, #tpu.memory_space<vmem>>, vector<16xi32>,
      %add3A_165 = vector.broadcast %mul3A_111 : i32 to vector<16xi32>
      %add3A_166 = arith.addi %get3A_164, %add3A_165 : vector<16xi32>
      %min3A_167 = arith.constant 999423 : i32
      %min3A_168 = vector.broadcast %min3A_167 : i32 to vector<16xi32>
      %min3A_169 = arith.minsi %add3A_166, %min3A_168 : vector<16xi32>
      %add3A_170 = arith.constant 64 : i32
      %add3A_171 = arith.addi %add3A_115, %add3A_170 : i32
      %swap3A_172 = arith.index_cast %add3A_171 : i32 to index
      %swap3A_173 = tpu.vector_load %arg11[%swap3A_172] {strides = array<i32>} : memref<13312xi32, #tpu.memory_space<vmem>>, vector<16xi32>,
      tpu.vector_store %arg11[%swap3A_172], %min3A_169 {strides = array<i32>} : memref<13312xi32, #tpu.memory_space<vmem>>, vector<16xi32>,
      %get3A_174 = arith.index_cast %add3A_109 : i32 to index
      %get3A_175 = arith.constant 336 : index
      %get3A_176 = tpu.vector_load %arg9[%get3A_174, %get3A_175] {strides = array<i32>} : memref<26x512xi32, #tpu.memory_space<vmem>>, vector<16xi32>,
      %add3A_177 = vector.broadcast %mul3A_111 : i32 to vector<16xi32>
      %add3A_178 = arith.addi %get3A_176, %add3A_177 : vector<16xi32>
      %min3A_179 = arith.constant 999423 : i32
      %min3A_180 = vector.broadcast %min3A_179 : i32 to vector<16xi32>
      %min3A_181 = arith.minsi %add3A_178, %min3A_180 : vector<16xi32>
      %add3A_182 = arith.constant 80 : i32
      %add3A_183 = arith.addi %add3A_115, %add3A_182 : i32
      %swap3A_184 = arith.index_cast %add3A_183 : i32 to index
      %swap3A_185 = tpu.vector_load %arg11[%swap3A_184] {strides = array<i32>} : memref<13312xi32, #tpu.memory_space<vmem>>, vector<16xi32>,
      tpu.vector_store %arg11[%swap3A_184], %min3A_181 {strides = array<i32>} : memref<13312xi32, #tpu.memory_space<vmem>>, vector<16xi32>,
      %get3A_186 = arith.index_cast %add3A_109 : i32 to index
      %get3A_187 = arith.constant 352 : index
      %get3A_188 = tpu.vector_load %arg9[%get3A_186, %get3A_187] {strides = array<i32>} : memref<26x512xi32, #tpu.memory_space<vmem>>, vector<16xi32>,
      %add3A_189 = vector.broadcast %mul3A_111 : i32 to vector<16xi32>
      %add3A_190 = arith.addi %get3A_188, %add3A_189 : vector<16xi32>
      %min3A_191 = arith.constant 999423 : i32
      %min3A_192 = vector.broadcast %min3A_191 : i32 to vector<16xi32>
      %min3A_193 = arith.minsi %add3A_190, %min3A_192 : vector<16xi32>
      %add3A_194 = arith.constant 96 : i32
      %add3A_195 = arith.addi %add3A_115, %add3A_194 : i32
      %swap3A_196 = arith.index_cast %add3A_195 : i32 to index
      %swap3A_197 = tpu.vector_load %arg11[%swap3A_196] {strides = array<i32>} : memref<13312xi32, #tpu.memory_space<vmem>>, vector<16xi32>,
      tpu.vector_store %arg11[%swap3A_196], %min3A_193 {strides = array<i32>} : memref<13312xi32, #tpu.memory_space<vmem>>, vector<16xi32>,
      %get3A_198 = arith.index_cast %add3A_109 : i32 to index
      %get3A_199 = arith.constant 368 : index
      %get3A_200 = tpu.vector_load %arg9[%get3A_198, %get3A_199] {strides = array<i32>} : memref<26x512xi32, #tpu.memory_space<vmem>>, vector<16xi32>,
      %add3A_201 = vector.broadcast %mul3A_111 : i32 to vector<16xi32>
      %add3A_202 = arith.addi %get3A_200, %add3A_201 : vector<16xi32>
      %min3A_203 = arith.constant 999423 : i32
      %min3A_204 = vector.broadcast %min3A_203 : i32 to vector<16xi32>
      %min3A_205 = arith.minsi %add3A_202, %min3A_204 : vector<16xi32>
      %add3A_206 = arith.constant 112 : i32
      %add3A_207 = arith.addi %add3A_115, %add3A_206 : i32
      %swap3A_208 = arith.index_cast %add3A_207 : i32 to index
      %swap3A_209 = tpu.vector_load %arg11[%swap3A_208] {strides = array<i32>} : memref<13312xi32, #tpu.memory_space<vmem>>, vector<16xi32>,
      tpu.vector_store %arg11[%swap3A_208], %min3A_205 {strides = array<i32>} : memref<13312xi32, #tpu.memory_space<vmem>>, vector<16xi32>,
      %dma_start3A_210 = tpu.memref_slice %arg12[%add3A_115] : memref<13312xf32, #tpu.memory_space<vmem>> -> memref<128xf32, #tpu.memory_space<vmem>>
      %dma_start3A_211 = tpu.memref_slice %arg11[%add3A_115] : memref<13312xi32, #tpu.memory_space<vmem>> -> memref<128xi32, #tpu.memory_space<vmem>>
      %dma_start3A_212 = arith.constant 0 : i32
      %dma_start3A_213 = tpu.memref_slice %arg4[%dma_start3A_212] : memref<999424xf32, #tpu.memory_space<hbm>> -> memref<999424xf32, #tpu.memory_space<hbm>>
      tpu.enqueue_indirect_dma source(%dma_start3A_213 : memref<999424xf32, #tpu.memory_space<hbm>>) target(%dma_start3A_210 : memref<128xf32, #tpu.memory_space<vmem>>) offsets(%dma_start3A_211 : memref<128xi32, #tpu.memory_space<vmem>>) semaphore(%arg21 : memref<!tpu.dma_semaphore, #tpu.memory_space<semaphore_mem>>)
    }
    %scan3A_26 = arith.constant 26 : i32
    %scan3A_27 = arith.constant 0 : i32
    %scan3A_28 = arith.constant 26 : i32
    %scan3A_29 = arith.addi %scan3A_27, %scan3A_28 : i32
    %scan3A_30 = arith.constant 1 : i32
    scf.for %scan3A_105 = %scan3A_27 to %scan3A_29 step %scan3A_30  : i32 {
      %mul3A_106 = arith.constant 1 : i32
      %mul3A_107 = arith.muli %scan3A_105, %mul3A_106 : i32
      %add3A_108 = arith.constant 0 : i32
      %add3A_109 = arith.addi %add3A_108, %mul3A_107 : i32
      %mul3A_110 = arith.constant 38461 : i32
      %mul3A_111 = arith.muli %add3A_109, %mul3A_110 : i32
      %mul3A_112 = arith.constant 512 : i32
      %mul3A_113 = arith.muli %add3A_109, %mul3A_112 : i32
      %add3A_114 = arith.constant 384 : i32
      %add3A_115 = arith.addi %mul3A_113, %add3A_114 : i32
      %get3A_116 = arith.index_cast %add3A_109 : i32 to index
      %get3A_117 = arith.constant 384 : index
      %get3A_118 = tpu.vector_load %arg9[%get3A_116, %get3A_117] {strides = array<i32>} : memref<26x512xi32, #tpu.memory_space<vmem>>, vector<16xi32>,
      %add3A_119 = vector.broadcast %mul3A_111 : i32 to vector<16xi32>
      %add3A_120 = arith.addi %get3A_118, %add3A_119 : vector<16xi32>
      %min3A = arith.constant 999423 : i32
      %min3A_121 = vector.broadcast %min3A : i32 to vector<16xi32>
      %min3A_122 = arith.minsi %add3A_120, %min3A_121 : vector<16xi32>
      %add3A_123 = arith.constant 0 : i32
      %add3A_124 = arith.addi %add3A_115, %add3A_123 : i32
      %swap3A = arith.index_cast %add3A_124 : i32 to index
      %swap3A_125 = tpu.vector_load %arg11[%swap3A] {strides = array<i32>} : memref<13312xi32, #tpu.memory_space<vmem>>, vector<16xi32>,
      tpu.vector_store %arg11[%swap3A], %min3A_122 {strides = array<i32>} : memref<13312xi32, #tpu.memory_space<vmem>>, vector<16xi32>,
      %get3A_126 = arith.index_cast %add3A_109 : i32 to index
      %get3A_127 = arith.constant 400 : index
      %get3A_128 = tpu.vector_load %arg9[%get3A_126, %get3A_127] {strides = array<i32>} : memref<26x512xi32, #tpu.memory_space<vmem>>, vector<16xi32>,
      %add3A_129 = vector.broadcast %mul3A_111 : i32 to vector<16xi32>
      %add3A_130 = arith.addi %get3A_128, %add3A_129 : vector<16xi32>
      %min3A_131 = arith.constant 999423 : i32
      %min3A_132 = vector.broadcast %min3A_131 : i32 to vector<16xi32>
      %min3A_133 = arith.minsi %add3A_130, %min3A_132 : vector<16xi32>
      %add3A_134 = arith.constant 16 : i32
      %add3A_135 = arith.addi %add3A_115, %add3A_134 : i32
      %swap3A_136 = arith.index_cast %add3A_135 : i32 to index
      %swap3A_137 = tpu.vector_load %arg11[%swap3A_136] {strides = array<i32>} : memref<13312xi32, #tpu.memory_space<vmem>>, vector<16xi32>,
      tpu.vector_store %arg11[%swap3A_136], %min3A_133 {strides = array<i32>} : memref<13312xi32, #tpu.memory_space<vmem>>, vector<16xi32>,
      %get3A_138 = arith.index_cast %add3A_109 : i32 to index
      %get3A_139 = arith.constant 416 : index
      %get3A_140 = tpu.vector_load %arg9[%get3A_138, %get3A_139] {strides = array<i32>} : memref<26x512xi32, #tpu.memory_space<vmem>>, vector<16xi32>,
      %add3A_141 = vector.broadcast %mul3A_111 : i32 to vector<16xi32>
      %add3A_142 = arith.addi %get3A_140, %add3A_141 : vector<16xi32>
      %min3A_143 = arith.constant 999423 : i32
      %min3A_144 = vector.broadcast %min3A_143 : i32 to vector<16xi32>
      %min3A_145 = arith.minsi %add3A_142, %min3A_144 : vector<16xi32>
      %add3A_146 = arith.constant 32 : i32
      %add3A_147 = arith.addi %add3A_115, %add3A_146 : i32
      %swap3A_148 = arith.index_cast %add3A_147 : i32 to index
      %swap3A_149 = tpu.vector_load %arg11[%swap3A_148] {strides = array<i32>} : memref<13312xi32, #tpu.memory_space<vmem>>, vector<16xi32>,
      tpu.vector_store %arg11[%swap3A_148], %min3A_145 {strides = array<i32>} : memref<13312xi32, #tpu.memory_space<vmem>>, vector<16xi32>,
      %get3A_150 = arith.index_cast %add3A_109 : i32 to index
      %get3A_151 = arith.constant 432 : index
      %get3A_152 = tpu.vector_load %arg9[%get3A_150, %get3A_151] {strides = array<i32>} : memref<26x512xi32, #tpu.memory_space<vmem>>, vector<16xi32>,
      %add3A_153 = vector.broadcast %mul3A_111 : i32 to vector<16xi32>
      %add3A_154 = arith.addi %get3A_152, %add3A_153 : vector<16xi32>
      %min3A_155 = arith.constant 999423 : i32
      %min3A_156 = vector.broadcast %min3A_155 : i32 to vector<16xi32>
      %min3A_157 = arith.minsi %add3A_154, %min3A_156 : vector<16xi32>
      %add3A_158 = arith.constant 48 : i32
      %add3A_159 = arith.addi %add3A_115, %add3A_158 : i32
      %swap3A_160 = arith.index_cast %add3A_159 : i32 to index
      %swap3A_161 = tpu.vector_load %arg11[%swap3A_160] {strides = array<i32>} : memref<13312xi32, #tpu.memory_space<vmem>>, vector<16xi32>,
      tpu.vector_store %arg11[%swap3A_160], %min3A_157 {strides = array<i32>} : memref<13312xi32, #tpu.memory_space<vmem>>, vector<16xi32>,
      %get3A_162 = arith.index_cast %add3A_109 : i32 to index
      %get3A_163 = arith.constant 448 : index
      %get3A_164 = tpu.vector_load %arg9[%get3A_162, %get3A_163] {strides = array<i32>} : memref<26x512xi32, #tpu.memory_space<vmem>>, vector<16xi32>,
      %add3A_165 = vector.broadcast %mul3A_111 : i32 to vector<16xi32>
      %add3A_166 = arith.addi %get3A_164, %add3A_165 : vector<16xi32>
      %min3A_167 = arith.constant 999423 : i32
      %min3A_168 = vector.broadcast %min3A_167 : i32 to vector<16xi32>
      %min3A_169 = arith.minsi %add3A_166, %min3A_168 : vector<16xi32>
      %add3A_170 = arith.constant 64 : i32
      %add3A_171 = arith.addi %add3A_115, %add3A_170 : i32
      %swap3A_172 = arith.index_cast %add3A_171 : i32 to index
      %swap3A_173 = tpu.vector_load %arg11[%swap3A_172] {strides = array<i32>} : memref<13312xi32, #tpu.memory_space<vmem>>, vector<16xi32>,
      tpu.vector_store %arg11[%swap3A_172], %min3A_169 {strides = array<i32>} : memref<13312xi32, #tpu.memory_space<vmem>>, vector<16xi32>,
      %get3A_174 = arith.index_cast %add3A_109 : i32 to index
      %get3A_175 = arith.constant 464 : index
      %get3A_176 = tpu.vector_load %arg9[%get3A_174, %get3A_175] {strides = array<i32>} : memref<26x512xi32, #tpu.memory_space<vmem>>, vector<16xi32>,
      %add3A_177 = vector.broadcast %mul3A_111 : i32 to vector<16xi32>
      %add3A_178 = arith.addi %get3A_176, %add3A_177 : vector<16xi32>
      %min3A_179 = arith.constant 999423 : i32
      %min3A_180 = vector.broadcast %min3A_179 : i32 to vector<16xi32>
      %min3A_181 = arith.minsi %add3A_178, %min3A_180 : vector<16xi32>
      %add3A_182 = arith.constant 80 : i32
      %add3A_183 = arith.addi %add3A_115, %add3A_182 : i32
      %swap3A_184 = arith.index_cast %add3A_183 : i32 to index
      %swap3A_185 = tpu.vector_load %arg11[%swap3A_184] {strides = array<i32>} : memref<13312xi32, #tpu.memory_space<vmem>>, vector<16xi32>,
      tpu.vector_store %arg11[%swap3A_184], %min3A_181 {strides = array<i32>} : memref<13312xi32, #tpu.memory_space<vmem>>, vector<16xi32>,
      %get3A_186 = arith.index_cast %add3A_109 : i32 to index
      %get3A_187 = arith.constant 480 : index
      %get3A_188 = tpu.vector_load %arg9[%get3A_186, %get3A_187] {strides = array<i32>} : memref<26x512xi32, #tpu.memory_space<vmem>>, vector<16xi32>,
      %add3A_189 = vector.broadcast %mul3A_111 : i32 to vector<16xi32>
      %add3A_190 = arith.addi %get3A_188, %add3A_189 : vector<16xi32>
      %min3A_191 = arith.constant 999423 : i32
      %min3A_192 = vector.broadcast %min3A_191 : i32 to vector<16xi32>
      %min3A_193 = arith.minsi %add3A_190, %min3A_192 : vector<16xi32>
      %add3A_194 = arith.constant 96 : i32
      %add3A_195 = arith.addi %add3A_115, %add3A_194 : i32
      %swap3A_196 = arith.index_cast %add3A_195 : i32 to index
      %swap3A_197 = tpu.vector_load %arg11[%swap3A_196] {strides = array<i32>} : memref<13312xi32, #tpu.memory_space<vmem>>, vector<16xi32>,
      tpu.vector_store %arg11[%swap3A_196], %min3A_193 {strides = array<i32>} : memref<13312xi32, #tpu.memory_space<vmem>>, vector<16xi32>,
      %get3A_198 = arith.index_cast %add3A_109 : i32 to index
      %get3A_199 = arith.constant 496 : index
      %get3A_200 = tpu.vector_load %arg9[%get3A_198, %get3A_199] {strides = array<i32>} : memref<26x512xi32, #tpu.memory_space<vmem>>, vector<16xi32>,
      %add3A_201 = vector.broadcast %mul3A_111 : i32 to vector<16xi32>
      %add3A_202 = arith.addi %get3A_200, %add3A_201 : vector<16xi32>
      %min3A_203 = arith.constant 999423 : i32
      %min3A_204 = vector.broadcast %min3A_203 : i32 to vector<16xi32>
      %min3A_205 = arith.minsi %add3A_202, %min3A_204 : vector<16xi32>
      %add3A_206 = arith.constant 112 : i32
      %add3A_207 = arith.addi %add3A_115, %add3A_206 : i32
      %swap3A_208 = arith.index_cast %add3A_207 : i32 to index
      %swap3A_209 = tpu.vector_load %arg11[%swap3A_208] {strides = array<i32>} : memref<13312xi32, #tpu.memory_space<vmem>>, vector<16xi32>,
      tpu.vector_store %arg11[%swap3A_208], %min3A_205 {strides = array<i32>} : memref<13312xi32, #tpu.memory_space<vmem>>, vector<16xi32>,
      %dma_start3A_210 = tpu.memref_slice %arg12[%add3A_115] : memref<13312xf32, #tpu.memory_space<vmem>> -> memref<128xf32, #tpu.memory_space<vmem>>
      %dma_start3A_211 = tpu.memref_slice %arg11[%add3A_115] : memref<13312xi32, #tpu.memory_space<vmem>> -> memref<128xi32, #tpu.memory_space<vmem>>
      %dma_start3A_212 = arith.constant 0 : i32
      %dma_start3A_213 = tpu.memref_slice %arg4[%dma_start3A_212] : memref<999424xf32, #tpu.memory_space<hbm>> -> memref<999424xf32, #tpu.memory_space<hbm>>
      tpu.enqueue_indirect_dma source(%dma_start3A_213 : memref<999424xf32, #tpu.memory_space<hbm>>) target(%dma_start3A_210 : memref<128xf32, #tpu.memory_space<vmem>>) offsets(%dma_start3A_211 : memref<128xi32, #tpu.memory_space<vmem>>) semaphore(%arg22 : memref<!tpu.dma_semaphore, #tpu.memory_space<semaphore_mem>>)
    }
    %scan3A_31 = arith.constant 26 : i32
    %get3A = arith.constant 0 : index
    %get3A_32 = tpu.vector_load %arg14[%get3A] {strides = array<i32>} : memref<16xf32, #tpu.memory_space<vmem>>, vector<16xf32>,
    %slice3A = vector.extract_strided_slice %get3A_32 {offsets = [0], sizes = [1], strides = [1]} : vector<16xf32> to vector<1xf32>
    %squeeze3A = vector.extract %slice3A[0] : f32 from vector<1xf32>
    %slice3A_33 = vector.extract_strided_slice %get3A_32 {offsets = [1], sizes = [1], strides = [1]} : vector<16xf32> to vector<1xf32>
    %squeeze3A_34 = vector.extract %slice3A_33[0] : f32 from vector<1xf32>
    %slice3A_35 = vector.extract_strided_slice %get3A_32 {offsets = [2], sizes = [1], strides = [1]} : vector<16xf32> to vector<1xf32>
    %squeeze3A_36 = vector.extract %slice3A_35[0] : f32 from vector<1xf32>
    %slice3A_37 = vector.extract_strided_slice %get3A_32 {offsets = [3], sizes = [1], strides = [1]} : vector<16xf32> to vector<1xf32>
    %squeeze3A_38 = vector.extract %slice3A_37[0] : f32 from vector<1xf32>
    %slice3A_39 = vector.extract_strided_slice %get3A_32 {offsets = [4], sizes = [1], strides = [1]} : vector<16xf32> to vector<1xf32>
    %squeeze3A_40 = vector.extract %slice3A_39[0] : f32 from vector<1xf32>
    %slice3A_41 = vector.extract_strided_slice %get3A_32 {offsets = [5], sizes = [1], strides = [1]} : vector<16xf32> to vector<1xf32>
    %squeeze3A_42 = vector.extract %slice3A_41[0] : f32 from vector<1xf32>
    %slice3A_43 = vector.extract_strided_slice %get3A_32 {offsets = [6], sizes = [1], strides = [1]} : vector<16xf32> to vector<1xf32>
    %squeeze3A_44 = vector.extract %slice3A_43[0] : f32 from vector<1xf32>
    %slice3A_45 = vector.extract_strided_slice %get3A_32 {offsets = [7], sizes = [1], strides = [1]} : vector<16xf32> to vector<1xf32>
    %squeeze3A_46 = vector.extract %slice3A_45[0] : f32 from vector<1xf32>
    %slice3A_47 = vector.extract_strided_slice %get3A_32 {offsets = [8], sizes = [1], strides = [1]} : vector<16xf32> to vector<1xf32>
    %squeeze3A_48 = vector.extract %slice3A_47[0] : f32 from vector<1xf32>
    %slice3A_49 = vector.extract_strided_slice %get3A_32 {offsets = [9], sizes = [1], strides = [1]} : vector<16xf32> to vector<1xf32>
    %squeeze3A_50 = vector.extract %slice3A_49[0] : f32 from vector<1xf32>
    %slice3A_51 = vector.extract_strided_slice %get3A_32 {offsets = [10], sizes = [1], strides = [1]} : vector<16xf32> to vector<1xf32>
    %squeeze3A_52 = vector.extract %slice3A_51[0] : f32 from vector<1xf32>
    %slice3A_53 = vector.extract_strided_slice %get3A_32 {offsets = [11], sizes = [1], strides = [1]} : vector<16xf32> to vector<1xf32>
    %squeeze3A_54 = vector.extract %slice3A_53[0] : f32 from vector<1xf32>
    %slice3A_55 = vector.extract_strided_slice %get3A_32 {offsets = [12], sizes = [1], strides = [1]} : vector<16xf32> to vector<1xf32>
    %squeeze3A_56 = vector.extract %slice3A_55[0] : f32 from vector<1xf32>
    %get3A_57 = arith.constant 0 : index
    %get3A_58 = tpu.vector_load %arg15[%get3A_57] {strides = array<i32>} : memref<16xf32, #tpu.memory_space<vmem>>, vector<16xf32>,
    %slice3A_59 = vector.extract_strided_slice %get3A_58 {offsets = [0], sizes = [1], strides = [1]} : vector<16xf32> to vector<1xf32>
    %squeeze3A_60 = vector.extract %slice3A_59[0] : f32 from vector<1xf32>
    %dma_wait3A_61 = arith.constant 0 : i32
    %dma_wait3A_62 = tpu.memref_slice %arg3[%dma_wait3A_61, %mul3A_2] : memref<13x16384xf32, #tpu.memory_space<hbm>> -> memref<13x512xf32, #tpu.memory_space<hbm>>
    %dma_wait3A_63 = arith.constant 0 : i32
    %dma_wait3A_64 = tpu.memref_slice %arg3[%dma_wait3A_63, %mul3A_2] : memref<13x16384xf32, #tpu.memory_space<hbm>> -> memref<13x512xf32, #tpu.memory_space<hbm>>
    tpu.wait_dma2 semaphore(%arg18 : memref<!tpu.dma_semaphore, #tpu.memory_space<semaphore_mem>>) src(%dma_wait3A_64 : memref<13x512xf32, #tpu.memory_space<hbm>>) dst(%arg10 : memref<13x512xf32, #tpu.memory_space<vmem>>)
    %scan3A_65 = arith.constant 0 : i32
    %scan3A_66 = arith.constant 26 : i32
    %scan3A_67 = arith.addi %scan3A_65, %scan3A_66 : i32
    %scan3A_68 = arith.constant 1 : i32
    scf.for %scan3A_105 = %scan3A_65 to %scan3A_67 step %scan3A_68  : i32 {
      %mul3A_106 = arith.constant 1 : i32
      %mul3A_107 = arith.muli %scan3A_105, %mul3A_106 : i32
      %add3A_108 = arith.constant 0 : i32
      %add3A_109 = arith.addi %add3A_108, %mul3A_107 : i32
      %mul3A_110 = arith.constant 512 : i32
      %mul3A_111 = arith.muli %add3A_109, %mul3A_110 : i32
      %add3A_112 = arith.constant 0 : i32
      %add3A_113 = arith.addi %mul3A_111, %add3A_112 : i32
      %dma_wait3A_114 = tpu.memref_slice %arg12[%add3A_113] : memref<13312xf32, #tpu.memory_space<vmem>> -> memref<128xf32, #tpu.memory_space<vmem>>
      %dma_wait3A_115 = tpu.memref_slice %arg11[%add3A_113] : memref<13312xi32, #tpu.memory_space<vmem>> -> memref<128xi32, #tpu.memory_space<vmem>>
      %dma_wait3A_116 = arith.constant 0 : i32
      %dma_wait3A_117 = tpu.memref_slice %arg4[%dma_wait3A_116] : memref<999424xf32, #tpu.memory_space<hbm>> -> memref<999424xf32, #tpu.memory_space<hbm>>
      tpu.wait_indirect_dma semaphore(%arg19 : memref<!tpu.dma_semaphore, #tpu.memory_space<semaphore_mem>>) src(%dma_wait3A_117 : memref<999424xf32, #tpu.memory_space<hbm>>) dst(%dma_wait3A_114 : memref<128xf32, #tpu.memory_space<vmem>>)
    }
    %scan3A_69 = arith.constant 26 : i32
    %scan3A_70 = arith.constant 0 : i32
    %scan3A_71 = arith.constant 8 : i32
    %scan3A_72 = arith.addi %scan3A_70, %scan3A_71 : i32
    %scan3A_73 = arith.constant 1 : i32
    scf.for %scan3A_105 = %scan3A_70 to %scan3A_72 step %scan3A_73  : i32 {
      %mul3A_106 = arith.constant 1 : i32
      %mul3A_107 = arith.muli %scan3A_105, %mul3A_106 : i32
      %add3A_108 = arith.constant 0 : i32
      %add3A_109 = arith.addi %add3A_108, %mul3A_107 : i32
      %mul3A_110 = arith.constant 16 : i32
      %mul3A_111 = arith.muli %add3A_109, %mul3A_110 : i32
      %add3A_112 = arith.constant 0 : i32
      %add3A_113 = arith.addi %add3A_112, %mul3A_111 : i32
      %broadcast_in_dim3A = vector.broadcast %squeeze3A_60 : f32 to vector<16xf32>
      %add3A_114 = arith.constant 0 : i32
      %add3A_115 = arith.addi %add3A_113, %add3A_114 : i32
      %get3A_116 = arith.index_cast %add3A_115 : i32 to index
      %get3A_117 = tpu.vector_load %arg12[%get3A_116] {strides = array<i32>} : memref<13312xf32, #tpu.memory_space<vmem>>, vector<16xf32>,
      %add3A_118 = arith.addf %broadcast_in_dim3A, %get3A_117 : vector<16xf32>
      %add3A_119 = arith.constant 512 : i32
      %add3A_120 = arith.addi %add3A_113, %add3A_119 : i32
      %get3A_121 = arith.index_cast %add3A_120 : i32 to index
      %get3A_122 = tpu.vector_load %arg12[%get3A_121] {strides = array<i32>} : memref<13312xf32, #tpu.memory_space<vmem>>, vector<16xf32>,
      %add3A_123 = arith.addf %add3A_118, %get3A_122 : vector<16xf32>
      %add3A_124 = arith.constant 1024 : i32
      %add3A_125 = arith.addi %add3A_113, %add3A_124 : i32
      %get3A_126 = arith.index_cast %add3A_125 : i32 to index
      %get3A_127 = tpu.vector_load %arg12[%get3A_126] {strides = array<i32>} : memref<13312xf32, #tpu.memory_space<vmem>>, vector<16xf32>,
      %add3A_128 = arith.addf %add3A_123, %get3A_127 : vector<16xf32>
      %add3A_129 = arith.constant 1536 : i32
      %add3A_130 = arith.addi %add3A_113, %add3A_129 : i32
      %get3A_131 = arith.index_cast %add3A_130 : i32 to index
      %get3A_132 = tpu.vector_load %arg12[%get3A_131] {strides = array<i32>} : memref<13312xf32, #tpu.memory_space<vmem>>, vector<16xf32>,
      %add3A_133 = arith.addf %add3A_128, %get3A_132 : vector<16xf32>
      %add3A_134 = arith.constant 2048 : i32
      %add3A_135 = arith.addi %add3A_113, %add3A_134 : i32
      %get3A_136 = arith.index_cast %add3A_135 : i32 to index
      %get3A_137 = tpu.vector_load %arg12[%get3A_136] {strides = array<i32>} : memref<13312xf32, #tpu.memory_space<vmem>>, vector<16xf32>,
      %add3A_138 = arith.addf %add3A_133, %get3A_137 : vector<16xf32>
      %add3A_139 = arith.constant 2560 : i32
      %add3A_140 = arith.addi %add3A_113, %add3A_139 : i32
      %get3A_141 = arith.index_cast %add3A_140 : i32 to index
      %get3A_142 = tpu.vector_load %arg12[%get3A_141] {strides = array<i32>} : memref<13312xf32, #tpu.memory_space<vmem>>, vector<16xf32>,
      %add3A_143 = arith.addf %add3A_138, %get3A_142 : vector<16xf32>
      %add3A_144 = arith.constant 3072 : i32
      %add3A_145 = arith.addi %add3A_113, %add3A_144 : i32
      %get3A_146 = arith.index_cast %add3A_145 : i32 to index
      %get3A_147 = tpu.vector_load %arg12[%get3A_146] {strides = array<i32>} : memref<13312xf32, #tpu.memory_space<vmem>>, vector<16xf32>,
      %add3A_148 = arith.addf %add3A_143, %get3A_147 : vector<16xf32>
      %add3A_149 = arith.constant 3584 : i32
      %add3A_150 = arith.addi %add3A_113, %add3A_149 : i32
      %get3A_151 = arith.index_cast %add3A_150 : i32 to index
      %get3A_152 = tpu.vector_load %arg12[%get3A_151] {strides = array<i32>} : memref<13312xf32, #tpu.memory_space<vmem>>, vector<16xf32>,
      %add3A_153 = arith.addf %add3A_148, %get3A_152 : vector<16xf32>
      %add3A_154 = arith.constant 4096 : i32
      %add3A_155 = arith.addi %add3A_113, %add3A_154 : i32
      %get3A_156 = arith.index_cast %add3A_155 : i32 to index
      %get3A_157 = tpu.vector_load %arg12[%get3A_156] {strides = array<i32>} : memref<13312xf32, #tpu.memory_space<vmem>>, vector<16xf32>,
      %add3A_158 = arith.addf %add3A_153, %get3A_157 : vector<16xf32>
      %add3A_159 = arith.constant 4608 : i32
      %add3A_160 = arith.addi %add3A_113, %add3A_159 : i32
      %get3A_161 = arith.index_cast %add3A_160 : i32 to index
      %get3A_162 = tpu.vector_load %arg12[%get3A_161] {strides = array<i32>} : memref<13312xf32, #tpu.memory_space<vmem>>, vector<16xf32>,
      %add3A_163 = arith.addf %add3A_158, %get3A_162 : vector<16xf32>
      %add3A_164 = arith.constant 5120 : i32
      %add3A_165 = arith.addi %add3A_113, %add3A_164 : i32
      %get3A_166 = arith.index_cast %add3A_165 : i32 to index
      %get3A_167 = tpu.vector_load %arg12[%get3A_166] {strides = array<i32>} : memref<13312xf32, #tpu.memory_space<vmem>>, vector<16xf32>,
      %add3A_168 = arith.addf %add3A_163, %get3A_167 : vector<16xf32>
      %add3A_169 = arith.constant 5632 : i32
      %add3A_170 = arith.addi %add3A_113, %add3A_169 : i32
      %get3A_171 = arith.index_cast %add3A_170 : i32 to index
      %get3A_172 = tpu.vector_load %arg12[%get3A_171] {strides = array<i32>} : memref<13312xf32, #tpu.memory_space<vmem>>, vector<16xf32>,
      %add3A_173 = arith.addf %add3A_168, %get3A_172 : vector<16xf32>
      %add3A_174 = arith.constant 6144 : i32
      %add3A_175 = arith.addi %add3A_113, %add3A_174 : i32
      %get3A_176 = arith.index_cast %add3A_175 : i32 to index
      %get3A_177 = tpu.vector_load %arg12[%get3A_176] {strides = array<i32>} : memref<13312xf32, #tpu.memory_space<vmem>>, vector<16xf32>,
      %add3A_178 = arith.addf %add3A_173, %get3A_177 : vector<16xf32>
      %add3A_179 = arith.constant 6656 : i32
      %add3A_180 = arith.addi %add3A_113, %add3A_179 : i32
      %get3A_181 = arith.index_cast %add3A_180 : i32 to index
      %get3A_182 = tpu.vector_load %arg12[%get3A_181] {strides = array<i32>} : memref<13312xf32, #tpu.memory_space<vmem>>, vector<16xf32>,
      %add3A_183 = arith.addf %add3A_178, %get3A_182 : vector<16xf32>
      %add3A_184 = arith.constant 7168 : i32
      %add3A_185 = arith.addi %add3A_113, %add3A_184 : i32
      %get3A_186 = arith.index_cast %add3A_185 : i32 to index
      %get3A_187 = tpu.vector_load %arg12[%get3A_186] {strides = array<i32>} : memref<13312xf32, #tpu.memory_space<vmem>>, vector<16xf32>,
      %add3A_188 = arith.addf %add3A_183, %get3A_187 : vector<16xf32>
      %add3A_189 = arith.constant 7680 : i32
      %add3A_190 = arith.addi %add3A_113, %add3A_189 : i32
      %get3A_191 = arith.index_cast %add3A_190 : i32 to index
      %get3A_192 = tpu.vector_load %arg12[%get3A_191] {strides = array<i32>} : memref<13312xf32, #tpu.memory_space<vmem>>, vector<16xf32>,
      %add3A_193 = arith.addf %add3A_188, %get3A_192 : vector<16xf32>
      %add3A_194 = arith.constant 8192 : i32
      %add3A_195 = arith.addi %add3A_113, %add3A_194 : i32
      %get3A_196 = arith.index_cast %add3A_195 : i32 to index
      %get3A_197 = tpu.vector_load %arg12[%get3A_196] {strides = array<i32>} : memref<13312xf32, #tpu.memory_space<vmem>>, vector<16xf32>,
      %add3A_198 = arith.addf %add3A_193, %get3A_197 : vector<16xf32>
      %add3A_199 = arith.constant 8704 : i32
      %add3A_200 = arith.addi %add3A_113, %add3A_199 : i32
      %get3A_201 = arith.index_cast %add3A_200 : i32 to index
      %get3A_202 = tpu.vector_load %arg12[%get3A_201] {strides = array<i32>} : memref<13312xf32, #tpu.memory_space<vmem>>, vector<16xf32>,
      %add3A_203 = arith.addf %add3A_198, %get3A_202 : vector<16xf32>
      %add3A_204 = arith.constant 9216 : i32
      %add3A_205 = arith.addi %add3A_113, %add3A_204 : i32
      %get3A_206 = arith.index_cast %add3A_205 : i32 to index
      %get3A_207 = tpu.vector_load %arg12[%get3A_206] {strides = array<i32>} : memref<13312xf32, #tpu.memory_space<vmem>>, vector<16xf32>,
      %add3A_208 = arith.addf %add3A_203, %get3A_207 : vector<16xf32>
      %add3A_209 = arith.constant 9728 : i32
      %add3A_210 = arith.addi %add3A_113, %add3A_209 : i32
      %get3A_211 = arith.index_cast %add3A_210 : i32 to index
      %get3A_212 = tpu.vector_load %arg12[%get3A_211] {strides = array<i32>} : memref<13312xf32, #tpu.memory_space<vmem>>, vector<16xf32>,
      %add3A_213 = arith.addf %add3A_208, %get3A_212 : vector<16xf32>
      %add3A_214 = arith.constant 10240 : i32
      %add3A_215 = arith.addi %add3A_113, %add3A_214 : i32
      %get3A_216 = arith.index_cast %add3A_215 : i32 to index
      %get3A_217 = tpu.vector_load %arg12[%get3A_216] {strides = array<i32>} : memref<13312xf32, #tpu.memory_space<vmem>>, vector<16xf32>,
      %add3A_218 = arith.addf %add3A_213, %get3A_217 : vector<16xf32>
      %add3A_219 = arith.constant 10752 : i32
      %add3A_220 = arith.addi %add3A_113, %add3A_219 : i32
      %get3A_221 = arith.index_cast %add3A_220 : i32 to index
      %get3A_222 = tpu.vector_load %arg12[%get3A_221] {strides = array<i32>} : memref<13312xf32, #tpu.memory_space<vmem>>, vector<16xf32>,
      %add3A_223 = arith.addf %add3A_218, %get3A_222 : vector<16xf32>
      %add3A_224 = arith.constant 11264 : i32
      %add3A_225 = arith.addi %add3A_113, %add3A_224 : i32
      %get3A_226 = arith.index_cast %add3A_225 : i32 to index
      %get3A_227 = tpu.vector_load %arg12[%get3A_226] {strides = array<i32>} : memref<13312xf32, #tpu.memory_space<vmem>>, vector<16xf32>,
      %add3A_228 = arith.addf %add3A_223, %get3A_227 : vector<16xf32>
      %add3A_229 = arith.constant 11776 : i32
      %add3A_230 = arith.addi %add3A_113, %add3A_229 : i32
      %get3A_231 = arith.index_cast %add3A_230 : i32 to index
      %get3A_232 = tpu.vector_load %arg12[%get3A_231] {strides = array<i32>} : memref<13312xf32, #tpu.memory_space<vmem>>, vector<16xf32>,
      %add3A_233 = arith.addf %add3A_228, %get3A_232 : vector<16xf32>
      %add3A_234 = arith.constant 12288 : i32
      %add3A_235 = arith.addi %add3A_113, %add3A_234 : i32
      %get3A_236 = arith.index_cast %add3A_235 : i32 to index
      %get3A_237 = tpu.vector_load %arg12[%get3A_236] {strides = array<i32>} : memref<13312xf32, #tpu.memory_space<vmem>>, vector<16xf32>,
      %add3A_238 = arith.addf %add3A_233, %get3A_237 : vector<16xf32>
      %get3A_239 = arith.constant 25 : i32
      %get3A_240 = arith.index_cast %get3A_239 : i32 to index
      %get3A_241 = arith.index_cast %add3A_113 : i32 to index
      %get3A_242 = tpu.vector_load %arg9[%get3A_240, %get3A_241] {strides = array<i32>} : memref<26x512xi32, #tpu.memory_space<vmem>>, vector<16xi32>,
      %add3A_243 = arith.constant 961525 : i32
      %add3A_244 = vector.broadcast %add3A_243 : i32 to vector<16xi32>
      %add3A_245 = arith.addi %get3A_242, %add3A_244 : vector<16xi32>
      %sub3A = arith.constant 999424 : i32
      %sub3A_246 = vector.broadcast %sub3A : i32 to vector<16xi32>
      %sub3A_247 = arith.subi %add3A_245, %sub3A_246 : vector<16xi32>
      %jit3A = arith.constant 0 : i32
      %jit3A_248 = arith.constant 1023 : i32
      %max3A = vector.broadcast %jit3A : i32 to vector<16xi32>
      %max3A_249 = arith.maxsi %max3A, %sub3A_247 : vector<16xi32>
      %min3A = vector.broadcast %jit3A_248 : i32 to vector<16xi32>
      %min3A_250 = arith.minsi %min3A, %max3A_249 : vector<16xi32>
      %gather3A = tpu.vector_load_idx %arg13[%min3A_250] : memref<1024xf32, #tpu.memory_space<vmem>>[vector<16xi32>], vector<16xf32>,
      %add3A_251 = arith.constant 12800 : i32
      %add3A_252 = arith.addi %add3A_113, %add3A_251 : i32
      %get3A_253 = arith.index_cast %add3A_252 : i32 to index
      %get3A_254 = tpu.vector_load %arg12[%get3A_253] {strides = array<i32>} : memref<13312xf32, #tpu.memory_space<vmem>>, vector<16xf32>,
      %ge3A = arith.constant 999424 : i32
      %ge3A_255 = vector.broadcast %ge3A : i32 to vector<16xi32>
      %ge3A_256 = arith.cmpi sge, %add3A_245, %ge3A_255 : vector<16xi32>
      %select_n3A = arith.select %ge3A_256, %gather3A, %get3A_254 : vector<16xi1>, vector<16xf32>
      %add3A_257 = arith.addf %add3A_238, %select_n3A : vector<16xf32>
      %get3A_258 = arith.constant 0 : i32
      %get3A_259 = arith.index_cast %get3A_258 : i32 to index
      %get3A_260 = arith.index_cast %add3A_113 : i32 to index
      %get3A_261 = tpu.vector_load %arg10[%get3A_259, %get3A_260] {strides = array<i32>} : memref<13x512xf32, #tpu.memory_space<vmem>>, vector<16xf32>,
      %mul3A_262 = vector.broadcast %squeeze3A : f32 to vector<16xf32>
      %mul3A_263 = arith.mulf %get3A_261, %mul3A_262 : vector<16xf32>
      %add3A_264 = arith.addf %add3A_257, %mul3A_263 : vector<16xf32>
      %get3A_265 = arith.constant 1 : i32
      %get3A_266 = arith.index_cast %get3A_265 : i32 to index
      %get3A_267 = arith.index_cast %add3A_113 : i32 to index
      %get3A_268 = tpu.vector_load %arg10[%get3A_266, %get3A_267] {strides = array<i32>} : memref<13x512xf32, #tpu.memory_space<vmem>>, vector<16xf32>,
      %mul3A_269 = vector.broadcast %squeeze3A_34 : f32 to vector<16xf32>
      %mul3A_270 = arith.mulf %get3A_268, %mul3A_269 : vector<16xf32>
      %add3A_271 = arith.addf %add3A_264, %mul3A_270 : vector<16xf32>
      %get3A_272 = arith.constant 2 : i32
      %get3A_273 = arith.index_cast %get3A_272 : i32 to index
      %get3A_274 = arith.index_cast %add3A_113 : i32 to index
      %get3A_275 = tpu.vector_load %arg10[%get3A_273, %get3A_274] {strides = array<i32>} : memref<13x512xf32, #tpu.memory_space<vmem>>, vector<16xf32>,
      %mul3A_276 = vector.broadcast %squeeze3A_36 : f32 to vector<16xf32>
      %mul3A_277 = arith.mulf %get3A_275, %mul3A_276 : vector<16xf32>
      %add3A_278 = arith.addf %add3A_271, %mul3A_277 : vector<16xf32>
      %get3A_279 = arith.constant 3 : i32
      %get3A_280 = arith.index_cast %get3A_279 : i32 to index
      %get3A_281 = arith.index_cast %add3A_113 : i32 to index
      %get3A_282 = tpu.vector_load %arg10[%get3A_280, %get3A_281] {strides = array<i32>} : memref<13x512xf32, #tpu.memory_space<vmem>>, vector<16xf32>,
      %mul3A_283 = vector.broadcast %squeeze3A_38 : f32 to vector<16xf32>
      %mul3A_284 = arith.mulf %get3A_282, %mul3A_283 : vector<16xf32>
      %add3A_285 = arith.addf %add3A_278, %mul3A_284 : vector<16xf32>
      %get3A_286 = arith.constant 4 : i32
      %get3A_287 = arith.index_cast %get3A_286 : i32 to index
      %get3A_288 = arith.index_cast %add3A_113 : i32 to index
      %get3A_289 = tpu.vector_load %arg10[%get3A_287, %get3A_288] {strides = array<i32>} : memref<13x512xf32, #tpu.memory_space<vmem>>, vector<16xf32>,
      %mul3A_290 = vector.broadcast %squeeze3A_40 : f32 to vector<16xf32>
      %mul3A_291 = arith.mulf %get3A_289, %mul3A_290 : vector<16xf32>
      %add3A_292 = arith.addf %add3A_285, %mul3A_291 : vector<16xf32>
      %get3A_293 = arith.constant 5 : i32
      %get3A_294 = arith.index_cast %get3A_293 : i32 to index
      %get3A_295 = arith.index_cast %add3A_113 : i32 to index
      %get3A_296 = tpu.vector_load %arg10[%get3A_294, %get3A_295] {strides = array<i32>} : memref<13x512xf32, #tpu.memory_space<vmem>>, vector<16xf32>,
      %mul3A_297 = vector.broadcast %squeeze3A_42 : f32 to vector<16xf32>
      %mul3A_298 = arith.mulf %get3A_296, %mul3A_297 : vector<16xf32>
      %add3A_299 = arith.addf %add3A_292, %mul3A_298 : vector<16xf32>
      %get3A_300 = arith.constant 6 : i32
      %get3A_301 = arith.index_cast %get3A_300 : i32 to index
      %get3A_302 = arith.index_cast %add3A_113 : i32 to index
      %get3A_303 = tpu.vector_load %arg10[%get3A_301, %get3A_302] {strides = array<i32>} : memref<13x512xf32, #tpu.memory_space<vmem>>, vector<16xf32>,
      %mul3A_304 = vector.broadcast %squeeze3A_44 : f32 to vector<16xf32>
      %mul3A_305 = arith.mulf %get3A_303, %mul3A_304 : vector<16xf32>
      %add3A_306 = arith.addf %add3A_299, %mul3A_305 : vector<16xf32>
      %get3A_307 = arith.constant 7 : i32
      %get3A_308 = arith.index_cast %get3A_307 : i32 to index
      %get3A_309 = arith.index_cast %add3A_113 : i32 to index
      %get3A_310 = tpu.vector_load %arg10[%get3A_308, %get3A_309] {strides = array<i32>} : memref<13x512xf32, #tpu.memory_space<vmem>>, vector<16xf32>,
      %mul3A_311 = vector.broadcast %squeeze3A_46 : f32 to vector<16xf32>
      %mul3A_312 = arith.mulf %get3A_310, %mul3A_311 : vector<16xf32>
      %add3A_313 = arith.addf %add3A_306, %mul3A_312 : vector<16xf32>
      %get3A_314 = arith.constant 8 : i32
      %get3A_315 = arith.index_cast %get3A_314 : i32 to index
      %get3A_316 = arith.index_cast %add3A_113 : i32 to index
      %get3A_317 = tpu.vector_load %arg10[%get3A_315, %get3A_316] {strides = array<i32>} : memref<13x512xf32, #tpu.memory_space<vmem>>, vector<16xf32>,
      %mul3A_318 = vector.broadcast %squeeze3A_48 : f32 to vector<16xf32>
      %mul3A_319 = arith.mulf %get3A_317, %mul3A_318 : vector<16xf32>
      %add3A_320 = arith.addf %add3A_313, %mul3A_319 : vector<16xf32>
      %get3A_321 = arith.constant 9 : i32
      %get3A_322 = arith.index_cast %get3A_321 : i32 to index
      %get3A_323 = arith.index_cast %add3A_113 : i32 to index
      %get3A_324 = tpu.vector_load %arg10[%get3A_322, %get3A_323] {strides = array<i32>} : memref<13x512xf32, #tpu.memory_space<vmem>>, vector<16xf32>,
      %mul3A_325 = vector.broadcast %squeeze3A_50 : f32 to vector<16xf32>
      %mul3A_326 = arith.mulf %get3A_324, %mul3A_325 : vector<16xf32>
      %add3A_327 = arith.addf %add3A_320, %mul3A_326 : vector<16xf32>
      %get3A_328 = arith.constant 10 : i32
      %get3A_329 = arith.index_cast %get3A_328 : i32 to index
      %get3A_330 = arith.index_cast %add3A_113 : i32 to index
      %get3A_331 = tpu.vector_load %arg10[%get3A_329, %get3A_330] {strides = array<i32>} : memref<13x512xf32, #tpu.memory_space<vmem>>, vector<16xf32>,
      %mul3A_332 = vector.broadcast %squeeze3A_52 : f32 to vector<16xf32>
      %mul3A_333 = arith.mulf %get3A_331, %mul3A_332 : vector<16xf32>
      %add3A_334 = arith.addf %add3A_327, %mul3A_333 : vector<16xf32>
      %get3A_335 = arith.constant 11 : i32
      %get3A_336 = arith.index_cast %get3A_335 : i32 to index
      %get3A_337 = arith.index_cast %add3A_113 : i32 to index
      %get3A_338 = tpu.vector_load %arg10[%get3A_336, %get3A_337] {strides = array<i32>} : memref<13x512xf32, #tpu.memory_space<vmem>>, vector<16xf32>,
      %mul3A_339 = vector.broadcast %squeeze3A_54 : f32 to vector<16xf32>
      %mul3A_340 = arith.mulf %get3A_338, %mul3A_339 : vector<16xf32>
      %add3A_341 = arith.addf %add3A_334, %mul3A_340 : vector<16xf32>
      %get3A_342 = arith.constant 12 : i32
      %get3A_343 = arith.index_cast %get3A_342 : i32 to index
      %get3A_344 = arith.index_cast %add3A_113 : i32 to index
      %get3A_345 = tpu.vector_load %arg10[%get3A_343, %get3A_344] {strides = array<i32>} : memref<13x512xf32, #tpu.memory_space<vmem>>, vector<16xf32>,
      %mul3A_346 = vector.broadcast %squeeze3A_56 : f32 to vector<16xf32>
      %mul3A_347 = arith.mulf %get3A_345, %mul3A_346 : vector<16xf32>
      %add3A_348 = arith.addf %add3A_341, %mul3A_347 : vector<16xf32>
      %swap3A = arith.index_cast %add3A_113 : i32 to index
      %swap3A_349 = tpu.vector_load %arg16[%swap3A] {strides = array<i32>} : memref<512xf32, #tpu.memory_space<vmem>>, vector<16xf32>,
      tpu.vector_store %arg16[%swap3A], %add3A_348 {strides = array<i32>} : memref<512xf32, #tpu.memory_space<vmem>>, vector<16xf32>,
    }
    %scan3A_74 = arith.constant 8 : i32
    %scan3A_75 = arith.constant 0 : i32
    %scan3A_76 = arith.constant 26 : i32
    %scan3A_77 = arith.addi %scan3A_75, %scan3A_76 : i32
    %scan3A_78 = arith.constant 1 : i32
    scf.for %scan3A_105 = %scan3A_75 to %scan3A_77 step %scan3A_78  : i32 {
      %mul3A_106 = arith.constant 1 : i32
      %mul3A_107 = arith.muli %scan3A_105, %mul3A_106 : i32
      %add3A_108 = arith.constant 0 : i32
      %add3A_109 = arith.addi %add3A_108, %mul3A_107 : i32
      %mul3A_110 = arith.constant 512 : i32
      %mul3A_111 = arith.muli %add3A_109, %mul3A_110 : i32
      %add3A_112 = arith.constant 128 : i32
      %add3A_113 = arith.addi %mul3A_111, %add3A_112 : i32
      %dma_wait3A_114 = tpu.memref_slice %arg12[%add3A_113] : memref<13312xf32, #tpu.memory_space<vmem>> -> memref<128xf32, #tpu.memory_space<vmem>>
      %dma_wait3A_115 = tpu.memref_slice %arg11[%add3A_113] : memref<13312xi32, #tpu.memory_space<vmem>> -> memref<128xi32, #tpu.memory_space<vmem>>
      %dma_wait3A_116 = arith.constant 0 : i32
      %dma_wait3A_117 = tpu.memref_slice %arg4[%dma_wait3A_116] : memref<999424xf32, #tpu.memory_space<hbm>> -> memref<999424xf32, #tpu.memory_space<hbm>>
      tpu.wait_indirect_dma semaphore(%arg20 : memref<!tpu.dma_semaphore, #tpu.memory_space<semaphore_mem>>) src(%dma_wait3A_117 : memref<999424xf32, #tpu.memory_space<hbm>>) dst(%dma_wait3A_114 : memref<128xf32, #tpu.memory_space<vmem>>)
    }
    %scan3A_79 = arith.constant 26 : i32
    %scan3A_80 = arith.constant 0 : i32
    %scan3A_81 = arith.constant 8 : i32
    %scan3A_82 = arith.addi %scan3A_80, %scan3A_81 : i32
    %scan3A_83 = arith.constant 1 : i32
    scf.for %scan3A_105 = %scan3A_80 to %scan3A_82 step %scan3A_83  : i32 {
      %mul3A_106 = arith.constant 1 : i32
      %mul3A_107 = arith.muli %scan3A_105, %mul3A_106 : i32
      %add3A_108 = arith.constant 0 : i32
      %add3A_109 = arith.addi %add3A_108, %mul3A_107 : i32
      %mul3A_110 = arith.constant 16 : i32
      %mul3A_111 = arith.muli %add3A_109, %mul3A_110 : i32
      %add3A_112 = arith.constant 128 : i32
      %add3A_113 = arith.addi %add3A_112, %mul3A_111 : i32
      %broadcast_in_dim3A = vector.broadcast %squeeze3A_60 : f32 to vector<16xf32>
      %add3A_114 = arith.constant 0 : i32
      %add3A_115 = arith.addi %add3A_113, %add3A_114 : i32
      %get3A_116 = arith.index_cast %add3A_115 : i32 to index
      %get3A_117 = tpu.vector_load %arg12[%get3A_116] {strides = array<i32>} : memref<13312xf32, #tpu.memory_space<vmem>>, vector<16xf32>,
      %add3A_118 = arith.addf %broadcast_in_dim3A, %get3A_117 : vector<16xf32>
      %add3A_119 = arith.constant 512 : i32
      %add3A_120 = arith.addi %add3A_113, %add3A_119 : i32
      %get3A_121 = arith.index_cast %add3A_120 : i32 to index
      %get3A_122 = tpu.vector_load %arg12[%get3A_121] {strides = array<i32>} : memref<13312xf32, #tpu.memory_space<vmem>>, vector<16xf32>,
      %add3A_123 = arith.addf %add3A_118, %get3A_122 : vector<16xf32>
      %add3A_124 = arith.constant 1024 : i32
      %add3A_125 = arith.addi %add3A_113, %add3A_124 : i32
      %get3A_126 = arith.index_cast %add3A_125 : i32 to index
      %get3A_127 = tpu.vector_load %arg12[%get3A_126] {strides = array<i32>} : memref<13312xf32, #tpu.memory_space<vmem>>, vector<16xf32>,
      %add3A_128 = arith.addf %add3A_123, %get3A_127 : vector<16xf32>
      %add3A_129 = arith.constant 1536 : i32
      %add3A_130 = arith.addi %add3A_113, %add3A_129 : i32
      %get3A_131 = arith.index_cast %add3A_130 : i32 to index
      %get3A_132 = tpu.vector_load %arg12[%get3A_131] {strides = array<i32>} : memref<13312xf32, #tpu.memory_space<vmem>>, vector<16xf32>,
      %add3A_133 = arith.addf %add3A_128, %get3A_132 : vector<16xf32>
      %add3A_134 = arith.constant 2048 : i32
      %add3A_135 = arith.addi %add3A_113, %add3A_134 : i32
      %get3A_136 = arith.index_cast %add3A_135 : i32 to index
      %get3A_137 = tpu.vector_load %arg12[%get3A_136] {strides = array<i32>} : memref<13312xf32, #tpu.memory_space<vmem>>, vector<16xf32>,
      %add3A_138 = arith.addf %add3A_133, %get3A_137 : vector<16xf32>
      %add3A_139 = arith.constant 2560 : i32
      %add3A_140 = arith.addi %add3A_113, %add3A_139 : i32
      %get3A_141 = arith.index_cast %add3A_140 : i32 to index
      %get3A_142 = tpu.vector_load %arg12[%get3A_141] {strides = array<i32>} : memref<13312xf32, #tpu.memory_space<vmem>>, vector<16xf32>,
      %add3A_143 = arith.addf %add3A_138, %get3A_142 : vector<16xf32>
      %add3A_144 = arith.constant 3072 : i32
      %add3A_145 = arith.addi %add3A_113, %add3A_144 : i32
      %get3A_146 = arith.index_cast %add3A_145 : i32 to index
      %get3A_147 = tpu.vector_load %arg12[%get3A_146] {strides = array<i32>} : memref<13312xf32, #tpu.memory_space<vmem>>, vector<16xf32>,
      %add3A_148 = arith.addf %add3A_143, %get3A_147 : vector<16xf32>
      %add3A_149 = arith.constant 3584 : i32
      %add3A_150 = arith.addi %add3A_113, %add3A_149 : i32
      %get3A_151 = arith.index_cast %add3A_150 : i32 to index
      %get3A_152 = tpu.vector_load %arg12[%get3A_151] {strides = array<i32>} : memref<13312xf32, #tpu.memory_space<vmem>>, vector<16xf32>,
      %add3A_153 = arith.addf %add3A_148, %get3A_152 : vector<16xf32>
      %add3A_154 = arith.constant 4096 : i32
      %add3A_155 = arith.addi %add3A_113, %add3A_154 : i32
      %get3A_156 = arith.index_cast %add3A_155 : i32 to index
      %get3A_157 = tpu.vector_load %arg12[%get3A_156] {strides = array<i32>} : memref<13312xf32, #tpu.memory_space<vmem>>, vector<16xf32>,
      %add3A_158 = arith.addf %add3A_153, %get3A_157 : vector<16xf32>
      %add3A_159 = arith.constant 4608 : i32
      %add3A_160 = arith.addi %add3A_113, %add3A_159 : i32
      %get3A_161 = arith.index_cast %add3A_160 : i32 to index
      %get3A_162 = tpu.vector_load %arg12[%get3A_161] {strides = array<i32>} : memref<13312xf32, #tpu.memory_space<vmem>>, vector<16xf32>,
      %add3A_163 = arith.addf %add3A_158, %get3A_162 : vector<16xf32>
      %add3A_164 = arith.constant 5120 : i32
      %add3A_165 = arith.addi %add3A_113, %add3A_164 : i32
      %get3A_166 = arith.index_cast %add3A_165 : i32 to index
      %get3A_167 = tpu.vector_load %arg12[%get3A_166] {strides = array<i32>} : memref<13312xf32, #tpu.memory_space<vmem>>, vector<16xf32>,
      %add3A_168 = arith.addf %add3A_163, %get3A_167 : vector<16xf32>
      %add3A_169 = arith.constant 5632 : i32
      %add3A_170 = arith.addi %add3A_113, %add3A_169 : i32
      %get3A_171 = arith.index_cast %add3A_170 : i32 to index
      %get3A_172 = tpu.vector_load %arg12[%get3A_171] {strides = array<i32>} : memref<13312xf32, #tpu.memory_space<vmem>>, vector<16xf32>,
      %add3A_173 = arith.addf %add3A_168, %get3A_172 : vector<16xf32>
      %add3A_174 = arith.constant 6144 : i32
      %add3A_175 = arith.addi %add3A_113, %add3A_174 : i32
      %get3A_176 = arith.index_cast %add3A_175 : i32 to index
      %get3A_177 = tpu.vector_load %arg12[%get3A_176] {strides = array<i32>} : memref<13312xf32, #tpu.memory_space<vmem>>, vector<16xf32>,
      %add3A_178 = arith.addf %add3A_173, %get3A_177 : vector<16xf32>
      %add3A_179 = arith.constant 6656 : i32
      %add3A_180 = arith.addi %add3A_113, %add3A_179 : i32
      %get3A_181 = arith.index_cast %add3A_180 : i32 to index
      %get3A_182 = tpu.vector_load %arg12[%get3A_181] {strides = array<i32>} : memref<13312xf32, #tpu.memory_space<vmem>>, vector<16xf32>,
      %add3A_183 = arith.addf %add3A_178, %get3A_182 : vector<16xf32>
      %add3A_184 = arith.constant 7168 : i32
      %add3A_185 = arith.addi %add3A_113, %add3A_184 : i32
      %get3A_186 = arith.index_cast %add3A_185 : i32 to index
      %get3A_187 = tpu.vector_load %arg12[%get3A_186] {strides = array<i32>} : memref<13312xf32, #tpu.memory_space<vmem>>, vector<16xf32>,
      %add3A_188 = arith.addf %add3A_183, %get3A_187 : vector<16xf32>
      %add3A_189 = arith.constant 7680 : i32
      %add3A_190 = arith.addi %add3A_113, %add3A_189 : i32
      %get3A_191 = arith.index_cast %add3A_190 : i32 to index
      %get3A_192 = tpu.vector_load %arg12[%get3A_191] {strides = array<i32>} : memref<13312xf32, #tpu.memory_space<vmem>>, vector<16xf32>,
      %add3A_193 = arith.addf %add3A_188, %get3A_192 : vector<16xf32>
      %add3A_194 = arith.constant 8192 : i32
      %add3A_195 = arith.addi %add3A_113, %add3A_194 : i32
      %get3A_196 = arith.index_cast %add3A_195 : i32 to index
      %get3A_197 = tpu.vector_load %arg12[%get3A_196] {strides = array<i32>} : memref<13312xf32, #tpu.memory_space<vmem>>, vector<16xf32>,
      %add3A_198 = arith.addf %add3A_193, %get3A_197 : vector<16xf32>
      %add3A_199 = arith.constant 8704 : i32
      %add3A_200 = arith.addi %add3A_113, %add3A_199 : i32
      %get3A_201 = arith.index_cast %add3A_200 : i32 to index
      %get3A_202 = tpu.vector_load %arg12[%get3A_201] {strides = array<i32>} : memref<13312xf32, #tpu.memory_space<vmem>>, vector<16xf32>,
      %add3A_203 = arith.addf %add3A_198, %get3A_202 : vector<16xf32>
      %add3A_204 = arith.constant 9216 : i32
      %add3A_205 = arith.addi %add3A_113, %add3A_204 : i32
      %get3A_206 = arith.index_cast %add3A_205 : i32 to index
      %get3A_207 = tpu.vector_load %arg12[%get3A_206] {strides = array<i32>} : memref<13312xf32, #tpu.memory_space<vmem>>, vector<16xf32>,
      %add3A_208 = arith.addf %add3A_203, %get3A_207 : vector<16xf32>
      %add3A_209 = arith.constant 9728 : i32
      %add3A_210 = arith.addi %add3A_113, %add3A_209 : i32
      %get3A_211 = arith.index_cast %add3A_210 : i32 to index
      %get3A_212 = tpu.vector_load %arg12[%get3A_211] {strides = array<i32>} : memref<13312xf32, #tpu.memory_space<vmem>>, vector<16xf32>,
      %add3A_213 = arith.addf %add3A_208, %get3A_212 : vector<16xf32>
      %add3A_214 = arith.constant 10240 : i32
      %add3A_215 = arith.addi %add3A_113, %add3A_214 : i32
      %get3A_216 = arith.index_cast %add3A_215 : i32 to index
      %get3A_217 = tpu.vector_load %arg12[%get3A_216] {strides = array<i32>} : memref<13312xf32, #tpu.memory_space<vmem>>, vector<16xf32>,
      %add3A_218 = arith.addf %add3A_213, %get3A_217 : vector<16xf32>
      %add3A_219 = arith.constant 10752 : i32
      %add3A_220 = arith.addi %add3A_113, %add3A_219 : i32
      %get3A_221 = arith.index_cast %add3A_220 : i32 to index
      %get3A_222 = tpu.vector_load %arg12[%get3A_221] {strides = array<i32>} : memref<13312xf32, #tpu.memory_space<vmem>>, vector<16xf32>,
      %add3A_223 = arith.addf %add3A_218, %get3A_222 : vector<16xf32>
      %add3A_224 = arith.constant 11264 : i32
      %add3A_225 = arith.addi %add3A_113, %add3A_224 : i32
      %get3A_226 = arith.index_cast %add3A_225 : i32 to index
      %get3A_227 = tpu.vector_load %arg12[%get3A_226] {strides = array<i32>} : memref<13312xf32, #tpu.memory_space<vmem>>, vector<16xf32>,
      %add3A_228 = arith.addf %add3A_223, %get3A_227 : vector<16xf32>
      %add3A_229 = arith.constant 11776 : i32
      %add3A_230 = arith.addi %add3A_113, %add3A_229 : i32
      %get3A_231 = arith.index_cast %add3A_230 : i32 to index
      %get3A_232 = tpu.vector_load %arg12[%get3A_231] {strides = array<i32>} : memref<13312xf32, #tpu.memory_space<vmem>>, vector<16xf32>,
      %add3A_233 = arith.addf %add3A_228, %get3A_232 : vector<16xf32>
      %add3A_234 = arith.constant 12288 : i32
      %add3A_235 = arith.addi %add3A_113, %add3A_234 : i32
      %get3A_236 = arith.index_cast %add3A_235 : i32 to index
      %get3A_237 = tpu.vector_load %arg12[%get3A_236] {strides = array<i32>} : memref<13312xf32, #tpu.memory_space<vmem>>, vector<16xf32>,
      %add3A_238 = arith.addf %add3A_233, %get3A_237 : vector<16xf32>
      %get3A_239 = arith.constant 25 : i32
      %get3A_240 = arith.index_cast %get3A_239 : i32 to index
      %get3A_241 = arith.index_cast %add3A_113 : i32 to index
      %get3A_242 = tpu.vector_load %arg9[%get3A_240, %get3A_241] {strides = array<i32>} : memref<26x512xi32, #tpu.memory_space<vmem>>, vector<16xi32>,
      %add3A_243 = arith.constant 961525 : i32
      %add3A_244 = vector.broadcast %add3A_243 : i32 to vector<16xi32>
      %add3A_245 = arith.addi %get3A_242, %add3A_244 : vector<16xi32>
      %sub3A = arith.constant 999424 : i32
      %sub3A_246 = vector.broadcast %sub3A : i32 to vector<16xi32>
      %sub3A_247 = arith.subi %add3A_245, %sub3A_246 : vector<16xi32>
      %jit3A = arith.constant 0 : i32
      %jit3A_248 = arith.constant 1023 : i32
      %max3A = vector.broadcast %jit3A : i32 to vector<16xi32>
      %max3A_249 = arith.maxsi %max3A, %sub3A_247 : vector<16xi32>
      %min3A = vector.broadcast %jit3A_248 : i32 to vector<16xi32>
      %min3A_250 = arith.minsi %min3A, %max3A_249 : vector<16xi32>
      %gather3A = tpu.vector_load_idx %arg13[%min3A_250] : memref<1024xf32, #tpu.memory_space<vmem>>[vector<16xi32>], vector<16xf32>,
      %add3A_251 = arith.constant 12800 : i32
      %add3A_252 = arith.addi %add3A_113, %add3A_251 : i32
      %get3A_253 = arith.index_cast %add3A_252 : i32 to index
      %get3A_254 = tpu.vector_load %arg12[%get3A_253] {strides = array<i32>} : memref<13312xf32, #tpu.memory_space<vmem>>, vector<16xf32>,
      %ge3A = arith.constant 999424 : i32
      %ge3A_255 = vector.broadcast %ge3A : i32 to vector<16xi32>
      %ge3A_256 = arith.cmpi sge, %add3A_245, %ge3A_255 : vector<16xi32>
      %select_n3A = arith.select %ge3A_256, %gather3A, %get3A_254 : vector<16xi1>, vector<16xf32>
      %add3A_257 = arith.addf %add3A_238, %select_n3A : vector<16xf32>
      %get3A_258 = arith.constant 0 : i32
      %get3A_259 = arith.index_cast %get3A_258 : i32 to index
      %get3A_260 = arith.index_cast %add3A_113 : i32 to index
      %get3A_261 = tpu.vector_load %arg10[%get3A_259, %get3A_260] {strides = array<i32>} : memref<13x512xf32, #tpu.memory_space<vmem>>, vector<16xf32>,
      %mul3A_262 = vector.broadcast %squeeze3A : f32 to vector<16xf32>
      %mul3A_263 = arith.mulf %get3A_261, %mul3A_262 : vector<16xf32>
      %add3A_264 = arith.addf %add3A_257, %mul3A_263 : vector<16xf32>
      %get3A_265 = arith.constant 1 : i32
      %get3A_266 = arith.index_cast %get3A_265 : i32 to index
      %get3A_267 = arith.index_cast %add3A_113 : i32 to index
      %get3A_268 = tpu.vector_load %arg10[%get3A_266, %get3A_267] {strides = array<i32>} : memref<13x512xf32, #tpu.memory_space<vmem>>, vector<16xf32>,
      %mul3A_269 = vector.broadcast %squeeze3A_34 : f32 to vector<16xf32>
      %mul3A_270 = arith.mulf %get3A_268, %mul3A_269 : vector<16xf32>
      %add3A_271 = arith.addf %add3A_264, %mul3A_270 : vector<16xf32>
      %get3A_272 = arith.constant 2 : i32
      %get3A_273 = arith.index_cast %get3A_272 : i32 to index
      %get3A_274 = arith.index_cast %add3A_113 : i32 to index
      %get3A_275 = tpu.vector_load %arg10[%get3A_273, %get3A_274] {strides = array<i32>} : memref<13x512xf32, #tpu.memory_space<vmem>>, vector<16xf32>,
      %mul3A_276 = vector.broadcast %squeeze3A_36 : f32 to vector<16xf32>
      %mul3A_277 = arith.mulf %get3A_275, %mul3A_276 : vector<16xf32>
      %add3A_278 = arith.addf %add3A_271, %mul3A_277 : vector<16xf32>
      %get3A_279 = arith.constant 3 : i32
      %get3A_280 = arith.index_cast %get3A_279 : i32 to index
      %get3A_281 = arith.index_cast %add3A_113 : i32 to index
      %get3A_282 = tpu.vector_load %arg10[%get3A_280, %get3A_281] {strides = array<i32>} : memref<13x512xf32, #tpu.memory_space<vmem>>, vector<16xf32>,
      %mul3A_283 = vector.broadcast %squeeze3A_38 : f32 to vector<16xf32>
      %mul3A_284 = arith.mulf %get3A_282, %mul3A_283 : vector<16xf32>
      %add3A_285 = arith.addf %add3A_278, %mul3A_284 : vector<16xf32>
      %get3A_286 = arith.constant 4 : i32
      %get3A_287 = arith.index_cast %get3A_286 : i32 to index
      %get3A_288 = arith.index_cast %add3A_113 : i32 to index
      %get3A_289 = tpu.vector_load %arg10[%get3A_287, %get3A_288] {strides = array<i32>} : memref<13x512xf32, #tpu.memory_space<vmem>>, vector<16xf32>,
      %mul3A_290 = vector.broadcast %squeeze3A_40 : f32 to vector<16xf32>
      %mul3A_291 = arith.mulf %get3A_289, %mul3A_290 : vector<16xf32>
      %add3A_292 = arith.addf %add3A_285, %mul3A_291 : vector<16xf32>
      %get3A_293 = arith.constant 5 : i32
      %get3A_294 = arith.index_cast %get3A_293 : i32 to index
      %get3A_295 = arith.index_cast %add3A_113 : i32 to index
      %get3A_296 = tpu.vector_load %arg10[%get3A_294, %get3A_295] {strides = array<i32>} : memref<13x512xf32, #tpu.memory_space<vmem>>, vector<16xf32>,
      %mul3A_297 = vector.broadcast %squeeze3A_42 : f32 to vector<16xf32>
      %mul3A_298 = arith.mulf %get3A_296, %mul3A_297 : vector<16xf32>
      %add3A_299 = arith.addf %add3A_292, %mul3A_298 : vector<16xf32>
      %get3A_300 = arith.constant 6 : i32
      %get3A_301 = arith.index_cast %get3A_300 : i32 to index
      %get3A_302 = arith.index_cast %add3A_113 : i32 to index
      %get3A_303 = tpu.vector_load %arg10[%get3A_301, %get3A_302] {strides = array<i32>} : memref<13x512xf32, #tpu.memory_space<vmem>>, vector<16xf32>,
      %mul3A_304 = vector.broadcast %squeeze3A_44 : f32 to vector<16xf32>
      %mul3A_305 = arith.mulf %get3A_303, %mul3A_304 : vector<16xf32>
      %add3A_306 = arith.addf %add3A_299, %mul3A_305 : vector<16xf32>
      %get3A_307 = arith.constant 7 : i32
      %get3A_308 = arith.index_cast %get3A_307 : i32 to index
      %get3A_309 = arith.index_cast %add3A_113 : i32 to index
      %get3A_310 = tpu.vector_load %arg10[%get3A_308, %get3A_309] {strides = array<i32>} : memref<13x512xf32, #tpu.memory_space<vmem>>, vector<16xf32>,
      %mul3A_311 = vector.broadcast %squeeze3A_46 : f32 to vector<16xf32>
      %mul3A_312 = arith.mulf %get3A_310, %mul3A_311 : vector<16xf32>
      %add3A_313 = arith.addf %add3A_306, %mul3A_312 : vector<16xf32>
      %get3A_314 = arith.constant 8 : i32
      %get3A_315 = arith.index_cast %get3A_314 : i32 to index
      %get3A_316 = arith.index_cast %add3A_113 : i32 to index
      %get3A_317 = tpu.vector_load %arg10[%get3A_315, %get3A_316] {strides = array<i32>} : memref<13x512xf32, #tpu.memory_space<vmem>>, vector<16xf32>,
      %mul3A_318 = vector.broadcast %squeeze3A_48 : f32 to vector<16xf32>
      %mul3A_319 = arith.mulf %get3A_317, %mul3A_318 : vector<16xf32>
      %add3A_320 = arith.addf %add3A_313, %mul3A_319 : vector<16xf32>
      %get3A_321 = arith.constant 9 : i32
      %get3A_322 = arith.index_cast %get3A_321 : i32 to index
      %get3A_323 = arith.index_cast %add3A_113 : i32 to index
      %get3A_324 = tpu.vector_load %arg10[%get3A_322, %get3A_323] {strides = array<i32>} : memref<13x512xf32, #tpu.memory_space<vmem>>, vector<16xf32>,
      %mul3A_325 = vector.broadcast %squeeze3A_50 : f32 to vector<16xf32>
      %mul3A_326 = arith.mulf %get3A_324, %mul3A_325 : vector<16xf32>
      %add3A_327 = arith.addf %add3A_320, %mul3A_326 : vector<16xf32>
      %get3A_328 = arith.constant 10 : i32
      %get3A_329 = arith.index_cast %get3A_328 : i32 to index
      %get3A_330 = arith.index_cast %add3A_113 : i32 to index
      %get3A_331 = tpu.vector_load %arg10[%get3A_329, %get3A_330] {strides = array<i32>} : memref<13x512xf32, #tpu.memory_space<vmem>>, vector<16xf32>,
      %mul3A_332 = vector.broadcast %squeeze3A_52 : f32 to vector<16xf32>
      %mul3A_333 = arith.mulf %get3A_331, %mul3A_332 : vector<16xf32>
      %add3A_334 = arith.addf %add3A_327, %mul3A_333 : vector<16xf32>
      %get3A_335 = arith.constant 11 : i32
      %get3A_336 = arith.index_cast %get3A_335 : i32 to index
      %get3A_337 = arith.index_cast %add3A_113 : i32 to index
      %get3A_338 = tpu.vector_load %arg10[%get3A_336, %get3A_337] {strides = array<i32>} : memref<13x512xf32, #tpu.memory_space<vmem>>, vector<16xf32>,
      %mul3A_339 = vector.broadcast %squeeze3A_54 : f32 to vector<16xf32>
      %mul3A_340 = arith.mulf %get3A_338, %mul3A_339 : vector<16xf32>
      %add3A_341 = arith.addf %add3A_334, %mul3A_340 : vector<16xf32>
      %get3A_342 = arith.constant 12 : i32
      %get3A_343 = arith.index_cast %get3A_342 : i32 to index
      %get3A_344 = arith.index_cast %add3A_113 : i32 to index
      %get3A_345 = tpu.vector_load %arg10[%get3A_343, %get3A_344] {strides = array<i32>} : memref<13x512xf32, #tpu.memory_space<vmem>>, vector<16xf32>,
      %mul3A_346 = vector.broadcast %squeeze3A_56 : f32 to vector<16xf32>
      %mul3A_347 = arith.mulf %get3A_345, %mul3A_346 : vector<16xf32>
      %add3A_348 = arith.addf %add3A_341, %mul3A_347 : vector<16xf32>
      %swap3A = arith.index_cast %add3A_113 : i32 to index
      %swap3A_349 = tpu.vector_load %arg16[%swap3A] {strides = array<i32>} : memref<512xf32, #tpu.memory_space<vmem>>, vector<16xf32>,
      tpu.vector_store %arg16[%swap3A], %add3A_348 {strides = array<i32>} : memref<512xf32, #tpu.memory_space<vmem>>, vector<16xf32>,
    }
    %scan3A_84 = arith.constant 8 : i32
    %scan3A_85 = arith.constant 0 : i32
    %scan3A_86 = arith.constant 26 : i32
    %scan3A_87 = arith.addi %scan3A_85, %scan3A_86 : i32
    %scan3A_88 = arith.constant 1 : i32
    scf.for %scan3A_105 = %scan3A_85 to %scan3A_87 step %scan3A_88  : i32 {
      %mul3A_106 = arith.constant 1 : i32
      %mul3A_107 = arith.muli %scan3A_105, %mul3A_106 : i32
      %add3A_108 = arith.constant 0 : i32
      %add3A_109 = arith.addi %add3A_108, %mul3A_107 : i32
      %mul3A_110 = arith.constant 512 : i32
      %mul3A_111 = arith.muli %add3A_109, %mul3A_110 : i32
      %add3A_112 = arith.constant 256 : i32
      %add3A_113 = arith.addi %mul3A_111, %add3A_112 : i32
      %dma_wait3A_114 = tpu.memref_slice %arg12[%add3A_113] : memref<13312xf32, #tpu.memory_space<vmem>> -> memref<128xf32, #tpu.memory_space<vmem>>
      %dma_wait3A_115 = tpu.memref_slice %arg11[%add3A_113] : memref<13312xi32, #tpu.memory_space<vmem>> -> memref<128xi32, #tpu.memory_space<vmem>>
      %dma_wait3A_116 = arith.constant 0 : i32
      %dma_wait3A_117 = tpu.memref_slice %arg4[%dma_wait3A_116] : memref<999424xf32, #tpu.memory_space<hbm>> -> memref<999424xf32, #tpu.memory_space<hbm>>
      tpu.wait_indirect_dma semaphore(%arg21 : memref<!tpu.dma_semaphore, #tpu.memory_space<semaphore_mem>>) src(%dma_wait3A_117 : memref<999424xf32, #tpu.memory_space<hbm>>) dst(%dma_wait3A_114 : memref<128xf32, #tpu.memory_space<vmem>>)
    }
    %scan3A_89 = arith.constant 26 : i32
    %scan3A_90 = arith.constant 0 : i32
    %scan3A_91 = arith.constant 8 : i32
    %scan3A_92 = arith.addi %scan3A_90, %scan3A_91 : i32
    %scan3A_93 = arith.constant 1 : i32
    scf.for %scan3A_105 = %scan3A_90 to %scan3A_92 step %scan3A_93  : i32 {
      %mul3A_106 = arith.constant 1 : i32
      %mul3A_107 = arith.muli %scan3A_105, %mul3A_106 : i32
      %add3A_108 = arith.constant 0 : i32
      %add3A_109 = arith.addi %add3A_108, %mul3A_107 : i32
      %mul3A_110 = arith.constant 16 : i32
      %mul3A_111 = arith.muli %add3A_109, %mul3A_110 : i32
      %add3A_112 = arith.constant 256 : i32
      %add3A_113 = arith.addi %add3A_112, %mul3A_111 : i32
      %broadcast_in_dim3A = vector.broadcast %squeeze3A_60 : f32 to vector<16xf32>
      %add3A_114 = arith.constant 0 : i32
      %add3A_115 = arith.addi %add3A_113, %add3A_114 : i32
      %get3A_116 = arith.index_cast %add3A_115 : i32 to index
      %get3A_117 = tpu.vector_load %arg12[%get3A_116] {strides = array<i32>} : memref<13312xf32, #tpu.memory_space<vmem>>, vector<16xf32>,
      %add3A_118 = arith.addf %broadcast_in_dim3A, %get3A_117 : vector<16xf32>
      %add3A_119 = arith.constant 512 : i32
      %add3A_120 = arith.addi %add3A_113, %add3A_119 : i32
      %get3A_121 = arith.index_cast %add3A_120 : i32 to index
      %get3A_122 = tpu.vector_load %arg12[%get3A_121] {strides = array<i32>} : memref<13312xf32, #tpu.memory_space<vmem>>, vector<16xf32>,
      %add3A_123 = arith.addf %add3A_118, %get3A_122 : vector<16xf32>
      %add3A_124 = arith.constant 1024 : i32
      %add3A_125 = arith.addi %add3A_113, %add3A_124 : i32
      %get3A_126 = arith.index_cast %add3A_125 : i32 to index
      %get3A_127 = tpu.vector_load %arg12[%get3A_126] {strides = array<i32>} : memref<13312xf32, #tpu.memory_space<vmem>>, vector<16xf32>,
      %add3A_128 = arith.addf %add3A_123, %get3A_127 : vector<16xf32>
      %add3A_129 = arith.constant 1536 : i32
      %add3A_130 = arith.addi %add3A_113, %add3A_129 : i32
      %get3A_131 = arith.index_cast %add3A_130 : i32 to index
      %get3A_132 = tpu.vector_load %arg12[%get3A_131] {strides = array<i32>} : memref<13312xf32, #tpu.memory_space<vmem>>, vector<16xf32>,
      %add3A_133 = arith.addf %add3A_128, %get3A_132 : vector<16xf32>
      %add3A_134 = arith.constant 2048 : i32
      %add3A_135 = arith.addi %add3A_113, %add3A_134 : i32
      %get3A_136 = arith.index_cast %add3A_135 : i32 to index
      %get3A_137 = tpu.vector_load %arg12[%get3A_136] {strides = array<i32>} : memref<13312xf32, #tpu.memory_space<vmem>>, vector<16xf32>,
      %add3A_138 = arith.addf %add3A_133, %get3A_137 : vector<16xf32>
      %add3A_139 = arith.constant 2560 : i32
      %add3A_140 = arith.addi %add3A_113, %add3A_139 : i32
      %get3A_141 = arith.index_cast %add3A_140 : i32 to index
      %get3A_142 = tpu.vector_load %arg12[%get3A_141] {strides = array<i32>} : memref<13312xf32, #tpu.memory_space<vmem>>, vector<16xf32>,
      %add3A_143 = arith.addf %add3A_138, %get3A_142 : vector<16xf32>
      %add3A_144 = arith.constant 3072 : i32
      %add3A_145 = arith.addi %add3A_113, %add3A_144 : i32
      %get3A_146 = arith.index_cast %add3A_145 : i32 to index
      %get3A_147 = tpu.vector_load %arg12[%get3A_146] {strides = array<i32>} : memref<13312xf32, #tpu.memory_space<vmem>>, vector<16xf32>,
      %add3A_148 = arith.addf %add3A_143, %get3A_147 : vector<16xf32>
      %add3A_149 = arith.constant 3584 : i32
      %add3A_150 = arith.addi %add3A_113, %add3A_149 : i32
      %get3A_151 = arith.index_cast %add3A_150 : i32 to index
      %get3A_152 = tpu.vector_load %arg12[%get3A_151] {strides = array<i32>} : memref<13312xf32, #tpu.memory_space<vmem>>, vector<16xf32>,
      %add3A_153 = arith.addf %add3A_148, %get3A_152 : vector<16xf32>
      %add3A_154 = arith.constant 4096 : i32
      %add3A_155 = arith.addi %add3A_113, %add3A_154 : i32
      %get3A_156 = arith.index_cast %add3A_155 : i32 to index
      %get3A_157 = tpu.vector_load %arg12[%get3A_156] {strides = array<i32>} : memref<13312xf32, #tpu.memory_space<vmem>>, vector<16xf32>,
      %add3A_158 = arith.addf %add3A_153, %get3A_157 : vector<16xf32>
      %add3A_159 = arith.constant 4608 : i32
      %add3A_160 = arith.addi %add3A_113, %add3A_159 : i32
      %get3A_161 = arith.index_cast %add3A_160 : i32 to index
      %get3A_162 = tpu.vector_load %arg12[%get3A_161] {strides = array<i32>} : memref<13312xf32, #tpu.memory_space<vmem>>, vector<16xf32>,
      %add3A_163 = arith.addf %add3A_158, %get3A_162 : vector<16xf32>
      %add3A_164 = arith.constant 5120 : i32
      %add3A_165 = arith.addi %add3A_113, %add3A_164 : i32
      %get3A_166 = arith.index_cast %add3A_165 : i32 to index
      %get3A_167 = tpu.vector_load %arg12[%get3A_166] {strides = array<i32>} : memref<13312xf32, #tpu.memory_space<vmem>>, vector<16xf32>,
      %add3A_168 = arith.addf %add3A_163, %get3A_167 : vector<16xf32>
      %add3A_169 = arith.constant 5632 : i32
      %add3A_170 = arith.addi %add3A_113, %add3A_169 : i32
      %get3A_171 = arith.index_cast %add3A_170 : i32 to index
      %get3A_172 = tpu.vector_load %arg12[%get3A_171] {strides = array<i32>} : memref<13312xf32, #tpu.memory_space<vmem>>, vector<16xf32>,
      %add3A_173 = arith.addf %add3A_168, %get3A_172 : vector<16xf32>
      %add3A_174 = arith.constant 6144 : i32
      %add3A_175 = arith.addi %add3A_113, %add3A_174 : i32
      %get3A_176 = arith.index_cast %add3A_175 : i32 to index
      %get3A_177 = tpu.vector_load %arg12[%get3A_176] {strides = array<i32>} : memref<13312xf32, #tpu.memory_space<vmem>>, vector<16xf32>,
      %add3A_178 = arith.addf %add3A_173, %get3A_177 : vector<16xf32>
      %add3A_179 = arith.constant 6656 : i32
      %add3A_180 = arith.addi %add3A_113, %add3A_179 : i32
      %get3A_181 = arith.index_cast %add3A_180 : i32 to index
      %get3A_182 = tpu.vector_load %arg12[%get3A_181] {strides = array<i32>} : memref<13312xf32, #tpu.memory_space<vmem>>, vector<16xf32>,
      %add3A_183 = arith.addf %add3A_178, %get3A_182 : vector<16xf32>
      %add3A_184 = arith.constant 7168 : i32
      %add3A_185 = arith.addi %add3A_113, %add3A_184 : i32
      %get3A_186 = arith.index_cast %add3A_185 : i32 to index
      %get3A_187 = tpu.vector_load %arg12[%get3A_186] {strides = array<i32>} : memref<13312xf32, #tpu.memory_space<vmem>>, vector<16xf32>,
      %add3A_188 = arith.addf %add3A_183, %get3A_187 : vector<16xf32>
      %add3A_189 = arith.constant 7680 : i32
      %add3A_190 = arith.addi %add3A_113, %add3A_189 : i32
      %get3A_191 = arith.index_cast %add3A_190 : i32 to index
      %get3A_192 = tpu.vector_load %arg12[%get3A_191] {strides = array<i32>} : memref<13312xf32, #tpu.memory_space<vmem>>, vector<16xf32>,
      %add3A_193 = arith.addf %add3A_188, %get3A_192 : vector<16xf32>
      %add3A_194 = arith.constant 8192 : i32
      %add3A_195 = arith.addi %add3A_113, %add3A_194 : i32
      %get3A_196 = arith.index_cast %add3A_195 : i32 to index
      %get3A_197 = tpu.vector_load %arg12[%get3A_196] {strides = array<i32>} : memref<13312xf32, #tpu.memory_space<vmem>>, vector<16xf32>,
      %add3A_198 = arith.addf %add3A_193, %get3A_197 : vector<16xf32>
      %add3A_199 = arith.constant 8704 : i32
      %add3A_200 = arith.addi %add3A_113, %add3A_199 : i32
      %get3A_201 = arith.index_cast %add3A_200 : i32 to index
      %get3A_202 = tpu.vector_load %arg12[%get3A_201] {strides = array<i32>} : memref<13312xf32, #tpu.memory_space<vmem>>, vector<16xf32>,
      %add3A_203 = arith.addf %add3A_198, %get3A_202 : vector<16xf32>
      %add3A_204 = arith.constant 9216 : i32
      %add3A_205 = arith.addi %add3A_113, %add3A_204 : i32
      %get3A_206 = arith.index_cast %add3A_205 : i32 to index
      %get3A_207 = tpu.vector_load %arg12[%get3A_206] {strides = array<i32>} : memref<13312xf32, #tpu.memory_space<vmem>>, vector<16xf32>,
      %add3A_208 = arith.addf %add3A_203, %get3A_207 : vector<16xf32>
      %add3A_209 = arith.constant 9728 : i32
      %add3A_210 = arith.addi %add3A_113, %add3A_209 : i32
      %get3A_211 = arith.index_cast %add3A_210 : i32 to index
      %get3A_212 = tpu.vector_load %arg12[%get3A_211] {strides = array<i32>} : memref<13312xf32, #tpu.memory_space<vmem>>, vector<16xf32>,
      %add3A_213 = arith.addf %add3A_208, %get3A_212 : vector<16xf32>
      %add3A_214 = arith.constant 10240 : i32
      %add3A_215 = arith.addi %add3A_113, %add3A_214 : i32
      %get3A_216 = arith.index_cast %add3A_215 : i32 to index
      %get3A_217 = tpu.vector_load %arg12[%get3A_216] {strides = array<i32>} : memref<13312xf32, #tpu.memory_space<vmem>>, vector<16xf32>,
      %add3A_218 = arith.addf %add3A_213, %get3A_217 : vector<16xf32>
      %add3A_219 = arith.constant 10752 : i32
      %add3A_220 = arith.addi %add3A_113, %add3A_219 : i32
      %get3A_221 = arith.index_cast %add3A_220 : i32 to index
      %get3A_222 = tpu.vector_load %arg12[%get3A_221] {strides = array<i32>} : memref<13312xf32, #tpu.memory_space<vmem>>, vector<16xf32>,
      %add3A_223 = arith.addf %add3A_218, %get3A_222 : vector<16xf32>
      %add3A_224 = arith.constant 11264 : i32
      %add3A_225 = arith.addi %add3A_113, %add3A_224 : i32
      %get3A_226 = arith.index_cast %add3A_225 : i32 to index
      %get3A_227 = tpu.vector_load %arg12[%get3A_226] {strides = array<i32>} : memref<13312xf32, #tpu.memory_space<vmem>>, vector<16xf32>,
      %add3A_228 = arith.addf %add3A_223, %get3A_227 : vector<16xf32>
      %add3A_229 = arith.constant 11776 : i32
      %add3A_230 = arith.addi %add3A_113, %add3A_229 : i32
      %get3A_231 = arith.index_cast %add3A_230 : i32 to index
      %get3A_232 = tpu.vector_load %arg12[%get3A_231] {strides = array<i32>} : memref<13312xf32, #tpu.memory_space<vmem>>, vector<16xf32>,
      %add3A_233 = arith.addf %add3A_228, %get3A_232 : vector<16xf32>
      %add3A_234 = arith.constant 12288 : i32
      %add3A_235 = arith.addi %add3A_113, %add3A_234 : i32
      %get3A_236 = arith.index_cast %add3A_235 : i32 to index
      %get3A_237 = tpu.vector_load %arg12[%get3A_236] {strides = array<i32>} : memref<13312xf32, #tpu.memory_space<vmem>>, vector<16xf32>,
      %add3A_238 = arith.addf %add3A_233, %get3A_237 : vector<16xf32>
      %get3A_239 = arith.constant 25 : i32
      %get3A_240 = arith.index_cast %get3A_239 : i32 to index
      %get3A_241 = arith.index_cast %add3A_113 : i32 to index
      %get3A_242 = tpu.vector_load %arg9[%get3A_240, %get3A_241] {strides = array<i32>} : memref<26x512xi32, #tpu.memory_space<vmem>>, vector<16xi32>,
      %add3A_243 = arith.constant 961525 : i32
      %add3A_244 = vector.broadcast %add3A_243 : i32 to vector<16xi32>
      %add3A_245 = arith.addi %get3A_242, %add3A_244 : vector<16xi32>
      %sub3A = arith.constant 999424 : i32
      %sub3A_246 = vector.broadcast %sub3A : i32 to vector<16xi32>
      %sub3A_247 = arith.subi %add3A_245, %sub3A_246 : vector<16xi32>
      %jit3A = arith.constant 0 : i32
      %jit3A_248 = arith.constant 1023 : i32
      %max3A = vector.broadcast %jit3A : i32 to vector<16xi32>
      %max3A_249 = arith.maxsi %max3A, %sub3A_247 : vector<16xi32>
      %min3A = vector.broadcast %jit3A_248 : i32 to vector<16xi32>
      %min3A_250 = arith.minsi %min3A, %max3A_249 : vector<16xi32>
      %gather3A = tpu.vector_load_idx %arg13[%min3A_250] : memref<1024xf32, #tpu.memory_space<vmem>>[vector<16xi32>], vector<16xf32>,
      %add3A_251 = arith.constant 12800 : i32
      %add3A_252 = arith.addi %add3A_113, %add3A_251 : i32
      %get3A_253 = arith.index_cast %add3A_252 : i32 to index
      %get3A_254 = tpu.vector_load %arg12[%get3A_253] {strides = array<i32>} : memref<13312xf32, #tpu.memory_space<vmem>>, vector<16xf32>,
      %ge3A = arith.constant 999424 : i32
      %ge3A_255 = vector.broadcast %ge3A : i32 to vector<16xi32>
      %ge3A_256 = arith.cmpi sge, %add3A_245, %ge3A_255 : vector<16xi32>
      %select_n3A = arith.select %ge3A_256, %gather3A, %get3A_254 : vector<16xi1>, vector<16xf32>
      %add3A_257 = arith.addf %add3A_238, %select_n3A : vector<16xf32>
      %get3A_258 = arith.constant 0 : i32
      %get3A_259 = arith.index_cast %get3A_258 : i32 to index
      %get3A_260 = arith.index_cast %add3A_113 : i32 to index
      %get3A_261 = tpu.vector_load %arg10[%get3A_259, %get3A_260] {strides = array<i32>} : memref<13x512xf32, #tpu.memory_space<vmem>>, vector<16xf32>,
      %mul3A_262 = vector.broadcast %squeeze3A : f32 to vector<16xf32>
      %mul3A_263 = arith.mulf %get3A_261, %mul3A_262 : vector<16xf32>
      %add3A_264 = arith.addf %add3A_257, %mul3A_263 : vector<16xf32>
      %get3A_265 = arith.constant 1 : i32
      %get3A_266 = arith.index_cast %get3A_265 : i32 to index
      %get3A_267 = arith.index_cast %add3A_113 : i32 to index
      %get3A_268 = tpu.vector_load %arg10[%get3A_266, %get3A_267] {strides = array<i32>} : memref<13x512xf32, #tpu.memory_space<vmem>>, vector<16xf32>,
      %mul3A_269 = vector.broadcast %squeeze3A_34 : f32 to vector<16xf32>
      %mul3A_270 = arith.mulf %get3A_268, %mul3A_269 : vector<16xf32>
      %add3A_271 = arith.addf %add3A_264, %mul3A_270 : vector<16xf32>
      %get3A_272 = arith.constant 2 : i32
      %get3A_273 = arith.index_cast %get3A_272 : i32 to index
      %get3A_274 = arith.index_cast %add3A_113 : i32 to index
      %get3A_275 = tpu.vector_load %arg10[%get3A_273, %get3A_274] {strides = array<i32>} : memref<13x512xf32, #tpu.memory_space<vmem>>, vector<16xf32>,
      %mul3A_276 = vector.broadcast %squeeze3A_36 : f32 to vector<16xf32>
      %mul3A_277 = arith.mulf %get3A_275, %mul3A_276 : vector<16xf32>
      %add3A_278 = arith.addf %add3A_271, %mul3A_277 : vector<16xf32>
      %get3A_279 = arith.constant 3 : i32
      %get3A_280 = arith.index_cast %get3A_279 : i32 to index
      %get3A_281 = arith.index_cast %add3A_113 : i32 to index
      %get3A_282 = tpu.vector_load %arg10[%get3A_280, %get3A_281] {strides = array<i32>} : memref<13x512xf32, #tpu.memory_space<vmem>>, vector<16xf32>,
      %mul3A_283 = vector.broadcast %squeeze3A_38 : f32 to vector<16xf32>
      %mul3A_284 = arith.mulf %get3A_282, %mul3A_283 : vector<16xf32>
      %add3A_285 = arith.addf %add3A_278, %mul3A_284 : vector<16xf32>
      %get3A_286 = arith.constant 4 : i32
      %get3A_287 = arith.index_cast %get3A_286 : i32 to index
      %get3A_288 = arith.index_cast %add3A_113 : i32 to index
      %get3A_289 = tpu.vector_load %arg10[%get3A_287, %get3A_288] {strides = array<i32>} : memref<13x512xf32, #tpu.memory_space<vmem>>, vector<16xf32>,
      %mul3A_290 = vector.broadcast %squeeze3A_40 : f32 to vector<16xf32>
      %mul3A_291 = arith.mulf %get3A_289, %mul3A_290 : vector<16xf32>
      %add3A_292 = arith.addf %add3A_285, %mul3A_291 : vector<16xf32>
      %get3A_293 = arith.constant 5 : i32
      %get3A_294 = arith.index_cast %get3A_293 : i32 to index
      %get3A_295 = arith.index_cast %add3A_113 : i32 to index
      %get3A_296 = tpu.vector_load %arg10[%get3A_294, %get3A_295] {strides = array<i32>} : memref<13x512xf32, #tpu.memory_space<vmem>>, vector<16xf32>,
      %mul3A_297 = vector.broadcast %squeeze3A_42 : f32 to vector<16xf32>
      %mul3A_298 = arith.mulf %get3A_296, %mul3A_297 : vector<16xf32>
      %add3A_299 = arith.addf %add3A_292, %mul3A_298 : vector<16xf32>
      %get3A_300 = arith.constant 6 : i32
      %get3A_301 = arith.index_cast %get3A_300 : i32 to index
      %get3A_302 = arith.index_cast %add3A_113 : i32 to index
      %get3A_303 = tpu.vector_load %arg10[%get3A_301, %get3A_302] {strides = array<i32>} : memref<13x512xf32, #tpu.memory_space<vmem>>, vector<16xf32>,
      %mul3A_304 = vector.broadcast %squeeze3A_44 : f32 to vector<16xf32>
      %mul3A_305 = arith.mulf %get3A_303, %mul3A_304 : vector<16xf32>
      %add3A_306 = arith.addf %add3A_299, %mul3A_305 : vector<16xf32>
      %get3A_307 = arith.constant 7 : i32
      %get3A_308 = arith.index_cast %get3A_307 : i32 to index
      %get3A_309 = arith.index_cast %add3A_113 : i32 to index
      %get3A_310 = tpu.vector_load %arg10[%get3A_308, %get3A_309] {strides = array<i32>} : memref<13x512xf32, #tpu.memory_space<vmem>>, vector<16xf32>,
      %mul3A_311 = vector.broadcast %squeeze3A_46 : f32 to vector<16xf32>
      %mul3A_312 = arith.mulf %get3A_310, %mul3A_311 : vector<16xf32>
      %add3A_313 = arith.addf %add3A_306, %mul3A_312 : vector<16xf32>
      %get3A_314 = arith.constant 8 : i32
      %get3A_315 = arith.index_cast %get3A_314 : i32 to index
      %get3A_316 = arith.index_cast %add3A_113 : i32 to index
      %get3A_317 = tpu.vector_load %arg10[%get3A_315, %get3A_316] {strides = array<i32>} : memref<13x512xf32, #tpu.memory_space<vmem>>, vector<16xf32>,
      %mul3A_318 = vector.broadcast %squeeze3A_48 : f32 to vector<16xf32>
      %mul3A_319 = arith.mulf %get3A_317, %mul3A_318 : vector<16xf32>
      %add3A_320 = arith.addf %add3A_313, %mul3A_319 : vector<16xf32>
      %get3A_321 = arith.constant 9 : i32
      %get3A_322 = arith.index_cast %get3A_321 : i32 to index
      %get3A_323 = arith.index_cast %add3A_113 : i32 to index
      %get3A_324 = tpu.vector_load %arg10[%get3A_322, %get3A_323] {strides = array<i32>} : memref<13x512xf32, #tpu.memory_space<vmem>>, vector<16xf32>,
      %mul3A_325 = vector.broadcast %squeeze3A_50 : f32 to vector<16xf32>
      %mul3A_326 = arith.mulf %get3A_324, %mul3A_325 : vector<16xf32>
      %add3A_327 = arith.addf %add3A_320, %mul3A_326 : vector<16xf32>
      %get3A_328 = arith.constant 10 : i32
      %get3A_329 = arith.index_cast %get3A_328 : i32 to index
      %get3A_330 = arith.index_cast %add3A_113 : i32 to index
      %get3A_331 = tpu.vector_load %arg10[%get3A_329, %get3A_330] {strides = array<i32>} : memref<13x512xf32, #tpu.memory_space<vmem>>, vector<16xf32>,
      %mul3A_332 = vector.broadcast %squeeze3A_52 : f32 to vector<16xf32>
      %mul3A_333 = arith.mulf %get3A_331, %mul3A_332 : vector<16xf32>
      %add3A_334 = arith.addf %add3A_327, %mul3A_333 : vector<16xf32>
      %get3A_335 = arith.constant 11 : i32
      %get3A_336 = arith.index_cast %get3A_335 : i32 to index
      %get3A_337 = arith.index_cast %add3A_113 : i32 to index
      %get3A_338 = tpu.vector_load %arg10[%get3A_336, %get3A_337] {strides = array<i32>} : memref<13x512xf32, #tpu.memory_space<vmem>>, vector<16xf32>,
      %mul3A_339 = vector.broadcast %squeeze3A_54 : f32 to vector<16xf32>
      %mul3A_340 = arith.mulf %get3A_338, %mul3A_339 : vector<16xf32>
      %add3A_341 = arith.addf %add3A_334, %mul3A_340 : vector<16xf32>
      %get3A_342 = arith.constant 12 : i32
      %get3A_343 = arith.index_cast %get3A_342 : i32 to index
      %get3A_344 = arith.index_cast %add3A_113 : i32 to index
      %get3A_345 = tpu.vector_load %arg10[%get3A_343, %get3A_344] {strides = array<i32>} : memref<13x512xf32, #tpu.memory_space<vmem>>, vector<16xf32>,
      %mul3A_346 = vector.broadcast %squeeze3A_56 : f32 to vector<16xf32>
      %mul3A_347 = arith.mulf %get3A_345, %mul3A_346 : vector<16xf32>
      %add3A_348 = arith.addf %add3A_341, %mul3A_347 : vector<16xf32>
      %swap3A = arith.index_cast %add3A_113 : i32 to index
      %swap3A_349 = tpu.vector_load %arg16[%swap3A] {strides = array<i32>} : memref<512xf32, #tpu.memory_space<vmem>>, vector<16xf32>,
      tpu.vector_store %arg16[%swap3A], %add3A_348 {strides = array<i32>} : memref<512xf32, #tpu.memory_space<vmem>>, vector<16xf32>,
    }
    %scan3A_94 = arith.constant 8 : i32
    %scan3A_95 = arith.constant 0 : i32
    %scan3A_96 = arith.constant 26 : i32
    %scan3A_97 = arith.addi %scan3A_95, %scan3A_96 : i32
    %scan3A_98 = arith.constant 1 : i32
    scf.for %scan3A_105 = %scan3A_95 to %scan3A_97 step %scan3A_98  : i32 {
      %mul3A_106 = arith.constant 1 : i32
      %mul3A_107 = arith.muli %scan3A_105, %mul3A_106 : i32
      %add3A_108 = arith.constant 0 : i32
      %add3A_109 = arith.addi %add3A_108, %mul3A_107 : i32
      %mul3A_110 = arith.constant 512 : i32
      %mul3A_111 = arith.muli %add3A_109, %mul3A_110 : i32
      %add3A_112 = arith.constant 384 : i32
      %add3A_113 = arith.addi %mul3A_111, %add3A_112 : i32
      %dma_wait3A_114 = tpu.memref_slice %arg12[%add3A_113] : memref<13312xf32, #tpu.memory_space<vmem>> -> memref<128xf32, #tpu.memory_space<vmem>>
      %dma_wait3A_115 = tpu.memref_slice %arg11[%add3A_113] : memref<13312xi32, #tpu.memory_space<vmem>> -> memref<128xi32, #tpu.memory_space<vmem>>
      %dma_wait3A_116 = arith.constant 0 : i32
      %dma_wait3A_117 = tpu.memref_slice %arg4[%dma_wait3A_116] : memref<999424xf32, #tpu.memory_space<hbm>> -> memref<999424xf32, #tpu.memory_space<hbm>>
      tpu.wait_indirect_dma semaphore(%arg22 : memref<!tpu.dma_semaphore, #tpu.memory_space<semaphore_mem>>) src(%dma_wait3A_117 : memref<999424xf32, #tpu.memory_space<hbm>>) dst(%dma_wait3A_114 : memref<128xf32, #tpu.memory_space<vmem>>)
    }
    %scan3A_99 = arith.constant 26 : i32
    %scan3A_100 = arith.constant 0 : i32
    %scan3A_101 = arith.constant 8 : i32
    %scan3A_102 = arith.addi %scan3A_100, %scan3A_101 : i32
    %scan3A_103 = arith.constant 1 : i32
    scf.for %scan3A_105 = %scan3A_100 to %scan3A_102 step %scan3A_103  : i32 {
      %mul3A_106 = arith.constant 1 : i32
      %mul3A_107 = arith.muli %scan3A_105, %mul3A_106 : i32
      %add3A_108 = arith.constant 0 : i32
      %add3A_109 = arith.addi %add3A_108, %mul3A_107 : i32
      %mul3A_110 = arith.constant 16 : i32
      %mul3A_111 = arith.muli %add3A_109, %mul3A_110 : i32
      %add3A_112 = arith.constant 384 : i32
      %add3A_113 = arith.addi %add3A_112, %mul3A_111 : i32
      %broadcast_in_dim3A = vector.broadcast %squeeze3A_60 : f32 to vector<16xf32>
      %add3A_114 = arith.constant 0 : i32
      %add3A_115 = arith.addi %add3A_113, %add3A_114 : i32
      %get3A_116 = arith.index_cast %add3A_115 : i32 to index
      %get3A_117 = tpu.vector_load %arg12[%get3A_116] {strides = array<i32>} : memref<13312xf32, #tpu.memory_space<vmem>>, vector<16xf32>,
      %add3A_118 = arith.addf %broadcast_in_dim3A, %get3A_117 : vector<16xf32>
      %add3A_119 = arith.constant 512 : i32
      %add3A_120 = arith.addi %add3A_113, %add3A_119 : i32
      %get3A_121 = arith.index_cast %add3A_120 : i32 to index
      %get3A_122 = tpu.vector_load %arg12[%get3A_121] {strides = array<i32>} : memref<13312xf32, #tpu.memory_space<vmem>>, vector<16xf32>,
      %add3A_123 = arith.addf %add3A_118, %get3A_122 : vector<16xf32>
      %add3A_124 = arith.constant 1024 : i32
      %add3A_125 = arith.addi %add3A_113, %add3A_124 : i32
      %get3A_126 = arith.index_cast %add3A_125 : i32 to index
      %get3A_127 = tpu.vector_load %arg12[%get3A_126] {strides = array<i32>} : memref<13312xf32, #tpu.memory_space<vmem>>, vector<16xf32>,
      %add3A_128 = arith.addf %add3A_123, %get3A_127 : vector<16xf32>
      %add3A_129 = arith.constant 1536 : i32
      %add3A_130 = arith.addi %add3A_113, %add3A_129 : i32
      %get3A_131 = arith.index_cast %add3A_130 : i32 to index
      %get3A_132 = tpu.vector_load %arg12[%get3A_131] {strides = array<i32>} : memref<13312xf32, #tpu.memory_space<vmem>>, vector<16xf32>,
      %add3A_133 = arith.addf %add3A_128, %get3A_132 : vector<16xf32>
      %add3A_134 = arith.constant 2048 : i32
      %add3A_135 = arith.addi %add3A_113, %add3A_134 : i32
      %get3A_136 = arith.index_cast %add3A_135 : i32 to index
      %get3A_137 = tpu.vector_load %arg12[%get3A_136] {strides = array<i32>} : memref<13312xf32, #tpu.memory_space<vmem>>, vector<16xf32>,
      %add3A_138 = arith.addf %add3A_133, %get3A_137 : vector<16xf32>
      %add3A_139 = arith.constant 2560 : i32
      %add3A_140 = arith.addi %add3A_113, %add3A_139 : i32
      %get3A_141 = arith.index_cast %add3A_140 : i32 to index
      %get3A_142 = tpu.vector_load %arg12[%get3A_141] {strides = array<i32>} : memref<13312xf32, #tpu.memory_space<vmem>>, vector<16xf32>,
      %add3A_143 = arith.addf %add3A_138, %get3A_142 : vector<16xf32>
      %add3A_144 = arith.constant 3072 : i32
      %add3A_145 = arith.addi %add3A_113, %add3A_144 : i32
      %get3A_146 = arith.index_cast %add3A_145 : i32 to index
      %get3A_147 = tpu.vector_load %arg12[%get3A_146] {strides = array<i32>} : memref<13312xf32, #tpu.memory_space<vmem>>, vector<16xf32>,
      %add3A_148 = arith.addf %add3A_143, %get3A_147 : vector<16xf32>
      %add3A_149 = arith.constant 3584 : i32
      %add3A_150 = arith.addi %add3A_113, %add3A_149 : i32
      %get3A_151 = arith.index_cast %add3A_150 : i32 to index
      %get3A_152 = tpu.vector_load %arg12[%get3A_151] {strides = array<i32>} : memref<13312xf32, #tpu.memory_space<vmem>>, vector<16xf32>,
      %add3A_153 = arith.addf %add3A_148, %get3A_152 : vector<16xf32>
      %add3A_154 = arith.constant 4096 : i32
      %add3A_155 = arith.addi %add3A_113, %add3A_154 : i32
      %get3A_156 = arith.index_cast %add3A_155 : i32 to index
      %get3A_157 = tpu.vector_load %arg12[%get3A_156] {strides = array<i32>} : memref<13312xf32, #tpu.memory_space<vmem>>, vector<16xf32>,
      %add3A_158 = arith.addf %add3A_153, %get3A_157 : vector<16xf32>
      %add3A_159 = arith.constant 4608 : i32
      %add3A_160 = arith.addi %add3A_113, %add3A_159 : i32
      %get3A_161 = arith.index_cast %add3A_160 : i32 to index
      %get3A_162 = tpu.vector_load %arg12[%get3A_161] {strides = array<i32>} : memref<13312xf32, #tpu.memory_space<vmem>>, vector<16xf32>,
      %add3A_163 = arith.addf %add3A_158, %get3A_162 : vector<16xf32>
      %add3A_164 = arith.constant 5120 : i32
      %add3A_165 = arith.addi %add3A_113, %add3A_164 : i32
      %get3A_166 = arith.index_cast %add3A_165 : i32 to index
      %get3A_167 = tpu.vector_load %arg12[%get3A_166] {strides = array<i32>} : memref<13312xf32, #tpu.memory_space<vmem>>, vector<16xf32>,
      %add3A_168 = arith.addf %add3A_163, %get3A_167 : vector<16xf32>
      %add3A_169 = arith.constant 5632 : i32
      %add3A_170 = arith.addi %add3A_113, %add3A_169 : i32
      %get3A_171 = arith.index_cast %add3A_170 : i32 to index
      %get3A_172 = tpu.vector_load %arg12[%get3A_171] {strides = array<i32>} : memref<13312xf32, #tpu.memory_space<vmem>>, vector<16xf32>,
      %add3A_173 = arith.addf %add3A_168, %get3A_172 : vector<16xf32>
      %add3A_174 = arith.constant 6144 : i32
      %add3A_175 = arith.addi %add3A_113, %add3A_174 : i32
      %get3A_176 = arith.index_cast %add3A_175 : i32 to index
      %get3A_177 = tpu.vector_load %arg12[%get3A_176] {strides = array<i32>} : memref<13312xf32, #tpu.memory_space<vmem>>, vector<16xf32>,
      %add3A_178 = arith.addf %add3A_173, %get3A_177 : vector<16xf32>
      %add3A_179 = arith.constant 6656 : i32
      %add3A_180 = arith.addi %add3A_113, %add3A_179 : i32
      %get3A_181 = arith.index_cast %add3A_180 : i32 to index
      %get3A_182 = tpu.vector_load %arg12[%get3A_181] {strides = array<i32>} : memref<13312xf32, #tpu.memory_space<vmem>>, vector<16xf32>,
      %add3A_183 = arith.addf %add3A_178, %get3A_182 : vector<16xf32>
      %add3A_184 = arith.constant 7168 : i32
      %add3A_185 = arith.addi %add3A_113, %add3A_184 : i32
      %get3A_186 = arith.index_cast %add3A_185 : i32 to index
      %get3A_187 = tpu.vector_load %arg12[%get3A_186] {strides = array<i32>} : memref<13312xf32, #tpu.memory_space<vmem>>, vector<16xf32>,
      %add3A_188 = arith.addf %add3A_183, %get3A_187 : vector<16xf32>
      %add3A_189 = arith.constant 7680 : i32
      %add3A_190 = arith.addi %add3A_113, %add3A_189 : i32
      %get3A_191 = arith.index_cast %add3A_190 : i32 to index
      %get3A_192 = tpu.vector_load %arg12[%get3A_191] {strides = array<i32>} : memref<13312xf32, #tpu.memory_space<vmem>>, vector<16xf32>,
      %add3A_193 = arith.addf %add3A_188, %get3A_192 : vector<16xf32>
      %add3A_194 = arith.constant 8192 : i32
      %add3A_195 = arith.addi %add3A_113, %add3A_194 : i32
      %get3A_196 = arith.index_cast %add3A_195 : i32 to index
      %get3A_197 = tpu.vector_load %arg12[%get3A_196] {strides = array<i32>} : memref<13312xf32, #tpu.memory_space<vmem>>, vector<16xf32>,
      %add3A_198 = arith.addf %add3A_193, %get3A_197 : vector<16xf32>
      %add3A_199 = arith.constant 8704 : i32
      %add3A_200 = arith.addi %add3A_113, %add3A_199 : i32
      %get3A_201 = arith.index_cast %add3A_200 : i32 to index
      %get3A_202 = tpu.vector_load %arg12[%get3A_201] {strides = array<i32>} : memref<13312xf32, #tpu.memory_space<vmem>>, vector<16xf32>,
      %add3A_203 = arith.addf %add3A_198, %get3A_202 : vector<16xf32>
      %add3A_204 = arith.constant 9216 : i32
      %add3A_205 = arith.addi %add3A_113, %add3A_204 : i32
      %get3A_206 = arith.index_cast %add3A_205 : i32 to index
      %get3A_207 = tpu.vector_load %arg12[%get3A_206] {strides = array<i32>} : memref<13312xf32, #tpu.memory_space<vmem>>, vector<16xf32>,
      %add3A_208 = arith.addf %add3A_203, %get3A_207 : vector<16xf32>
      %add3A_209 = arith.constant 9728 : i32
      %add3A_210 = arith.addi %add3A_113, %add3A_209 : i32
      %get3A_211 = arith.index_cast %add3A_210 : i32 to index
      %get3A_212 = tpu.vector_load %arg12[%get3A_211] {strides = array<i32>} : memref<13312xf32, #tpu.memory_space<vmem>>, vector<16xf32>,
      %add3A_213 = arith.addf %add3A_208, %get3A_212 : vector<16xf32>
      %add3A_214 = arith.constant 10240 : i32
      %add3A_215 = arith.addi %add3A_113, %add3A_214 : i32
      %get3A_216 = arith.index_cast %add3A_215 : i32 to index
      %get3A_217 = tpu.vector_load %arg12[%get3A_216] {strides = array<i32>} : memref<13312xf32, #tpu.memory_space<vmem>>, vector<16xf32>,
      %add3A_218 = arith.addf %add3A_213, %get3A_217 : vector<16xf32>
      %add3A_219 = arith.constant 10752 : i32
      %add3A_220 = arith.addi %add3A_113, %add3A_219 : i32
      %get3A_221 = arith.index_cast %add3A_220 : i32 to index
      %get3A_222 = tpu.vector_load %arg12[%get3A_221] {strides = array<i32>} : memref<13312xf32, #tpu.memory_space<vmem>>, vector<16xf32>,
      %add3A_223 = arith.addf %add3A_218, %get3A_222 : vector<16xf32>
      %add3A_224 = arith.constant 11264 : i32
      %add3A_225 = arith.addi %add3A_113, %add3A_224 : i32
      %get3A_226 = arith.index_cast %add3A_225 : i32 to index
      %get3A_227 = tpu.vector_load %arg12[%get3A_226] {strides = array<i32>} : memref<13312xf32, #tpu.memory_space<vmem>>, vector<16xf32>,
      %add3A_228 = arith.addf %add3A_223, %get3A_227 : vector<16xf32>
      %add3A_229 = arith.constant 11776 : i32
      %add3A_230 = arith.addi %add3A_113, %add3A_229 : i32
      %get3A_231 = arith.index_cast %add3A_230 : i32 to index
      %get3A_232 = tpu.vector_load %arg12[%get3A_231] {strides = array<i32>} : memref<13312xf32, #tpu.memory_space<vmem>>, vector<16xf32>,
      %add3A_233 = arith.addf %add3A_228, %get3A_232 : vector<16xf32>
      %add3A_234 = arith.constant 12288 : i32
      %add3A_235 = arith.addi %add3A_113, %add3A_234 : i32
      %get3A_236 = arith.index_cast %add3A_235 : i32 to index
      %get3A_237 = tpu.vector_load %arg12[%get3A_236] {strides = array<i32>} : memref<13312xf32, #tpu.memory_space<vmem>>, vector<16xf32>,
      %add3A_238 = arith.addf %add3A_233, %get3A_237 : vector<16xf32>
      %get3A_239 = arith.constant 25 : i32
      %get3A_240 = arith.index_cast %get3A_239 : i32 to index
      %get3A_241 = arith.index_cast %add3A_113 : i32 to index
      %get3A_242 = tpu.vector_load %arg9[%get3A_240, %get3A_241] {strides = array<i32>} : memref<26x512xi32, #tpu.memory_space<vmem>>, vector<16xi32>,
      %add3A_243 = arith.constant 961525 : i32
      %add3A_244 = vector.broadcast %add3A_243 : i32 to vector<16xi32>
      %add3A_245 = arith.addi %get3A_242, %add3A_244 : vector<16xi32>
      %sub3A = arith.constant 999424 : i32
      %sub3A_246 = vector.broadcast %sub3A : i32 to vector<16xi32>
      %sub3A_247 = arith.subi %add3A_245, %sub3A_246 : vector<16xi32>
      %jit3A = arith.constant 0 : i32
      %jit3A_248 = arith.constant 1023 : i32
      %max3A = vector.broadcast %jit3A : i32 to vector<16xi32>
      %max3A_249 = arith.maxsi %max3A, %sub3A_247 : vector<16xi32>
      %min3A = vector.broadcast %jit3A_248 : i32 to vector<16xi32>
      %min3A_250 = arith.minsi %min3A, %max3A_249 : vector<16xi32>
      %gather3A = tpu.vector_load_idx %arg13[%min3A_250] : memref<1024xf32, #tpu.memory_space<vmem>>[vector<16xi32>], vector<16xf32>,
      %add3A_251 = arith.constant 12800 : i32
      %add3A_252 = arith.addi %add3A_113, %add3A_251 : i32
      %get3A_253 = arith.index_cast %add3A_252 : i32 to index
      %get3A_254 = tpu.vector_load %arg12[%get3A_253] {strides = array<i32>} : memref<13312xf32, #tpu.memory_space<vmem>>, vector<16xf32>,
      %ge3A = arith.constant 999424 : i32
      %ge3A_255 = vector.broadcast %ge3A : i32 to vector<16xi32>
      %ge3A_256 = arith.cmpi sge, %add3A_245, %ge3A_255 : vector<16xi32>
      %select_n3A = arith.select %ge3A_256, %gather3A, %get3A_254 : vector<16xi1>, vector<16xf32>
      %add3A_257 = arith.addf %add3A_238, %select_n3A : vector<16xf32>
      %get3A_258 = arith.constant 0 : i32
      %get3A_259 = arith.index_cast %get3A_258 : i32 to index
      %get3A_260 = arith.index_cast %add3A_113 : i32 to index
      %get3A_261 = tpu.vector_load %arg10[%get3A_259, %get3A_260] {strides = array<i32>} : memref<13x512xf32, #tpu.memory_space<vmem>>, vector<16xf32>,
      %mul3A_262 = vector.broadcast %squeeze3A : f32 to vector<16xf32>
      %mul3A_263 = arith.mulf %get3A_261, %mul3A_262 : vector<16xf32>
      %add3A_264 = arith.addf %add3A_257, %mul3A_263 : vector<16xf32>
      %get3A_265 = arith.constant 1 : i32
      %get3A_266 = arith.index_cast %get3A_265 : i32 to index
      %get3A_267 = arith.index_cast %add3A_113 : i32 to index
      %get3A_268 = tpu.vector_load %arg10[%get3A_266, %get3A_267] {strides = array<i32>} : memref<13x512xf32, #tpu.memory_space<vmem>>, vector<16xf32>,
      %mul3A_269 = vector.broadcast %squeeze3A_34 : f32 to vector<16xf32>
      %mul3A_270 = arith.mulf %get3A_268, %mul3A_269 : vector<16xf32>
      %add3A_271 = arith.addf %add3A_264, %mul3A_270 : vector<16xf32>
      %get3A_272 = arith.constant 2 : i32
      %get3A_273 = arith.index_cast %get3A_272 : i32 to index
      %get3A_274 = arith.index_cast %add3A_113 : i32 to index
      %get3A_275 = tpu.vector_load %arg10[%get3A_273, %get3A_274] {strides = array<i32>} : memref<13x512xf32, #tpu.memory_space<vmem>>, vector<16xf32>,
      %mul3A_276 = vector.broadcast %squeeze3A_36 : f32 to vector<16xf32>
      %mul3A_277 = arith.mulf %get3A_275, %mul3A_276 : vector<16xf32>
      %add3A_278 = arith.addf %add3A_271, %mul3A_277 : vector<16xf32>
      %get3A_279 = arith.constant 3 : i32
      %get3A_280 = arith.index_cast %get3A_279 : i32 to index
      %get3A_281 = arith.index_cast %add3A_113 : i32 to index
      %get3A_282 = tpu.vector_load %arg10[%get3A_280, %get3A_281] {strides = array<i32>} : memref<13x512xf32, #tpu.memory_space<vmem>>, vector<16xf32>,
      %mul3A_283 = vector.broadcast %squeeze3A_38 : f32 to vector<16xf32>
      %mul3A_284 = arith.mulf %get3A_282, %mul3A_283 : vector<16xf32>
      %add3A_285 = arith.addf %add3A_278, %mul3A_284 : vector<16xf32>
      %get3A_286 = arith.constant 4 : i32
      %get3A_287 = arith.index_cast %get3A_286 : i32 to index
      %get3A_288 = arith.index_cast %add3A_113 : i32 to index
      %get3A_289 = tpu.vector_load %arg10[%get3A_287, %get3A_288] {strides = array<i32>} : memref<13x512xf32, #tpu.memory_space<vmem>>, vector<16xf32>,
      %mul3A_290 = vector.broadcast %squeeze3A_40 : f32 to vector<16xf32>
      %mul3A_291 = arith.mulf %get3A_289, %mul3A_290 : vector<16xf32>
      %add3A_292 = arith.addf %add3A_285, %mul3A_291 : vector<16xf32>
      %get3A_293 = arith.constant 5 : i32
      %get3A_294 = arith.index_cast %get3A_293 : i32 to index
      %get3A_295 = arith.index_cast %add3A_113 : i32 to index
      %get3A_296 = tpu.vector_load %arg10[%get3A_294, %get3A_295] {strides = array<i32>} : memref<13x512xf32, #tpu.memory_space<vmem>>, vector<16xf32>,
      %mul3A_297 = vector.broadcast %squeeze3A_42 : f32 to vector<16xf32>
      %mul3A_298 = arith.mulf %get3A_296, %mul3A_297 : vector<16xf32>
      %add3A_299 = arith.addf %add3A_292, %mul3A_298 : vector<16xf32>
      %get3A_300 = arith.constant 6 : i32
      %get3A_301 = arith.index_cast %get3A_300 : i32 to index
      %get3A_302 = arith.index_cast %add3A_113 : i32 to index
      %get3A_303 = tpu.vector_load %arg10[%get3A_301, %get3A_302] {strides = array<i32>} : memref<13x512xf32, #tpu.memory_space<vmem>>, vector<16xf32>,
      %mul3A_304 = vector.broadcast %squeeze3A_44 : f32 to vector<16xf32>
      %mul3A_305 = arith.mulf %get3A_303, %mul3A_304 : vector<16xf32>
      %add3A_306 = arith.addf %add3A_299, %mul3A_305 : vector<16xf32>
      %get3A_307 = arith.constant 7 : i32
      %get3A_308 = arith.index_cast %get3A_307 : i32 to index
      %get3A_309 = arith.index_cast %add3A_113 : i32 to index
      %get3A_310 = tpu.vector_load %arg10[%get3A_308, %get3A_309] {strides = array<i32>} : memref<13x512xf32, #tpu.memory_space<vmem>>, vector<16xf32>,
      %mul3A_311 = vector.broadcast %squeeze3A_46 : f32 to vector<16xf32>
      %mul3A_312 = arith.mulf %get3A_310, %mul3A_311 : vector<16xf32>
      %add3A_313 = arith.addf %add3A_306, %mul3A_312 : vector<16xf32>
      %get3A_314 = arith.constant 8 : i32
      %get3A_315 = arith.index_cast %get3A_314 : i32 to index
      %get3A_316 = arith.index_cast %add3A_113 : i32 to index
      %get3A_317 = tpu.vector_load %arg10[%get3A_315, %get3A_316] {strides = array<i32>} : memref<13x512xf32, #tpu.memory_space<vmem>>, vector<16xf32>,
      %mul3A_318 = vector.broadcast %squeeze3A_48 : f32 to vector<16xf32>
      %mul3A_319 = arith.mulf %get3A_317, %mul3A_318 : vector<16xf32>
      %add3A_320 = arith.addf %add3A_313, %mul3A_319 : vector<16xf32>
      %get3A_321 = arith.constant 9 : i32
      %get3A_322 = arith.index_cast %get3A_321 : i32 to index
      %get3A_323 = arith.index_cast %add3A_113 : i32 to index
      %get3A_324 = tpu.vector_load %arg10[%get3A_322, %get3A_323] {strides = array<i32>} : memref<13x512xf32, #tpu.memory_space<vmem>>, vector<16xf32>,
      %mul3A_325 = vector.broadcast %squeeze3A_50 : f32 to vector<16xf32>
      %mul3A_326 = arith.mulf %get3A_324, %mul3A_325 : vector<16xf32>
      %add3A_327 = arith.addf %add3A_320, %mul3A_326 : vector<16xf32>
      %get3A_328 = arith.constant 10 : i32
      %get3A_329 = arith.index_cast %get3A_328 : i32 to index
      %get3A_330 = arith.index_cast %add3A_113 : i32 to index
      %get3A_331 = tpu.vector_load %arg10[%get3A_329, %get3A_330] {strides = array<i32>} : memref<13x512xf32, #tpu.memory_space<vmem>>, vector<16xf32>,
      %mul3A_332 = vector.broadcast %squeeze3A_52 : f32 to vector<16xf32>
      %mul3A_333 = arith.mulf %get3A_331, %mul3A_332 : vector<16xf32>
      %add3A_334 = arith.addf %add3A_327, %mul3A_333 : vector<16xf32>
      %get3A_335 = arith.constant 11 : i32
      %get3A_336 = arith.index_cast %get3A_335 : i32 to index
      %get3A_337 = arith.index_cast %add3A_113 : i32 to index
      %get3A_338 = tpu.vector_load %arg10[%get3A_336, %get3A_337] {strides = array<i32>} : memref<13x512xf32, #tpu.memory_space<vmem>>, vector<16xf32>,
      %mul3A_339 = vector.broadcast %squeeze3A_54 : f32 to vector<16xf32>
      %mul3A_340 = arith.mulf %get3A_338, %mul3A_339 : vector<16xf32>
      %add3A_341 = arith.addf %add3A_334, %mul3A_340 : vector<16xf32>
      %get3A_342 = arith.constant 12 : i32
      %get3A_343 = arith.index_cast %get3A_342 : i32 to index
      %get3A_344 = arith.index_cast %add3A_113 : i32 to index
      %get3A_345 = tpu.vector_load %arg10[%get3A_343, %get3A_344] {strides = array<i32>} : memref<13x512xf32, #tpu.memory_space<vmem>>, vector<16xf32>,
      %mul3A_346 = vector.broadcast %squeeze3A_56 : f32 to vector<16xf32>
      %mul3A_347 = arith.mulf %get3A_345, %mul3A_346 : vector<16xf32>
      %add3A_348 = arith.addf %add3A_341, %mul3A_347 : vector<16xf32>
      %swap3A = arith.index_cast %add3A_113 : i32 to index
      %swap3A_349 = tpu.vector_load %arg16[%swap3A] {strides = array<i32>} : memref<512xf32, #tpu.memory_space<vmem>>, vector<16xf32>,
      tpu.vector_store %arg16[%swap3A], %add3A_348 {strides = array<i32>} : memref<512xf32, #tpu.memory_space<vmem>>, vector<16xf32>,
    }
    %scan3A_104 = arith.constant 8 : i32
    "tpu.region"() ({
      %run_scoped3A = tpu.sem_alloc : memref<!tpu.dma_semaphore, #tpu.memory_space<semaphore_mem>>
      %dma_start3A_105 = tpu.memref_slice %arg8[%mul3A_2] : memref<16384xf32, #tpu.memory_space<hbm>> -> memref<512xf32, #tpu.memory_space<hbm>>
      %dma_start3A_106 = tpu.memref_slice %arg8[%mul3A_2] : memref<16384xf32, #tpu.memory_space<hbm>> -> memref<512xf32, #tpu.memory_space<hbm>>
      tpu.enqueue_dma source(%arg16 : memref<512xf32, #tpu.memory_space<vmem>>) target(%dma_start3A_106 : memref<512xf32, #tpu.memory_space<hbm>>) target_semaphore(%run_scoped3A : memref<!tpu.dma_semaphore, #tpu.memory_space<semaphore_mem>>)
      %dma_wait3A_107 = tpu.memref_slice %arg8[%mul3A_2] : memref<16384xf32, #tpu.memory_space<hbm>> -> memref<512xf32, #tpu.memory_space<hbm>>
      %dma_wait3A_108 = tpu.memref_slice %arg8[%mul3A_2] : memref<16384xf32, #tpu.memory_space<hbm>> -> memref<512xf32, #tpu.memory_space<hbm>>
      tpu.wait_dma2 semaphore(%run_scoped3A : memref<!tpu.dma_semaphore, #tpu.memory_space<semaphore_mem>>) src(%arg16 : memref<512xf32, #tpu.memory_space<vmem>>) dst(%dma_wait3A_108 : memref<512xf32, #tpu.memory_space<hbm>>)
      tpu.yield
    }) : () -> ()
    return
  }
}

</mosaic_0001>

<sc_bundles>
// kernel: kernel.3.cloned.1.call-start
scs
__scs_entry_jumppad:
0x0: {  	(pc) =	sbr.rel $0x88, $3  }
0x1: {  	(tag) =	ssettag $0x0;
	lr =	simm.s32 $0x1  }
0x2: {  	[smem:$0x3F9C] =	sst lr;
	_ =	strace $0xD0000000  }
0x3: {  	_ = 	snop  }
0x4: {  	_ = 	snop  }
0x5: {  	_ = 	snop  }
0x6: {  	_ = 	snop  }
0x7: {  	_ = 	snop  }
__scs_overlays_trampoline_lowered:
0x8: {  	[smem:$0x3FAB] =	sst s0  }
0x9: {  	[smem:$0x3FAC] =	sst s1  }
0xa: {  	[smem:$0x3FAD] =	sst s2  }
0xb: {  	[smem:$0x3FAE] =	sst s3  }
0xc: {  	[smem:$0x3FAF] =	sst s4  }
0xd: {  	[smem:$0x3FB0] =	sst s5  }
0xe: {  	[smem:$0x3FB1] =	sst s6  }
0xf: {  	[smem:$0x3FB2] =	sst s7  }
0x10: {  	[smem:$0x3FB3] =	sst s8  }
0x11: {  	[smem:$0x3FB4] =	sst s9;
	s0 =	simm.s32 @!p0 $0x0  }
0x12: {  	s1 =	sld [smem:$0x3F9A];
	s0 =	simm.s32 @p0 $0x1  }
0x13: {  	[smem:$0x3FB5] =	sst s0;
	s0 =	simm.s32 @!p1 $0x0  }
0x14: {  	s2 =	sld [smem:$0x3F99];
	s0 =	simm.s32 @p1 $0x1  }
0x15: {  	[smem:$0x3FB6] =	sst s0;
	s0 =	simm.s32 @!p2 $0x0  }
0x16: {  	s3 =	sld [smem:$0x3FDB];
	s0 =	simm.s32 @p2 $0x1  }
0x17: {  	s4 =	simm.s32 $0x1BF5;
	[smem:$0x3FB8] =	sst s0  }
0x18: {  	s0 =	sld [smem:$0x3F9B];
	_ =	swait.ge [sflag:s4], $0x0  }
0x19: {  	s7 =	sld [smem:$0x3F9C]  }
0x1a: {  	s8 =	sadd.s32 $0xFFFFE003, lr  }
0x1b: {  	s9 =	sadd.s32 $0xFFFFFEF7, lr;
	s5 =	simm.s32 $0xFFFFFFFF;
	p2 =	slt.u32 s8, $0xFFFFF086  }
0x1c: {  	p1 =	slt.u32 s9, $0xF7A;
	s5 =	simm.s32 @!p2 $0x0  }
0x1d: {  	s5 =	simm.s32 @p1 $0x1;
	p0 =	seq.s32 s7, s2  }
0x1e: {  	s7 =	smul.u32 @!p0 $0xF7A, s2;
	p2 =	seq.s32 @!p0 s5, $0x0  }
0x1f: {  	s9 =	smul.u32 $0xF7A, s1;
	s8 =	simm.s32 @!p0 $0x1BF5;
	p2 =	por !p2, p0  }
0x20: {  	[sflag:s8] =	ssyncset.s32 @!p0 $0xFFFFF086;
	s6 =	sadd.s32 @!p0 s3, s7;
	s7 =	simm.s32 @!p0 $0x108  }
0x21: {  	s3 =	sadd.s32 s3, s9;
	s6 =	sadd.s32 @!p0 $0x88, s6;
	s7 =	simm.s32 @p2 $0x1082  }
0x22: {  	[simem:s7], [sflag:s8] =	dma.local @!p0 [hbm:s6], $0xF7A  }
0x23: {  	s9 =	sor.u32 $0xD0000000, s2;
	s6 =	simm.s32 $0x108;
	_ =	swait.ge @!p0 [sflag:s8], $0x0  }
0x24: {  	s3 =	sadd.s32 $0x88, s3;
	s6 =	simm.s32 @!p1 $0x1082;
	[sflag:s4] =	ssyncset.s32 $0xFFFFF086  }
0x25: {  	[simem:s6], [sflag:s4] =	dma.local [hbm:s3], $0xF7A  }
0x26: {  	[smem:$0x3F9C] =	sst s1;
	(tag) =	ssettag s2;
	_ =	strace s9  }
0x27: {  	s1 =	sld [smem:$0x3FAC]  }
0x28: {  	s2 =	sld [smem:$0x3FAD]  }
0x29: {  	s4 =	sld [smem:$0x3FAF]  }
0x2a: {  	p0 =	seq.s32 s5, $0x0;
	s5 =	sld [smem:$0x3FB0]  }
0x2b: {  	s6 =	sld [smem:$0x3FB1]  }
0x2c: {  	s7 =	sld [smem:$0x3FB2]  }
0x2d: {  	s3 =	simm.s32 $0x108;
	s8 =	sld [smem:$0x3FB3]  }
0x2e: {  	s3 =	simm.s32 @!p0 $0x1082;
	s9 =	sld [smem:$0x3FB4]  }
0x2f: {  	lr =	sadd.s32 s0, s3;
	s0 =	sld [smem:$0x3FAB]  }
0x30: {  	s3 =	sld [smem:$0x3FAE]  }
0x31: {  	[smem:$0x3FB7] =	sst s10  }
0x32: {  	s10 =	sld [smem:$0x3FB5];
	_ =	sdelay $0x3  }
0x33: {  	p0 =	seq.s32 s10, $0x1;
	s10 =	sld [smem:$0x3FB7];
	_ =	sdelay $0x3  }
0x34: {  	[smem:$0x3FB7] =	sst s10  }
0x35: {  	s10 =	sld [smem:$0x3FB6];
	_ =	sdelay $0x3  }
0x36: {  	p1 =	seq.s32 s10, $0x1;
	s10 =	sld [smem:$0x3FB7];
	_ =	sdelay $0x3  }
0x37: {  	[smem:$0x3FB7] =	sst s10  }
0x38: {  	s10 =	sld [smem:$0x3FB8]  }
0x39: {  	_ = 	snop;
	(pc) =	sbr.ind lr, $3  }
0x3a: {  	_ = 	snop  }
0x3b: {  	_ = 	snop  }
0x3c: {  	p2 =	seq.s32 s10, $0x1;
	s10 =	sld [smem:$0x3FB7]  }
0x3d: {  	_ =	shalt  }
0x3e: {  	_ =	shalt  }
0x3f: {  	_ =	shalt  }
0x40: {  	_ =	shalt  }
0x41: {  	_ =	shalt  }
0x42: {  	_ =	shalt  }
0x43: {  	_ =	shalt  }
0x44: {  	_ =	shalt  }
0x45: {  	_ =	shalt  }
0x46: {  	_ =	shalt  }
0x47: {  	_ =	shalt  }
0x48: {  	_ =	shalt  }
0x49: {  	_ =	shalt  }
0x4a: {  	_ =	shalt  }
0x4b: {  	_ =	shalt  }
0x4c: {  	_ =	shalt  }
0x4d: {  	_ =	shalt  }
0x4e: {  	_ =	shalt  }
0x4f: {  	_ =	shalt  }
0x50: {  	_ =	shalt  }
0x51: {  	_ =	shalt  }
0x52: {  	_ =	shalt  }
0x53: {  	_ =	shalt  }
0x54: {  	_ =	shalt  }
0x55: {  	_ =	shalt  }
0x56: {  	_ =	shalt  }
0x57: {  	_ =	shalt  }
0x58: {  	_ =	shalt  }
0x59: {  	_ =	shalt  }
0x5a: {  	_ =	shalt  }
0x5b: {  	_ =	shalt  }
0x5c: {  	_ =	shalt  }
0x5d: {  	_ =	shalt  }
0x5e: {  	_ =	shalt  }
0x5f: {  	_ =	shalt  }
0x60: {  	_ =	shalt  }
0x61: {  	_ =	shalt  }
0x62: {  	_ =	shalt  }
0x63: {  	_ =	shalt  }
0x64: {  	_ =	shalt  }
0x65: {  	_ =	shalt  }
0x66: {  	_ =	shalt  }
0x67: {  	_ =	shalt  }
0x68: {  	_ =	shalt  }
0x69: {  	_ =	shalt  }
0x6a: {  	_ =	shalt  }
0x6b: {  	_ =	shalt  }
0x6c: {  	_ =	shalt  }
0x6d: {  	_ =	shalt  }
0x6e: {  	_ =	shalt  }
0x6f: {  	_ =	shalt  }
0x70: {  	_ =	shalt  }
0x71: {  	_ =	shalt  }
0x72: {  	_ =	shalt  }
0x73: {  	_ =	shalt  }
0x74: {  	_ =	shalt  }
0x75: {  	_ =	shalt  }
0x76: {  	_ =	shalt  }
0x77: {  	_ =	shalt  }
0x78: {  	_ =	shalt  }
0x79: {  	_ =	shalt  }
0x7a: {  	_ =	shalt  }
0x7b: {  	_ =	shalt  }
0x7c: {  	_ =	shalt  }
0x7d: {  	_ =	shalt  }
0x7e: {  	_ =	shalt  }
0x7f: {  	_ =	shalt  }
0x80: {  	_ =	shalt  }
0x81: {  	_ =	shalt  }
0x82: {  	_ =	shalt  }
0x83: {  	_ =	shalt  }
0x84: {  	_ =	shalt  }
0x85: {  	_ =	shalt  }
0x86: {  	_ =	shalt  }
0x87: {  	_ =	shalt  }
.Lfunc_end0:
.L_simem_size_0:
called_computation_lowered:
.L_overlay_start_0:
0x88: {  	s2 =	sld [smem:$0x3FD9]  }
0x89: {  	s3 =	sld [smem:$0x3FFE];
	_ =	sdelay $0x1  }
0x8a: {  	s1 =	srdreg.scid  }
0x8b: {  	s0 =	sand.u32 $0x1, s1  }
0x8c: {  	s17 =	sshll.u32 s0, $0xA;
	s2 =	sadd.s32 s3, s2  }
0x8d: {  	s2 =	sadd.s32 s2, s17  }
0x8e: {  	[smem:$0x3FC3] =	sst s2  }
0x8f: {  	_ = 	snop  }
0x90: {  	s2 =	sld [smem:$0x3FC9]  }
0x91: {  	s18 =	sld [smem:$0x3FC8]  }
0x92: {  	s4 =	sld [smem:$0x3FC6]  }
0x93: {  	s5 =	sld [smem:$0x3FC5]  }
0x94: {  	s6 =	sld [smem:$0x3FD0];
	(tm) =	ssettm $0x1  }
0x95: {  	s7 =	sld [smem:$0x3FFB];
	_ =	sdelay $0x3  }
0x96: {  	_ =	strace s7  }
0x97: {  	s7 =	sld [smem:$0x3FFC];
	_ =	sdelay $0x3  }
0x98: {  	_ =	strace s7  }
0x99: {  	s7 =	sld [smem:$0x3FFD];
	_ =	sdelay $0x3  }
0x9a: {  	_ =	strace s7  }
0x9b: {  	_ =	strace $0x8FFFFFFF  }
0x9c: {  	s19 =	sld [smem:$0x3FDB];
	_ =	sdelay $0x1  }
0x9d: {  	s8 =	simm.s32 $_scs_section_size  }
0x9e: {  	s9 =	simm.s32 $_size__tile_overlayer_lowered;
	s10 =	simm.s32 $_tile_overlayer_lowered  }
0x9f: {  	s22 =	simm.s32 $0x1BFF;
	s21 =	sshll.u32 s10, $0x1;
	s7 =	sadd.s32 s8, s19  }
0xa0: {  	s11 =	simm.s32 $0x0;
	s20 =	sshll.u32 s9, $0x1;
	s9 =	sadd.s32 s21, s7  }
0xa1: {  	[timem:s11], [sflag:s22] =	dma.local [hbm:s9], s20  }
0xa2: {  	_ =	swait.ge [sflag:s22], s20  }
0xa3: {  	s8 =	ssub.s32 $0x0, s20;
	[sflag:s22] =	ssyncset.done $0x0  }
0xa4: {  	[sflag:s22] =	ssyncadd.s32 s8;
	_ =	sdelay $0x1  }
0xa5: {  	s23 =	simm.s32 $0x1B8B  }
0xa6: {  	_ =	swait.ge [sflag:s23], $0x1  }
0xa7: {  	[sflag:s23] =	ssyncset.done $0x0  }
0xa8: {  	s25 =	simm.s32 $0x1B8E;
	s24 =	sld [smem:$0x3FFE];
	[sflag:s23] =	ssyncadd.s32 $0xFFFFFFFF  }
0xa9: {  	s26 =	simm.s32 $execute0_lowered;
	[smem:$0x3FD2] =	sst s25  }
0xaa: {  	s9 =	sshll.u32 s26, $0x1;
	_ =	strace $0x80000046;
	[dreg:$0x1] =	wrdreg $0xFFFFFFFF  }
0xab: {  	s28 =	simm.s32 $_size_execute0_lowered;
	s7 =	sadd.s32 s7, s9;
	[dreg:$0x0] =	wrdreg $0x0  }
0xac: {  	s9 =	sshll.u32 s28, $0x1;
	[dreg:$0x2] =	wrdreg s7  }
0xad: {  	[dreg:$0x3] =	wrdreg s9  }
0xae: {  	[dreg:$0x4] =	wrdreg $0xC0  }
0xaf: {  	_ =	task [dreg:s11], $0x5FFFF  }
0xb0: {  	[dreg:$0x1] =	wrdreg $0xFFFFFFFF  }
0xb1: {  	[dreg:$0x0] =	wrdreg $0x60  }
0xb2: {  	[dreg:$0x2] =	wrdreg s2  }
0xb3: {  	[dreg:$0x3] =	wrdreg s18  }
0xb4: {  	[dreg:$0x4] =	wrdreg s24  }
0xb5: {  	[dreg:$0x5] =	wrdreg s4  }
0xb6: {  	[dreg:$0x6] =	wrdreg s5  }
0xb7: {  	[dreg:$0x7] =	wrdreg s6  }
0xb8: {  	[dreg:$0x8] =	wrdreg $0x9  }
0xb9: {  	_ =	task.clear_ibuf [dreg:s11], $0x9FFFF;
	_ =	strace $0x90000046  }
0xba: {  	s29 =	simm.s32 $0x9;
	_ =	strace $0x80000048  }
0xbb: {  	_ =	swait.ge [sflag:s29], $0x1  }
0xbc: {  	[sflag:s29] =	ssyncadd.s32 $0xFFFFFFFF  }
0xbd: {  	_ =	strace $0x90000048  }
0xbe: {  	_ =	sfence  }
0xbf: {  	s30 =	sld [smem:$0x0];
	_ =	sdelay $0x2  }
0xc0: {  	s31 =	sshll.u32 s1, $0xD;
	s1 =	sshrl.u32 s1, $0x2  }
0xc1: {  	s3 =	sand.u32 $0x4000, s31;
	s1 =	sadd.s32 s1, s30  }
0xc2: {  	s0 =	sor.u32 s3, s0;
	s1 =	sshll.u32 s1, $0x11  }
0xc3: {  	s0 =	sor.u32 s1, s0  }
0xc4: {  	s0 =	sadd.s32 $0x8F2B, s0  }
0xc5: {  	[sflag:s0] =	ssyncadd.remote.s32 $0x1  }
0xc6: {  	_ =	sfence.sel $0xFFFF  }
0xc7: {  	[dreg:$0x0] =	wrdreg $0xFFFFFFFF;
	(pc) =	sbr.abs _section_cstart, $3  }
0xc8: {  	[dreg:$0x1] =	wrdreg $0xFFFFFFFF  }
0xc9: {  	_ =	task.clear_ibuf [dreg:s11], $0x2FFFF;
	_ =	strace $0x9FFFFFFF  }
0xca: {  	(tm) =	ssettm $0x7FFFFFFF  }
0xcb: {  	_ =	shalt  }
tec
execute0_lowered:
.L_overlay_start_1:
0x0: {  	(tag) =	ssettag $0x1  }
0x1: {  	s0 =	rddreg [dreg:$0x0]  }
0x2: {  	s1 =	rddreg [dreg:$0x1]  }
0x3: {  	s2 =	rddreg [dreg:$0x2]  }
0x4: {  	s4 =	rddreg [dreg:$0x5]  }
0x5: {  	s3 =	simm.s32 $0x0;
	s5 =	srdreg.scid;
	s9 =	stileid.u32  }
0x6: {  	s12 =	simm.s32 $0x20000;
	s15 =	simm.s32 $0x7;
	s17 =	simm.s32 $0xC800  }
0x7: {  	s18 =	simm.s32 $0x1;
	s19 =	simm.s32 $0x80;
	s20 =	simm.s32 $0x2  }
0x8: {  	s21 =	simm.s32 $0x3;
	s22 =	simm.s32 $0x4;
	s23 =	simm.s32 $0x5  }
0x9: {  	s24 =	simm.s32 $0x6;
	s26 =	simm.s32 $0x0;
	[smem:$0x7FF] =	sst s3  }
0xa: {  	s6 =	sand.u32 $0x1, s5;
	s5 =	sadd.s32 $0x800, s2;
	s9 =	sshll.u32 s9, $0xA  }
0xb: {  	_ =	strace $0x80000047;
	s7 =	ssub.s32 $0x2, s6;
	s10 =	sshll.u32 s6, $0x9  }
0xc: {  	s6 =	sadd.s32 $0x1F000, s2;
	s8 =	sshrl.u32 s7, $0x1;
	s9 =	sor.u32 s10, s9  }
0xd: {  	s30 =	ssub.s32 s7, s8;
	s7 =	sadd.s32 s0, s9;
	s31 =	sshrl.u32 s9, $0x3  }
0xe: {  	s8 =	sadd.s32 s1, s9;
	s9 =	sadd.s32 s4, s31;
	s10 =	smax.u32 s30, $0x1  }
.LBB2_1:
0xf: {  	s0 =	simm.s32 $0x1000  }
0x10: {  	[tilespmem:s3], [sflag:$0x1] =	stream.strided.gather [hbm4b:s7+s0], $0x4000, s12, s0, $0x38;
	[tilespmem:$0xCF00] =	vst v63  }
0x11: {  	s1 =	simm.s32 $0x4000  }
0x12: {  	[tilespmem:s1], [sflag:$0x2] =	stream.strided.gather [hbm4b:s8+s0], $0x2000, s12, s0, $0x38;
	[tilespmem:$0xCF00] =	vst v63  }
0x13: {  	s13 =	rddreg [dreg:$0x4];
	s14 =	simm.s32 $0xCC00  }
0x14: {  	[tilespmem:s14], [sflag:$0x7] =	stream.linear.gather [hbm4b:s13+s3], $0xD, $0x38;
	[tilespmem:$0xCF00] =	vst v63  }
0x15: {  	_ =	swait.ge [sflag:s15], $0xD  }
0x16: {  	[sflag:s15] =	ssyncset.done $0x0  }
0x17: {  	[sflag:s15] =	ssyncadd.s32 $0xFFFFFFF3  }
0x18: {  	s25 =	simm.s32 $0xCC80;
	s16 =	rddreg [dreg:$0x3]  }
0x19: {  	[tilespmem:s25], [sflag:$0x7] =	stream.linear.gather [hbm4b:s16+s3], $0x1, $0x38;
	[tilespmem:$0xCF00] =	vst v63  }
0x1a: {  	_ =	swait.ge [sflag:s15], $0x1  }
0x1b: {  	[sflag:s15] =	ssyncset.done $0x0  }
0x1c: {  	[sflag:s15] =	ssyncadd.s32 $0xFFFFFFFF  }
0x1d: {  	[tilespmem:s17], [sflag:$0x7] =	stream.linear.gather [hbm4b:s6+s3], $0x400, $0x38;
	[tilespmem:$0xCF00] =	vst v63  }
0x1e: {  	_ =	swait.ge [sflag:s15], $0x400  }
0x1f: {  	[sflag:s15] =	ssyncset.done $0x0  }
0x20: {  	[sflag:s15] =	ssyncadd.s32 $0xFFFFFC00  }
0x21: {  	_ =	swait.ge [sflag:s18], $0x4000  }
0x22: {  	s30 =	sand.u32 $0x3000, s3;
	s31 =	sand.u32 $0x380, s3;
	[sflag:s18] =	ssyncset.done $0x0  }
0x23: {  	s1 =	sor.u32 s31, s30;
	[sflag:s18] =	ssyncadd.s32 $0xFFFFC000  }
0x24: {  	v0 =	vld [tilespmem:s1+$0x0];
	_ =	sdelay $0x4  }
0x25: {  	v0 =	vadd.s32 s3, v0  }
0x26: {  	vm0 =	vlt.s32 v0, $0xF3FFF  }
0x27: {  	s0 =	simm.s32 $0x6000;
	v0 =	vnsel vm0, $0xF3FFF, v0  }
0x28: {  	[tilespmem:s0+$0x0] =	vst v0  }
0x29: {  	v0 =	vld [tilespmem:s1+$0x10];
	_ =	sdelay $0x4  }
0x2a: {  	v0 =	vadd.s32 s3, v0  }
0x2b: {  	vm9 =	vlt.s32 v0, $0xF3FFF  }
0x2c: {  	v0 =	vnsel vm9, $0xF3FFF, v0  }
0x2d: {  	[tilespmem:s0+$0x10] =	vst v0  }
0x2e: {  	v0 =	vld [tilespmem:s1+$0x20];
	_ =	sdelay $0x4  }
0x2f: {  	v0 =	vadd.s32 s3, v0  }
0x30: {  	vm10 =	vlt.s32 v0, $0xF3FFF  }
0x31: {  	v0 =	vnsel vm10, $0xF3FFF, v0  }
0x32: {  	[tilespmem:s0+$0x20] =	vst v0  }
0x33: {  	v0 =	vld [tilespmem:s1+$0x30];
	_ =	sdelay $0x4  }
0x34: {  	v0 =	vadd.s32 s3, v0  }
0x35: {  	vm11 =	vlt.s32 v0, $0xF3FFF  }
0x36: {  	v0 =	vnsel vm11, $0xF3FFF, v0  }
0x37: {  	[tilespmem:s0+$0x30] =	vst v0  }
0x38: {  	v0 =	vld [tilespmem:s1+$0x40];
	_ =	sdelay $0x4  }
0x39: {  	v0 =	vadd.s32 s3, v0  }
0x3a: {  	vm12 =	vlt.s32 v0, $0xF3FFF  }
0x3b: {  	v0 =	vnsel vm12, $0xF3FFF, v0  }
0x3c: {  	[tilespmem:s0+$0x40] =	vst v0  }
0x3d: {  	v0 =	vld [tilespmem:s1+$0x50];
	_ =	sdelay $0x4  }
0x3e: {  	v0 =	vadd.s32 s3, v0  }
0x3f: {  	vm13 =	vlt.s32 v0, $0xF3FFF  }
0x40: {  	v0 =	vnsel vm13, $0xF3FFF, v0  }
0x41: {  	[tilespmem:s0+$0x50] =	vst v0  }
0x42: {  	v0 =	vld [tilespmem:s1+$0x60];
	_ =	sdelay $0x4  }
0x43: {  	v0 =	vadd.s32 s3, v0  }
0x44: {  	vm14 =	vlt.s32 v0, $0xF3FFF  }
0x45: {  	v0 =	vnsel vm14, $0xF3FFF, v0  }
0x46: {  	[tilespmem:s0+$0x60] =	vst v0  }
0x47: {  	v0 =	vld [tilespmem:s1+$0x70];
	_ =	sdelay $0x4  }
0x48: {  	s28 =	simm.s32 $0x9400;
	s29 =	simm.s32 $0x963D;
	s2 =	simm.s32 $0x200;
	v0 =	vadd.s32 s3, v0  }
0x49: {  	s4 =	simm.s32 $0x12C7A;
	s11 =	sand.u32 $0x3000, s2;
	s13 =	simm.s32 $0x80;
	vm15 =	vlt.s32 v0, $0xF3FFF  }
0x4a: {  	s14 =	simm.s32 $0x9400;
	s16 =	sand.u32 $0x380, s13;
	s1 =	simm.s32 $0x6000;
	v0 =	vnsel vm15, $0xF3FFF, v0  }
.LBB2_2:
0x4b: {  	s25 =	sor.u32 s16, s11  }
0x4c: {  	[tilespmem:s0+$0x70] =	vst v0;
	s28 =	sadd.s32 $0x200, s28;
	s1 =	sadd.s32 $0x200, s1;
	s16 =	smov.u32 s4  }
0x4d: {  	[tilespmem:s14], [sflag:$0x3] =	stream.indirect.gather [hbm4b:s5+s19], $0x1, s0, s19, $0xb8;
	[tilespmem:$0xCF00] =	vst v63  }
0x4e: {  	p0 =	sne.s32 s4, $0xEABF5;
	s4 =	sadd.s32 $0x963D, s4;
	s14 =	smov.u32 s28;
	v0 =	vld [tilespmem:s25+$0x0]  }
0x4f: {  	s0 =	smov.u32 s1;
	_ =	sdelay $0x3  }
0x50: {  	v0 =	vadd.s32 s29, v0  }
0x51: {  	vm0 =	vlt.s32 v0, $0xF3FFF  }
0x52: {  	v0 =	vnsel vm0, $0xF3FFF, v0  }
0x53: {  	[tilespmem:s1+$0x0] =	vst v0  }
0x54: {  	v0 =	vld [tilespmem:s25+$0x10];
	_ =	sdelay $0x4  }
0x55: {  	v0 =	vadd.s32 s29, v0  }
0x56: {  	vm0 =	vlt.s32 v0, $0xF3FFF  }
0x57: {  	v0 =	vnsel vm0, $0xF3FFF, v0  }
0x58: {  	[tilespmem:s1+$0x10] =	vst v0  }
0x59: {  	v0 =	vld [tilespmem:s25+$0x20];
	_ =	sdelay $0x4  }
0x5a: {  	v0 =	vadd.s32 s29, v0  }
0x5b: {  	vm0 =	vlt.s32 v0, $0xF3FFF  }
0x5c: {  	v0 =	vnsel vm0, $0xF3FFF, v0  }
0x5d: {  	[tilespmem:s1+$0x20] =	vst v0  }
0x5e: {  	v0 =	vld [tilespmem:s25+$0x30];
	_ =	sdelay $0x4  }
0x5f: {  	v0 =	vadd.s32 s29, v0  }
0x60: {  	vm0 =	vlt.s32 v0, $0xF3FFF  }
0x61: {  	v0 =	vnsel vm0, $0xF3FFF, v0  }
0x62: {  	[tilespmem:s1+$0x30] =	vst v0  }
0x63: {  	v0 =	vld [tilespmem:s25+$0x40];
	_ =	sdelay $0x4  }
0x64: {  	v0 =	vadd.s32 s29, v0  }
0x65: {  	vm0 =	vlt.s32 v0, $0xF3FFF  }
0x66: {  	v0 =	vnsel vm0, $0xF3FFF, v0  }
0x67: {  	[tilespmem:s1+$0x40] =	vst v0  }
0x68: {  	v0 =	vld [tilespmem:s25+$0x50];
	_ =	sdelay $0x4  }
0x69: {  	v0 =	vadd.s32 s29, v0  }
0x6a: {  	vm0 =	vlt.s32 v0, $0xF3FFF  }
0x6b: {  	v0 =	vnsel vm0, $0xF3FFF, v0  }
0x6c: {  	[tilespmem:s1+$0x50] =	vst v0  }
0x6d: {  	v0 =	vld [tilespmem:s25+$0x60];
	_ =	sdelay $0x4  }
0x6e: {  	v0 =	vadd.s32 s29, v0  }
0x6f: {  	vm0 =	vlt.s32 v0, $0xF3FFF  }
0x70: {  	v0 =	vnsel vm0, $0xF3FFF, v0  }
0x71: {  	[tilespmem:s1+$0x60] =	vst v0  }
0x72: {  	v0 =	vld [tilespmem:s25+$0x70];
	_ =	sdelay $0x2  }
.Ltmp0:
0x73: {  	(pc) =	sbr.rel @p0 .LBB2_2-.Ltmp0, $4  }
0x74: {  	_ = 	snop  }
0x75: {  	v0 =	vadd.s32 s29, v0;
	s29 =	smov.u32 s16  }
0x76: {  	s13 =	sadd.s32 $0x80, s13;
	s2 =	sadd.s32 $0x200, s2;
	vm0 =	vlt.s32 v0, $0xF3FFF  }
0x77: {  	s11 =	sand.u32 $0x3000, s2;
	s16 =	sand.u32 $0x380, s13;
	v0 =	vnsel vm0, $0xF3FFF, v0  }
0x78: {  	s2 =	sor.u32 s16, s11;
	[tilespmem:s0+$0x70] =	vst v0  }
0x79: {  	[tilespmem:s14], [sflag:$0x3] =	stream.indirect.gather [hbm4b:s5+s19], $0x1, s0, s19, $0xb8;
	[tilespmem:$0xCF00] =	vst v63  }
0x7a: {  	v0 =	vld [tilespmem:s2+$0x0];
	_ =	sdelay $0x4  }
0x7b: {  	v0 =	vadd.s32 s29, v0  }
0x7c: {  	vm0 =	vlt.s32 v0, $0xF3FFF  }
0x7d: {  	s13 =	sadd.s32 $0x200, s1;
	v0 =	vnsel vm0, $0xF3FFF, v0  }
0x7e: {  	[tilespmem:s13+$0x0] =	vst v0  }
0x7f: {  	v0 =	vld [tilespmem:s2+$0x10];
	_ =	sdelay $0x4  }
0x80: {  	v0 =	vadd.s32 s29, v0  }
0x81: {  	vm13 =	vlt.s32 v0, $0xF3FFF  }
0x82: {  	v0 =	vnsel vm13, $0xF3FFF, v0  }
0x83: {  	[tilespmem:s13+$0x10] =	vst v0  }
0x84: {  	v0 =	vld [tilespmem:s2+$0x20];
	_ =	sdelay $0x4  }
0x85: {  	v0 =	vadd.s32 s29, v0  }
0x86: {  	vm14 =	vlt.s32 v0, $0xF3FFF  }
0x87: {  	v0 =	vnsel vm14, $0xF3FFF, v0  }
0x88: {  	[tilespmem:s13+$0x20] =	vst v0  }
0x89: {  	v0 =	vld [tilespmem:s2+$0x30];
	_ =	sdelay $0x4  }
0x8a: {  	v0 =	vadd.s32 s29, v0  }
0x8b: {  	vm15 =	vlt.s32 v0, $0xF3FFF  }
0x8c: {  	v0 =	vnsel vm15, $0xF3FFF, v0  }
0x8d: {  	[tilespmem:s13+$0x30] =	vst v0  }
0x8e: {  	v0 =	vld [tilespmem:s2+$0x40];
	_ =	sdelay $0x4  }
0x8f: {  	v0 =	vadd.s32 s29, v0  }
0x90: {  	vm4 =	vlt.s32 v0, $0xF3FFF  }
0x91: {  	v0 =	vnsel vm4, $0xF3FFF, v0  }
0x92: {  	[tilespmem:s13+$0x40] =	vst v0  }
0x93: {  	v0 =	vld [tilespmem:s2+$0x50];
	_ =	sdelay $0x4  }
0x94: {  	v0 =	vadd.s32 s29, v0  }
0x95: {  	vm5 =	vlt.s32 v0, $0xF3FFF  }
0x96: {  	v0 =	vnsel vm5, $0xF3FFF, v0  }
0x97: {  	[tilespmem:s13+$0x50] =	vst v0  }
0x98: {  	v0 =	vld [tilespmem:s2+$0x60];
	_ =	sdelay $0x4  }
0x99: {  	v0 =	vadd.s32 s29, v0  }
0x9a: {  	vm6 =	vlt.s32 v0, $0xF3FFF  }
0x9b: {  	v0 =	vnsel vm6, $0xF3FFF, v0  }
0x9c: {  	[tilespmem:s13+$0x60] =	vst v0  }
0x9d: {  	v0 =	vld [tilespmem:s2+$0x70];
	_ =	sdelay $0x4  }
0x9e: {  	v0 =	vadd.s32 s29, v0  }
0x9f: {  	s29 =	simm.s32 $0x0;
	vm7 =	vlt.s32 v0, $0xF3FFF  }
0xa0: {  	s16 =	sand.u32 $0x3000, s29;
	s25 =	sand.u32 $0x380, s29;
	v0 =	vnsel vm7, $0xF3FFF, v0  }
0xa1: {  	s14 =	sadd.s32 $0x200, s28;
	s30 =	sor.u32 s25, s16;
	[tilespmem:s13+$0x70] =	vst v0  }
0xa2: {  	[tilespmem:s14], [sflag:$0x3] =	stream.indirect.gather [hbm4b:s5+s19], $0x1, s13, s19, $0xb8;
	[tilespmem:$0xCF00] =	vst v63  }
0xa3: {  	v0 =	vld [tilespmem:s30+$0x400];
	_ =	sdelay $0x4  }
0xa4: {  	v0 =	vadd.s32 s29, v0  }
0xa5: {  	vm8 =	vlt.s32 v0, $0xF3FFF  }
0xa6: {  	s0 =	simm.s32 $0x6080;
	v0 =	vnsel vm8, $0xF3FFF, v0  }
0xa7: {  	[tilespmem:s0+$0x0] =	vst v0  }
0xa8: {  	v0 =	vld [tilespmem:s30+$0x410];
	_ =	sdelay $0x4  }
0xa9: {  	v0 =	vadd.s32 s29, v0  }
0xaa: {  	vm9 =	vlt.s32 v0, $0xF3FFF  }
0xab: {  	v0 =	vnsel vm9, $0xF3FFF, v0  }
0xac: {  	[tilespmem:s0+$0x10] =	vst v0  }
0xad: {  	v0 =	vld [tilespmem:s30+$0x420];
	_ =	sdelay $0x4  }
0xae: {  	v0 =	vadd.s32 s29, v0  }
0xaf: {  	vm10 =	vlt.s32 v0, $0xF3FFF  }
0xb0: {  	v0 =	vnsel vm10, $0xF3FFF, v0  }
0xb1: {  	[tilespmem:s0+$0x20] =	vst v0  }
0xb2: {  	v0 =	vld [tilespmem:s30+$0x430];
	_ =	sdelay $0x4  }
0xb3: {  	v0 =	vadd.s32 s29, v0  }
0xb4: {  	vm11 =	vlt.s32 v0, $0xF3FFF  }
0xb5: {  	v0 =	vnsel vm11, $0xF3FFF, v0  }
0xb6: {  	[tilespmem:s0+$0x30] =	vst v0  }
0xb7: {  	v0 =	vld [tilespmem:s30+$0x440];
	_ =	sdelay $0x4  }
0xb8: {  	v0 =	vadd.s32 s29, v0  }
0xb9: {  	vm12 =	vlt.s32 v0, $0xF3FFF  }
0xba: {  	v0 =	vnsel vm12, $0xF3FFF, v0  }
0xbb: {  	[tilespmem:s0+$0x40] =	vst v0  }
0xbc: {  	v0 =	vld [tilespmem:s30+$0x450];
	_ =	sdelay $0x4  }
0xbd: {  	v0 =	vadd.s32 s29, v0  }
0xbe: {  	vm13 =	vlt.s32 v0, $0xF3FFF  }
0xbf: {  	v0 =	vnsel vm13, $0xF3FFF, v0  }
0xc0: {  	[tilespmem:s0+$0x50] =	vst v0  }
0xc1: {  	v0 =	vld [tilespmem:s30+$0x460];
	_ =	sdelay $0x4  }
0xc2: {  	v0 =	vadd.s32 s29, v0  }
0xc3: {  	vm14 =	vlt.s32 v0, $0xF3FFF  }
0xc4: {  	v0 =	vnsel vm14, $0xF3FFF, v0  }
0xc5: {  	[tilespmem:s0+$0x60] =	vst v0  }
0xc6: {  	v0 =	vld [tilespmem:s30+$0x470];
	_ =	sdelay $0x3  }
0xc7: {  	s31 =	simm.s32 $0x9480  }
0xc8: {  	s1 =	simm.s32 $0x6080;
	s4 =	simm.s32 $0x963D;
	s2 =	simm.s32 $0x80;
	v0 =	vadd.s32 s29, v0  }
0xc9: {  	s28 =	simm.s32 $0x963D;
	s25 =	sand.u32 $0x380, s2;
	s13 =	simm.s32 $0x200;
	vm15 =	vlt.s32 v0, $0xF3FFF  }
0xca: {  	s16 =	simm.s32 $0x9480;
	s14 =	simm.s32 $0x12C7A;
	s11 =	sand.u32 $0x3000, s13;
	v0 =	vnsel vm15, $0xF3FFF, v0  }
.LBB2_4:
0xcb: {  	s11 =	sor.u32 s25, s11  }
0xcc: {  	[tilespmem:s0+$0x70] =	vst v0;
	s31 =	sadd.s32 $0x200, s31;
	s1 =	sadd.s32 $0x200, s1;
	s25 =	smov.u32 s14  }
0xcd: {  	[tilespmem:s16], [sflag:$0x4] =	stream.indirect.gather [hbm4b:s5+s19], $0x1, s0, s19, $0xb8;
	[tilespmem:$0xCF00] =	vst v63  }
0xce: {  	p0 =	sne.s32 s14, $0xEABF5;
	s14 =	sadd.s32 $0x963D, s14;
	s16 =	smov.u32 s31;
	v0 =	vld [tilespmem:s11+$0x400]  }
0xcf: {  	s0 =	smov.u32 s1;
	_ =	sdelay $0x3  }
0xd0: {  	v0 =	vadd.s32 s4, v0  }
0xd1: {  	vm0 =	vlt.s32 v0, $0xF3FFF  }
0xd2: {  	v0 =	vnsel vm0, $0xF3FFF, v0  }
0xd3: {  	[tilespmem:s1+$0x0] =	vst v0  }
0xd4: {  	v0 =	vld [tilespmem:s11+$0x410];
	_ =	sdelay $0x4  }
0xd5: {  	v0 =	vadd.s32 s4, v0  }
0xd6: {  	vm0 =	vlt.s32 v0, $0xF3FFF  }
0xd7: {  	v0 =	vnsel vm0, $0xF3FFF, v0  }
0xd8: {  	[tilespmem:s1+$0x10] =	vst v0  }
0xd9: {  	v0 =	vld [tilespmem:s11+$0x420];
	_ =	sdelay $0x4  }
0xda: {  	v0 =	vadd.s32 s4, v0  }
0xdb: {  	vm0 =	vlt.s32 v0, $0xF3FFF  }
0xdc: {  	v0 =	vnsel vm0, $0xF3FFF, v0  }
0xdd: {  	[tilespmem:s1+$0x20] =	vst v0  }
0xde: {  	v0 =	vld [tilespmem:s11+$0x430];
	_ =	sdelay $0x4  }
0xdf: {  	v0 =	vadd.s32 s4, v0  }
0xe0: {  	vm0 =	vlt.s32 v0, $0xF3FFF  }
0xe1: {  	v0 =	vnsel vm0, $0xF3FFF, v0  }
0xe2: {  	[tilespmem:s1+$0x30] =	vst v0  }
0xe3: {  	v0 =	vld [tilespmem:s11+$0x440];
	_ =	sdelay $0x4  }
0xe4: {  	v0 =	vadd.s32 s4, v0  }
0xe5: {  	vm0 =	vlt.s32 v0, $0xF3FFF  }
0xe6: {  	v0 =	vnsel vm0, $0xF3FFF, v0  }
0xe7: {  	[tilespmem:s1+$0x40] =	vst v0  }
0xe8: {  	v0 =	vld [tilespmem:s11+$0x450];
	_ =	sdelay $0x4  }
0xe9: {  	v0 =	vadd.s32 s4, v0  }
0xea: {  	vm0 =	vlt.s32 v0, $0xF3FFF  }
0xeb: {  	v0 =	vnsel vm0, $0xF3FFF, v0  }
0xec: {  	[tilespmem:s1+$0x50] =	vst v0  }
0xed: {  	v0 =	vld [tilespmem:s11+$0x460];
	_ =	sdelay $0x4  }
0xee: {  	v0 =	vadd.s32 s4, v0  }
0xef: {  	vm0 =	vlt.s32 v0, $0xF3FFF  }
0xf0: {  	v0 =	vnsel vm0, $0xF3FFF, v0  }
0xf1: {  	[tilespmem:s1+$0x60] =	vst v0  }
0xf2: {  	v0 =	vld [tilespmem:s11+$0x470];
	_ =	sdelay $0x2  }
.Ltmp1:
0xf3: {  	(pc) =	sbr.rel @p0 .LBB2_4-.Ltmp1, $4  }
0xf4: {  	_ = 	snop  }
0xf5: {  	v0 =	vadd.s32 s4, v0;
	s4 =	smov.u32 s25  }
0xf6: {  	s2 =	sadd.s32 $0x80, s2;
	s13 =	sadd.s32 $0x200, s13;
	vm0 =	vlt.s32 v0, $0xF3FFF  }
0xf7: {  	s11 =	sand.u32 $0x3000, s13;
	s25 =	sand.u32 $0x380, s2;
	v0 =	vnsel vm0, $0xF3FFF, v0  }
0xf8: {  	s2 =	sor.u32 s25, s11;
	[tilespmem:s0+$0x70] =	vst v0  }
0xf9: {  	[tilespmem:s16], [sflag:$0x4] =	stream.indirect.gather [hbm4b:s5+s19], $0x1, s0, s19, $0xb8;
	[tilespmem:$0xCF00] =	vst v63  }
0xfa: {  	v0 =	vld [tilespmem:s2+$0x400];
	_ =	sdelay $0x4  }
0xfb: {  	v0 =	vadd.s32 s4, v0  }
0xfc: {  	vm0 =	vlt.s32 v0, $0xF3FFF  }
0xfd: {  	s25 =	sadd.s32 $0x200, s1;
	v0 =	vnsel vm0, $0xF3FFF, v0  }
0xfe: {  	[tilespmem:s25+$0x0] =	vst v0  }
0xff: {  	v0 =	vld [tilespmem:s2+$0x410];
	_ =	sdelay $0x4  }
0x100: {  	v0 =	vadd.s32 s4, v0  }
0x101: {  	vm13 =	vlt.s32 v0, $0xF3FFF  }
0x102: {  	v0 =	vnsel vm13, $0xF3FFF, v0  }
0x103: {  	[tilespmem:s25+$0x10] =	vst v0  }
0x104: {  	v0 =	vld [tilespmem:s2+$0x420];
	_ =	sdelay $0x4  }
0x105: {  	v0 =	vadd.s32 s4, v0  }
0x106: {  	vm14 =	vlt.s32 v0, $0xF3FFF  }
0x107: {  	v0 =	vnsel vm14, $0xF3FFF, v0  }
0x108: {  	[tilespmem:s25+$0x20] =	vst v0  }
0x109: {  	v0 =	vld [tilespmem:s2+$0x430];
	_ =	sdelay $0x4  }
0x10a: {  	v0 =	vadd.s32 s4, v0  }
0x10b: {  	vm15 =	vlt.s32 v0, $0xF3FFF  }
0x10c: {  	v0 =	vnsel vm15, $0xF3FFF, v0  }
0x10d: {  	[tilespmem:s25+$0x30] =	vst v0  }
0x10e: {  	v0 =	vld [tilespmem:s2+$0x440];
	_ =	sdelay $0x4  }
0x10f: {  	v0 =	vadd.s32 s4, v0  }
0x110: {  	vm4 =	vlt.s32 v0, $0xF3FFF  }
0x111: {  	v0 =	vnsel vm4, $0xF3FFF, v0  }
0x112: {  	[tilespmem:s25+$0x40] =	vst v0  }
0x113: {  	v0 =	vld [tilespmem:s2+$0x450];
	_ =	sdelay $0x4  }
0x114: {  	v0 =	vadd.s32 s4, v0  }
0x115: {  	vm5 =	vlt.s32 v0, $0xF3FFF  }
0x116: {  	v0 =	vnsel vm5, $0xF3FFF, v0  }
0x117: {  	[tilespmem:s25+$0x50] =	vst v0  }
0x118: {  	v0 =	vld [tilespmem:s2+$0x460];
	_ =	sdelay $0x4  }
0x119: {  	v0 =	vadd.s32 s4, v0  }
0x11a: {  	vm6 =	vlt.s32 v0, $0xF3FFF  }
0x11b: {  	v0 =	vnsel vm6, $0xF3FFF, v0  }
0x11c: {  	[tilespmem:s25+$0x60] =	vst v0  }
0x11d: {  	v0 =	vld [tilespmem:s2+$0x470];
	_ =	sdelay $0x4  }
0x11e: {  	v0 =	vadd.s32 s4, v0  }
0x11f: {  	vm7 =	vlt.s32 v0, $0xF3FFF  }
0x120: {  	v0 =	vnsel vm7, $0xF3FFF, v0  }
0x121: {  	s31 =	sadd.s32 $0x200, s31;
	[tilespmem:s25+$0x70] =	vst v0  }
0x122: {  	[tilespmem:s31], [sflag:$0x4] =	stream.indirect.gather [hbm4b:s5+s19], $0x1, s25, s19, $0xb8;
	[tilespmem:$0xCF00] =	vst v63  }
0x123: {  	v0 =	vld [tilespmem:s30+$0x800];
	_ =	sdelay $0x4  }
0x124: {  	v0 =	vadd.s32 s29, v0  }
0x125: {  	vm8 =	vlt.s32 v0, $0xF3FFF  }
0x126: {  	s0 =	simm.s32 $0x6100;
	v0 =	vnsel vm8, $0xF3FFF, v0  }
0x127: {  	[tilespmem:s0+$0x0] =	vst v0  }
0x128: {  	v0 =	vld [tilespmem:s30+$0x810];
	_ =	sdelay $0x4  }
0x129: {  	v0 =	vadd.s32 s29, v0  }
0x12a: {  	vm9 =	vlt.s32 v0, $0xF3FFF  }
0x12b: {  	v0 =	vnsel vm9, $0xF3FFF, v0  }
0x12c: {  	[tilespmem:s0+$0x10] =	vst v0  }
0x12d: {  	v0 =	vld [tilespmem:s30+$0x820];
	_ =	sdelay $0x4  }
0x12e: {  	v0 =	vadd.s32 s29, v0  }
0x12f: {  	vm10 =	vlt.s32 v0, $0xF3FFF  }
0x130: {  	v0 =	vnsel vm10, $0xF3FFF, v0  }
0x131: {  	[tilespmem:s0+$0x20] =	vst v0  }
0x132: {  	v0 =	vld [tilespmem:s30+$0x830];
	_ =	sdelay $0x4  }
0x133: {  	v0 =	vadd.s32 s29, v0  }
0x134: {  	vm11 =	vlt.s32 v0, $0xF3FFF  }
0x135: {  	v0 =	vnsel vm11, $0xF3FFF, v0  }
0x136: {  	[tilespmem:s0+$0x30] =	vst v0  }
0x137: {  	v0 =	vld [tilespmem:s30+$0x840];
	_ =	sdelay $0x4  }
0x138: {  	v0 =	vadd.s32 s29, v0  }
0x139: {  	vm12 =	vlt.s32 v0, $0xF3FFF  }
0x13a: {  	v0 =	vnsel vm12, $0xF3FFF, v0  }
0x13b: {  	[tilespmem:s0+$0x40] =	vst v0  }
0x13c: {  	v0 =	vld [tilespmem:s30+$0x850];
	_ =	sdelay $0x4  }
0x13d: {  	v0 =	vadd.s32 s29, v0  }
0x13e: {  	vm13 =	vlt.s32 v0, $0xF3FFF  }
0x13f: {  	v0 =	vnsel vm13, $0xF3FFF, v0  }
0x140: {  	[tilespmem:s0+$0x50] =	vst v0  }
0x141: {  	v0 =	vld [tilespmem:s30+$0x860];
	_ =	sdelay $0x4  }
0x142: {  	v0 =	vadd.s32 s29, v0  }
0x143: {  	vm14 =	vlt.s32 v0, $0xF3FFF  }
0x144: {  	v0 =	vnsel vm14, $0xF3FFF, v0  }
0x145: {  	[tilespmem:s0+$0x60] =	vst v0  }
0x146: {  	v0 =	vld [tilespmem:s30+$0x870];
	_ =	sdelay $0x4  }
0x147: {  	s13 =	simm.s32 $0x80;
	s1 =	simm.s32 $0x6100;
	v0 =	vadd.s32 s29, v0  }
0x148: {  	s14 =	simm.s32 $0x9500;
	s16 =	sand.u32 $0x380, s13;
	s2 =	simm.s32 $0x200;
	vm15 =	vlt.s32 v0, $0xF3FFF  }
0x149: {  	s11 =	sand.u32 $0x3000, s2;
	s4 =	simm.s32 $0x12C7A;
	s30 =	simm.s32 $0x9500;
	v0 =	vnsel vm15, $0xF3FFF, v0  }
.LBB2_6:
0x14a: {  	s11 =	sor.u32 s16, s11  }
0x14b: {  	[tilespmem:s0+$0x70] =	vst v0;
	s30 =	sadd.s32 $0x200, s30;
	s1 =	sadd.s32 $0x200, s1;
	s16 =	smov.u32 s4  }
0x14c: {  	[tilespmem:s14], [sflag:$0x5] =	stream.indirect.gather [hbm4b:s5+s19], $0x1, s0, s19, $0xb8;
	[tilespmem:$0xCF00] =	vst v63  }
0x14d: {  	p0 =	sne.s32 s4, $0xEABF5;
	s4 =	sadd.s32 $0x963D, s4;
	s14 =	smov.u32 s30;
	v0 =	vld [tilespmem:s11+$0x800]  }
0x14e: {  	s0 =	smov.u32 s1;
	_ =	sdelay $0x3  }
0x14f: {  	v0 =	vadd.s32 s28, v0  }
0x150: {  	vm0 =	vlt.s32 v0, $0xF3FFF  }
0x151: {  	v0 =	vnsel vm0, $0xF3FFF, v0  }
0x152: {  	[tilespmem:s1+$0x0] =	vst v0  }
0x153: {  	v0 =	vld [tilespmem:s11+$0x810];
	_ =	sdelay $0x4  }
0x154: {  	v0 =	vadd.s32 s28, v0  }
0x155: {  	vm0 =	vlt.s32 v0, $0xF3FFF  }
0x156: {  	v0 =	vnsel vm0, $0xF3FFF, v0  }
0x157: {  	[tilespmem:s1+$0x10] =	vst v0  }
0x158: {  	v0 =	vld [tilespmem:s11+$0x820];
	_ =	sdelay $0x4  }
0x159: {  	v0 =	vadd.s32 s28, v0  }
0x15a: {  	vm0 =	vlt.s32 v0, $0xF3FFF  }
0x15b: {  	v0 =	vnsel vm0, $0xF3FFF, v0  }
0x15c: {  	[tilespmem:s1+$0x20] =	vst v0  }
0x15d: {  	v0 =	vld [tilespmem:s11+$0x830];
	_ =	sdelay $0x4  }
0x15e: {  	v0 =	vadd.s32 s28, v0  }
0x15f: {  	vm0 =	vlt.s32 v0, $0xF3FFF  }
0x160: {  	v0 =	vnsel vm0, $0xF3FFF, v0  }
0x161: {  	[tilespmem:s1+$0x30] =	vst v0  }
0x162: {  	v0 =	vld [tilespmem:s11+$0x840];
	_ =	sdelay $0x4  }
0x163: {  	v0 =	vadd.s32 s28, v0  }
0x164: {  	vm0 =	vlt.s32 v0, $0xF3FFF  }
0x165: {  	v0 =	vnsel vm0, $0xF3FFF, v0  }
0x166: {  	[tilespmem:s1+$0x40] =	vst v0  }
0x167: {  	v0 =	vld [tilespmem:s11+$0x850];
	_ =	sdelay $0x4  }
0x168: {  	v0 =	vadd.s32 s28, v0  }
0x169: {  	vm0 =	vlt.s32 v0, $0xF3FFF  }
0x16a: {  	v0 =	vnsel vm0, $0xF3FFF, v0  }
0x16b: {  	[tilespmem:s1+$0x50] =	vst v0  }
0x16c: {  	v0 =	vld [tilespmem:s11+$0x860];
	_ =	sdelay $0x4  }
0x16d: {  	v0 =	vadd.s32 s28, v0  }
0x16e: {  	vm0 =	vlt.s32 v0, $0xF3FFF  }
0x16f: {  	v0 =	vnsel vm0, $0xF3FFF, v0  }
0x170: {  	[tilespmem:s1+$0x60] =	vst v0  }
0x171: {  	v0 =	vld [tilespmem:s11+$0x870];
	_ =	sdelay $0x2  }
.Ltmp2:
0x172: {  	(pc) =	sbr.rel @p0 .LBB2_6-.Ltmp2, $4  }
0x173: {  	_ = 	snop  }
0x174: {  	v0 =	vadd.s32 s28, v0;
	s28 =	smov.u32 s16  }
0x175: {  	s13 =	sadd.s32 $0x80, s13;
	s2 =	sadd.s32 $0x200, s2;
	vm0 =	vlt.s32 v0, $0xF3FFF  }
0x176: {  	s11 =	sand.u32 $0x3000, s2;
	s16 =	sand.u32 $0x380, s13;
	v0 =	vnsel vm0, $0xF3FFF, v0  }
0x177: {  	s2 =	sor.u32 s16, s11;
	[tilespmem:s0+$0x70] =	vst v0  }
0x178: {  	[tilespmem:s14], [sflag:$0x5] =	stream.indirect.gather [hbm4b:s5+s19], $0x1, s0, s19, $0xb8;
	[tilespmem:$0xCF00] =	vst v63  }
0x179: {  	v0 =	vld [tilespmem:s2+$0x800];
	_ =	sdelay $0x4  }
0x17a: {  	v0 =	vadd.s32 s28, v0  }
0x17b: {  	vm0 =	vlt.s32 v0, $0xF3FFF  }
0x17c: {  	s14 =	sadd.s32 $0x200, s1;
	v0 =	vnsel vm0, $0xF3FFF, v0  }
0x17d: {  	[tilespmem:s14+$0x0] =	vst v0  }
0x17e: {  	v0 =	vld [tilespmem:s2+$0x810];
	_ =	sdelay $0x4  }
0x17f: {  	v0 =	vadd.s32 s28, v0  }
0x180: {  	vm13 =	vlt.s32 v0, $0xF3FFF  }
0x181: {  	v0 =	vnsel vm13, $0xF3FFF, v0  }
0x182: {  	[tilespmem:s14+$0x10] =	vst v0  }
0x183: {  	v0 =	vld [tilespmem:s2+$0x820];
	_ =	sdelay $0x4  }
0x184: {  	v0 =	vadd.s32 s28, v0  }
0x185: {  	vm14 =	vlt.s32 v0, $0xF3FFF  }
0x186: {  	v0 =	vnsel vm14, $0xF3FFF, v0  }
0x187: {  	[tilespmem:s14+$0x20] =	vst v0  }
0x188: {  	v0 =	vld [tilespmem:s2+$0x830];
	_ =	sdelay $0x4  }
0x189: {  	v0 =	vadd.s32 s28, v0  }
0x18a: {  	vm15 =	vlt.s32 v0, $0xF3FFF  }
0x18b: {  	v0 =	vnsel vm15, $0xF3FFF, v0  }
0x18c: {  	[tilespmem:s14+$0x30] =	vst v0  }
0x18d: {  	v0 =	vld [tilespmem:s2+$0x840];
	_ =	sdelay $0x4  }
0x18e: {  	v0 =	vadd.s32 s28, v0  }
0x18f: {  	vm4 =	vlt.s32 v0, $0xF3FFF  }
0x190: {  	v0 =	vnsel vm4, $0xF3FFF, v0  }
0x191: {  	[tilespmem:s14+$0x40] =	vst v0  }
0x192: {  	v0 =	vld [tilespmem:s2+$0x850];
	_ =	sdelay $0x4  }
0x193: {  	v0 =	vadd.s32 s28, v0  }
0x194: {  	vm5 =	vlt.s32 v0, $0xF3FFF  }
0x195: {  	v0 =	vnsel vm5, $0xF3FFF, v0  }
0x196: {  	[tilespmem:s14+$0x50] =	vst v0  }
0x197: {  	v0 =	vld [tilespmem:s2+$0x860];
	_ =	sdelay $0x4  }
0x198: {  	v0 =	vadd.s32 s28, v0  }
0x199: {  	vm6 =	vlt.s32 v0, $0xF3FFF  }
0x19a: {  	v0 =	vnsel vm6, $0xF3FFF, v0  }
0x19b: {  	[tilespmem:s14+$0x60] =	vst v0  }
0x19c: {  	v0 =	vld [tilespmem:s2+$0x870];
	_ =	sdelay $0x4  }
0x19d: {  	v0 =	vadd.s32 s28, v0  }
0x19e: {  	s25 =	simm.s32 $0x0;
	vm7 =	vlt.s32 v0, $0xF3FFF  }
0x19f: {  	s16 =	sadd.s32 $0x200, s30;
	s30 =	sand.u32 $0x3000, s25;
	s31 =	sand.u32 $0x380, s25;
	v0 =	vnsel vm7, $0xF3FFF, v0  }
0x1a0: {  	s2 =	sor.u32 s31, s30;
	[tilespmem:s14+$0x70] =	vst v0  }
0x1a1: {  	[tilespmem:s16], [sflag:$0x5] =	stream.indirect.gather [hbm4b:s5+s19], $0x1, s14, s19, $0xb8;
	[tilespmem:$0xCF00] =	vst v63  }
0x1a2: {  	v0 =	vld [tilespmem:s2+$0xC00];
	_ =	sdelay $0x4  }
0x1a3: {  	v0 =	vadd.s32 s25, v0  }
0x1a4: {  	vm8 =	vlt.s32 v0, $0xF3FFF  }
0x1a5: {  	s0 =	simm.s32 $0x6180;
	v0 =	vnsel vm8, $0xF3FFF, v0  }
0x1a6: {  	[tilespmem:s0+$0x0] =	vst v0  }
0x1a7: {  	v0 =	vld [tilespmem:s2+$0xC10];
	_ =	sdelay $0x4  }
0x1a8: {  	v0 =	vadd.s32 s25, v0  }
0x1a9: {  	vm9 =	vlt.s32 v0, $0xF3FFF  }
0x1aa: {  	v0 =	vnsel vm9, $0xF3FFF, v0  }
0x1ab: {  	[tilespmem:s0+$0x10] =	vst v0  }
0x1ac: {  	v0 =	vld [tilespmem:s2+$0xC20];
	_ =	sdelay $0x4  }
0x1ad: {  	v0 =	vadd.s32 s25, v0  }
0x1ae: {  	vm10 =	vlt.s32 v0, $0xF3FFF  }
0x1af: {  	v0 =	vnsel vm10, $0xF3FFF, v0  }
0x1b0: {  	[tilespmem:s0+$0x20] =	vst v0  }
0x1b1: {  	v0 =	vld [tilespmem:s2+$0xC30];
	_ =	sdelay $0x4  }
0x1b2: {  	v0 =	vadd.s32 s25, v0  }
0x1b3: {  	vm11 =	vlt.s32 v0, $0xF3FFF  }
0x1b4: {  	v0 =	vnsel vm11, $0xF3FFF, v0  }
0x1b5: {  	[tilespmem:s0+$0x30] =	vst v0  }
0x1b6: {  	v0 =	vld [tilespmem:s2+$0xC40];
	_ =	sdelay $0x4  }
0x1b7: {  	v0 =	vadd.s32 s25, v0  }
0x1b8: {  	vm12 =	vlt.s32 v0, $0xF3FFF  }
0x1b9: {  	v0 =	vnsel vm12, $0xF3FFF, v0  }
0x1ba: {  	[tilespmem:s0+$0x40] =	vst v0  }
0x1bb: {  	v0 =	vld [tilespmem:s2+$0xC50];
	_ =	sdelay $0x4  }
0x1bc: {  	v0 =	vadd.s32 s25, v0  }
0x1bd: {  	vm13 =	vlt.s32 v0, $0xF3FFF  }
0x1be: {  	v0 =	vnsel vm13, $0xF3FFF, v0  }
0x1bf: {  	[tilespmem:s0+$0x50] =	vst v0  }
0x1c0: {  	v0 =	vld [tilespmem:s2+$0xC60];
	_ =	sdelay $0x4  }
0x1c1: {  	v0 =	vadd.s32 s25, v0  }
0x1c2: {  	vm14 =	vlt.s32 v0, $0xF3FFF  }
0x1c3: {  	v0 =	vnsel vm14, $0xF3FFF, v0  }
0x1c4: {  	[tilespmem:s0+$0x60] =	vst v0  }
0x1c5: {  	v0 =	vld [tilespmem:s2+$0xC70];
	_ =	sdelay $0x4  }
0x1c6: {  	s29 =	simm.s32 $0x963D;
	s4 =	simm.s32 $0x12C7A;
	s13 =	simm.s32 $0x80;
	v0 =	vadd.s32 s25, v0  }
0x1c7: {  	s1 =	simm.s32 $0x6180;
	s28 =	simm.s32 $0x9580;
	s2 =	simm.s32 $0x200;
	vm15 =	vlt.s32 v0, $0xF3FFF  }
0x1c8: {  	s16 =	sand.u32 $0x380, s13;
	s14 =	simm.s32 $0x9580;
	s11 =	sand.u32 $0x3000, s2;
	v0 =	vnsel vm15, $0xF3FFF, v0  }
.LBB2_8:
0x1c9: {  	s11 =	sor.u32 s16, s11  }
0x1ca: {  	[tilespmem:s0+$0x70] =	vst v0;
	s28 =	sadd.s32 $0x200, s28;
	s1 =	sadd.s32 $0x200, s1;
	s16 =	smov.u32 s4  }
0x1cb: {  	[tilespmem:s14], [sflag:$0x6] =	stream.indirect.gather [hbm4b:s5+s19], $0x1, s0, s19, $0xb8;
	[tilespmem:$0xCF00] =	vst v63  }
0x1cc: {  	p0 =	sne.s32 s4, $0xEABF5;
	s4 =	sadd.s32 $0x963D, s4;
	s14 =	smov.u32 s28;
	v0 =	vld [tilespmem:s11+$0xC00]  }
0x1cd: {  	s0 =	smov.u32 s1;
	_ =	sdelay $0x3  }
0x1ce: {  	v0 =	vadd.s32 s29, v0  }
0x1cf: {  	vm0 =	vlt.s32 v0, $0xF3FFF  }
0x1d0: {  	v0 =	vnsel vm0, $0xF3FFF, v0  }
0x1d1: {  	[tilespmem:s1+$0x0] =	vst v0  }
0x1d2: {  	v0 =	vld [tilespmem:s11+$0xC10];
	_ =	sdelay $0x4  }
0x1d3: {  	v0 =	vadd.s32 s29, v0  }
0x1d4: {  	vm0 =	vlt.s32 v0, $0xF3FFF  }
0x1d5: {  	v0 =	vnsel vm0, $0xF3FFF, v0  }
0x1d6: {  	[tilespmem:s1+$0x10] =	vst v0  }
0x1d7: {  	v0 =	vld [tilespmem:s11+$0xC20];
	_ =	sdelay $0x4  }
0x1d8: {  	v0 =	vadd.s32 s29, v0  }
0x1d9: {  	vm0 =	vlt.s32 v0, $0xF3FFF  }
0x1da: {  	v0 =	vnsel vm0, $0xF3FFF, v0  }
0x1db: {  	[tilespmem:s1+$0x20] =	vst v0  }
0x1dc: {  	v0 =	vld [tilespmem:s11+$0xC30];
	_ =	sdelay $0x4  }
0x1dd: {  	v0 =	vadd.s32 s29, v0  }
0x1de: {  	vm0 =	vlt.s32 v0, $0xF3FFF  }
0x1df: {  	v0 =	vnsel vm0, $0xF3FFF, v0  }
0x1e0: {  	[tilespmem:s1+$0x30] =	vst v0  }
0x1e1: {  	v0 =	vld [tilespmem:s11+$0xC40];
	_ =	sdelay $0x4  }
0x1e2: {  	v0 =	vadd.s32 s29, v0  }
0x1e3: {  	vm0 =	vlt.s32 v0, $0xF3FFF  }
0x1e4: {  	v0 =	vnsel vm0, $0xF3FFF, v0  }
0x1e5: {  	[tilespmem:s1+$0x40] =	vst v0  }
0x1e6: {  	v0 =	vld [tilespmem:s11+$0xC50];
	_ =	sdelay $0x4  }
0x1e7: {  	v0 =	vadd.s32 s29, v0  }
0x1e8: {  	vm0 =	vlt.s32 v0, $0xF3FFF  }
0x1e9: {  	v0 =	vnsel vm0, $0xF3FFF, v0  }
0x1ea: {  	[tilespmem:s1+$0x50] =	vst v0  }
0x1eb: {  	v0 =	vld [tilespmem:s11+$0xC60];
	_ =	sdelay $0x4  }
0x1ec: {  	v0 =	vadd.s32 s29, v0  }
0x1ed: {  	vm0 =	vlt.s32 v0, $0xF3FFF  }
0x1ee: {  	v0 =	vnsel vm0, $0xF3FFF, v0  }
0x1ef: {  	[tilespmem:s1+$0x60] =	vst v0  }
0x1f0: {  	v0 =	vld [tilespmem:s11+$0xC70];
	_ =	sdelay $0x2  }
.Ltmp3:
0x1f1: {  	(pc) =	sbr.rel @p0 .LBB2_8-.Ltmp3, $4  }
0x1f2: {  	_ = 	snop  }
0x1f3: {  	v0 =	vadd.s32 s29, v0;
	s29 =	smov.u32 s16  }
0x1f4: {  	s13 =	sadd.s32 $0x80, s13;
	s2 =	sadd.s32 $0x200, s2;
	vm0 =	vlt.s32 v0, $0xF3FFF  }
0x1f5: {  	s11 =	sand.u32 $0x3000, s2;
	s16 =	sand.u32 $0x380, s13;
	v0 =	vnsel vm0, $0xF3FFF, v0  }
0x1f6: {  	s2 =	sor.u32 s16, s11;
	[tilespmem:s0+$0x70] =	vst v0  }
0x1f7: {  	[tilespmem:s14], [sflag:$0x6] =	stream.indirect.gather [hbm4b:s5+s19], $0x1, s0, s19, $0xb8;
	[tilespmem:$0xCF00] =	vst v63  }
0x1f8: {  	v0 =	vld [tilespmem:s2+$0xC00];
	_ =	sdelay $0x4  }
0x1f9: {  	v0 =	vadd.s32 s29, v0  }
0x1fa: {  	vm0 =	vlt.s32 v0, $0xF3FFF  }
0x1fb: {  	s25 =	sadd.s32 $0x200, s1;
	v0 =	vnsel vm0, $0xF3FFF, v0  }
0x1fc: {  	[tilespmem:s25+$0x0] =	vst v0  }
0x1fd: {  	v0 =	vld [tilespmem:s2+$0xC10];
	_ =	sdelay $0x4  }
0x1fe: {  	v0 =	vadd.s32 s29, v0  }
0x1ff: {  	vm7 =	vlt.s32 v0, $0xF3FFF  }
0x200: {  	v0 =	vnsel vm7, $0xF3FFF, v0  }
0x201: {  	[tilespmem:s25+$0x10] =	vst v0  }
0x202: {  	v0 =	vld [tilespmem:s2+$0xC20];
	_ =	sdelay $0x4  }
0x203: {  	v0 =	vadd.s32 s29, v0  }
0x204: {  	vm8 =	vlt.s32 v0, $0xF3FFF  }
0x205: {  	v0 =	vnsel vm8, $0xF3FFF, v0  }
0x206: {  	[tilespmem:s25+$0x20] =	vst v0  }
0x207: {  	v0 =	vld [tilespmem:s2+$0xC30];
	_ =	sdelay $0x4  }
0x208: {  	v0 =	vadd.s32 s29, v0  }
0x209: {  	vm9 =	vlt.s32 v0, $0xF3FFF  }
0x20a: {  	v0 =	vnsel vm9, $0xF3FFF, v0  }
0x20b: {  	[tilespmem:s25+$0x30] =	vst v0  }
0x20c: {  	v0 =	vld [tilespmem:s2+$0xC40];
	_ =	sdelay $0x4  }
0x20d: {  	v0 =	vadd.s32 s29, v0  }
0x20e: {  	vm10 =	vlt.s32 v0, $0xF3FFF  }
0x20f: {  	v0 =	vnsel vm10, $0xF3FFF, v0  }
0x210: {  	[tilespmem:s25+$0x40] =	vst v0  }
0x211: {  	v0 =	vld [tilespmem:s2+$0xC50];
	_ =	sdelay $0x4  }
0x212: {  	v0 =	vadd.s32 s29, v0  }
0x213: {  	vm11 =	vlt.s32 v0, $0xF3FFF  }
0x214: {  	v0 =	vnsel vm11, $0xF3FFF, v0  }
0x215: {  	[tilespmem:s25+$0x50] =	vst v0  }
0x216: {  	v0 =	vld [tilespmem:s2+$0xC60];
	_ =	sdelay $0x4  }
0x217: {  	v0 =	vadd.s32 s29, v0  }
0x218: {  	vm12 =	vlt.s32 v0, $0xF3FFF  }
0x219: {  	v0 =	vnsel vm12, $0xF3FFF, v0  }
0x21a: {  	[tilespmem:s25+$0x60] =	vst v0  }
0x21b: {  	v0 =	vld [tilespmem:s2+$0xC70];
	_ =	sdelay $0x4  }
0x21c: {  	v0 =	vadd.s32 s29, v0  }
0x21d: {  	vm13 =	vlt.s32 v0, $0xF3FFF  }
0x21e: {  	v0 =	vnsel vm13, $0xF3FFF, v0  }
0x21f: {  	s31 =	sadd.s32 $0x200, s28;
	[tilespmem:s25+$0x70] =	vst v0  }
0x220: {  	[tilespmem:s31], [sflag:$0x6] =	stream.indirect.gather [hbm4b:s5+s19], $0x1, s25, s19, $0xb8;
	[tilespmem:$0xCF00] =	vst v63  }
0x221: {  	v13 =	vld [tilespmem:$0xCC00]  }
0x222: {  	v0 =	vld.msk [tilespmem:$0xCC80 ss:$0x0], $0xffff;
	_ =	swait.ge [sflag:s20], $0x2000  }
0x223: {  	[sflag:s20] =	ssyncset.done $0x0  }
0x224: {  	[sflag:s20] =	ssyncadd.s32 $0xFFFFE000  }
0x225: {  	_ =	swait.ge [sflag:s21], $0x80  }
0x226: {  	[sflag:s21] =	ssyncset.done $0x0  }
0x227: {  	[sflag:s21] =	ssyncadd.s32 $0xFFFFFF80  }
0x228: {  	_ =	swait.ge [sflag:s21], $0x80  }
0x229: {  	[sflag:s21] =	ssyncset.done $0x0  }
0x22a: {  	[sflag:s21] =	ssyncadd.s32 $0xFFFFFF80  }
0x22b: {  	_ =	swait.ge [sflag:s21], $0x80  }
0x22c: {  	[sflag:s21] =	ssyncset.done $0x0  }
0x22d: {  	[sflag:s21] =	ssyncadd.s32 $0xFFFFFF80  }
0x22e: {  	_ =	swait.ge [sflag:s21], $0x80  }
0x22f: {  	[sflag:s21] =	ssyncset.done $0x0  }
0x230: {  	[sflag:s21] =	ssyncadd.s32 $0xFFFFFF80  }
0x231: {  	_ =	swait.ge [sflag:s21], $0x80  }
0x232: {  	[sflag:s21] =	ssyncset.done $0x0  }
0x233: {  	[sflag:s21] =	ssyncadd.s32 $0xFFFFFF80  }
0x234: {  	_ =	swait.ge [sflag:s21], $0x80  }
0x235: {  	[sflag:s21] =	ssyncset.done $0x0  }
0x236: {  	[sflag:s21] =	ssyncadd.s32 $0xFFFFFF80  }
0x237: {  	_ =	swait.ge [sflag:s21], $0x80  }
0x238: {  	[sflag:s21] =	ssyncset.done $0x0  }
0x239: {  	[sflag:s21] =	ssyncadd.s32 $0xFFFFFF80  }
0x23a: {  	_ =	swait.ge [sflag:s21], $0x80  }
0x23b: {  	[sflag:s21] =	ssyncset.done $0x0  }
0x23c: {  	[sflag:s21] =	ssyncadd.s32 $0xFFFFFF80  }
0x23d: {  	_ =	swait.ge [sflag:s21], $0x80  }
0x23e: {  	[sflag:s21] =	ssyncset.done $0x0  }
0x23f: {  	[sflag:s21] =	ssyncadd.s32 $0xFFFFFF80  }
0x240: {  	_ =	swait.ge [sflag:s21], $0x80  }
0x241: {  	[sflag:s21] =	ssyncset.done $0x0  }
0x242: {  	[sflag:s21] =	ssyncadd.s32 $0xFFFFFF80  }
0x243: {  	_ =	swait.ge [sflag:s21], $0x80  }
0x244: {  	[sflag:s21] =	ssyncset.done $0x0  }
0x245: {  	[sflag:s21] =	ssyncadd.s32 $0xFFFFFF80  }
0x246: {  	_ =	swait.ge [sflag:s21], $0x80  }
0x247: {  	[sflag:s21] =	ssyncset.done $0x0  }
0x248: {  	[sflag:s21] =	ssyncadd.s32 $0xFFFFFF80  }
0x249: {  	_ =	swait.ge [sflag:s21], $0x80  }
0x24a: {  	[sflag:s21] =	ssyncset.done $0x0  }
0x24b: {  	[sflag:s21] =	ssyncadd.s32 $0xFFFFFF80  }
0x24c: {  	_ =	swait.ge [sflag:s21], $0x80  }
0x24d: {  	[sflag:s21] =	ssyncset.done $0x0  }
0x24e: {  	[sflag:s21] =	ssyncadd.s32 $0xFFFFFF80  }
0x24f: {  	_ =	swait.ge [sflag:s21], $0x80  }
0x250: {  	[sflag:s21] =	ssyncset.done $0x0  }
0x251: {  	[sflag:s21] =	ssyncadd.s32 $0xFFFFFF80  }
0x252: {  	_ =	swait.ge [sflag:s21], $0x80  }
0x253: {  	[sflag:s21] =	ssyncset.done $0x0  }
0x254: {  	[sflag:s21] =	ssyncadd.s32 $0xFFFFFF80  }
0x255: {  	_ =	swait.ge [sflag:s21], $0x80  }
0x256: {  	[sflag:s21] =	ssyncset.done $0x0  }
0x257: {  	[sflag:s21] =	ssyncadd.s32 $0xFFFFFF80  }
0x258: {  	_ =	swait.ge [sflag:s21], $0x80  }
0x259: {  	[sflag:s21] =	ssyncset.done $0x0  }
0x25a: {  	[sflag:s21] =	ssyncadd.s32 $0xFFFFFF80  }
0x25b: {  	_ =	swait.ge [sflag:s21], $0x80  }
0x25c: {  	[sflag:s21] =	ssyncset.done $0x0  }
0x25d: {  	[sflag:s21] =	ssyncadd.s32 $0xFFFFFF80  }
0x25e: {  	_ =	swait.ge [sflag:s21], $0x80  }
0x25f: {  	[sflag:s21] =	ssyncset.done $0x0  }
0x260: {  	[sflag:s21] =	ssyncadd.s32 $0xFFFFFF80  }
0x261: {  	_ =	swait.ge [sflag:s21], $0x80  }
0x262: {  	[sflag:s21] =	ssyncset.done $0x0  }
0x263: {  	[sflag:s21] =	ssyncadd.s32 $0xFFFFFF80  }
0x264: {  	_ =	swait.ge [sflag:s21], $0x80  }
0x265: {  	[sflag:s21] =	ssyncset.done $0x0  }
0x266: {  	[sflag:s21] =	ssyncadd.s32 $0xFFFFFF80  }
0x267: {  	_ =	swait.ge [sflag:s21], $0x80  }
0x268: {  	[sflag:s21] =	ssyncset.done $0x0  }
0x269: {  	[sflag:s21] =	ssyncadd.s32 $0xFFFFFF80  }
0x26a: {  	_ =	swait.ge [sflag:s21], $0x80  }
0x26b: {  	[sflag:s21] =	ssyncset.done $0x0  }
0x26c: {  	[sflag:s21] =	ssyncadd.s32 $0xFFFFFF80  }
0x26d: {  	_ =	swait.ge [sflag:s21], $0x80  }
0x26e: {  	[sflag:s21] =	ssyncset.done $0x0  }
0x26f: {  	[sflag:s21] =	ssyncadd.s32 $0xFFFFFF80  }
0x270: {  	_ =	swait.ge [sflag:s21], $0x80  }
0x271: {  	[sflag:s21] =	ssyncset.done $0x0  }
0x272: {  	s29 =	simm.s32 $0x0;
	[sflag:s21] =	ssyncadd.s32 $0xFFFFFF80  }
0x273: {  	v1 =	vld [tilespmem:s29+$0x9400];
	_ =	sdelay $0x1  }
0x274: {  	v2 =	vld [tilespmem:s29+$0x9600];
	_ =	sdelay $0x1  }
0x275: {  	v3 =	vld [tilespmem:s29+$0x9800]  }
0x276: {  	v1 =	vadd.f32 v1, v0  }
0x277: {  	v4 =	vld [tilespmem:s29+$0x9A00]  }
0x278: {  	v1 =	vadd.f32 v2, v1  }
0x279: {  	v2 =	vld [tilespmem:s29+$0x9C00]  }
0x27a: {  	v1 =	vadd.f32 v3, v1  }
0x27b: {  	v3 =	vld [tilespmem:s29+$0x9E00]  }
0x27c: {  	v1 =	vadd.f32 v4, v1  }
0x27d: {  	v4 =	vld [tilespmem:s29+$0xA000]  }
0x27e: {  	v1 =	vadd.f32 v2, v1  }
0x27f: {  	v2 =	vld [tilespmem:s29+$0xA200]  }
0x280: {  	v1 =	vadd.f32 v3, v1  }
0x281: {  	v3 =	vld [tilespmem:s29+$0xA400]  }
0x282: {  	v1 =	vadd.f32 v4, v1  }
0x283: {  	v4 =	vld [tilespmem:s29+$0xA600]  }
0x284: {  	v1 =	vadd.f32 v2, v1  }
0x285: {  	v2 =	vld [tilespmem:s29+$0xA800]  }
0x286: {  	v1 =	vadd.f32 v3, v1  }
0x287: {  	v3 =	vld [tilespmem:s29+$0xAA00]  }
0x288: {  	v1 =	vadd.f32 v4, v1  }
0x289: {  	v4 =	vld [tilespmem:s29+$0xAC00]  }
0x28a: {  	v1 =	vadd.f32 v2, v1  }
0x28b: {  	v2 =	vld [tilespmem:s29+$0xAE00]  }
0x28c: {  	v1 =	vadd.f32 v3, v1  }
0x28d: {  	v3 =	vld [tilespmem:s29+$0xB000]  }
0x28e: {  	v1 =	vadd.f32 v4, v1  }
0x28f: {  	v4 =	vld [tilespmem:s29+$0xB200]  }
0x290: {  	v1 =	vadd.f32 v2, v1  }
0x291: {  	v2 =	vld [tilespmem:s29+$0xB400]  }
0x292: {  	v1 =	vadd.f32 v3, v1  }
0x293: {  	v3 =	vld [tilespmem:s29+$0xB600]  }
0x294: {  	v1 =	vadd.f32 v4, v1;
	v4 =	vld [tilespmem:s29+$0x3080]  }
0x295: {  	v5 =	vld [tilespmem:s29+$0xB800]  }
0x296: {  	v6 =	vld [tilespmem:s29+$0xC600];
	v1 =	vadd.f32 v2, v1  }
0x297: {  	v2 =	vld [tilespmem:s29+$0xBA00]  }
0x298: {  	s28 =	simm.s32 $0x10;
	v7 =	vld [tilespmem:s29+$0xBC00];
	v1 =	vadd.f32 v3, v1  }
0x299: {  	v9 =	vld [tilespmem:s28+$0x9400];
	v8 =	vadd.s32 $0xFFFF6BF5, v4  }
0x29a: {  	v10 =	vld [tilespmem:s28+$0x9600];
	v1 =	vadd.f32 v5, v1;
	vm14 =	vgt.s32 v8, $0x0  }
0x29b: {  	v5 =	vld [tilespmem:s29+$0xBE00];
	v8 =	vnsel vm14, $0x0, v8  }
0x29c: {  	v11 =	vld [tilespmem:s28+$0x9800];
	v1 =	vadd.f32 v2, v1;
	v2 =	vmin.u32 v8, $0x3FF  }
0x29d: {  	v8 =	vld [tilespmem:s29+$0xC000]  }
0x29e: {  	v12 =	vld [tilespmem:s28+$0x9A00];
	v1 =	vadd.f32 v7, v1  }
0x29f: {  	v9 =	vadd.f32 v9, v0;
	v7 =	vld [tilespmem:s29+$0xC200]  }
0x2a0: {  	v3 =	vld [tilespmem:s29+$0xC400];
	v1 =	vadd.f32 v5, v1  }
0x2a1: {  	v5 =	vld.idx.msk [tilespmem:v2+s17+$0x0], $0xffff;
	v2 =	vadd.f32 v10, v9  }
0x2a2: {  	v9 =	vld [tilespmem:s28+$0x9C00];
	v1 =	vadd.f32 v8, v1  }
0x2a3: {  	v8 =	vld [tilespmem:s29+$0x4000];
	v2 =	vadd.f32 v11, v2  }
0x2a4: {  	v10 =	vld [tilespmem:s28+$0x9E00];
	v7 =	vadd.f32 v7, v1  }
0x2a5: {  	v4 =	vadd.s32 $0xEABF5, v4;
	v11 =	vld [tilespmem:s29+$0x4080];
	v12 =	vadd.f32 v12, v2  }
0x2a6: {  	v14 =	vld [tilespmem:s28+$0xA000];
	vm15 =	vgt.s32 v4, $0xF3FFF;
	v1 =	vbroadcast v13, $0x0;
	v3 =	vadd.f32 v3, v7  }
0x2a7: {  	v4 =	vsel vm15, v5, v6;
	v5 =	vld [tilespmem:s29+$0x4100];
	v6 =	vadd.f32 v9, v12  }
0x2a8: {  	v2 =	vbroadcast v13, $0x1;
	v7 =	vld [tilespmem:s28+$0xA200];
	v8 =	vmul.f32 v8, v1;
	v4 =	vadd.f32 v4, v3  }
0x2a9: {  	v9 =	vld [tilespmem:s29+$0x4180];
	v6 =	vadd.f32 v10, v6  }
0x2aa: {  	v3 =	vbroadcast v13, $0x2;
	v11 =	vmul.f32 v11, v2;
	v10 =	vld [tilespmem:s28+$0xA400];
	v8 =	vadd.f32 v8, v4  }
0x2ab: {  	v12 =	vld [tilespmem:s29+$0x4200];
	v6 =	vadd.f32 v14, v6  }
0x2ac: {  	v4 =	vbroadcast v13, $0x3;
	v14 =	vld [tilespmem:s28+$0xA600];
	v8 =	vadd.f32 v11, v8;
	v11 =	vmul.f32 v5, v3  }
0x2ad: {  	v15 =	vld [tilespmem:s29+$0x4280];
	v7 =	vadd.f32 v7, v6  }
0x2ae: {  	v16 =	vld [tilespmem:s28+$0xA800];
	v5 =	vbroadcast v13, $0x4;
	v9 =	vmul.f32 v9, v4;
	v8 =	vadd.f32 v11, v8  }
0x2af: {  	v11 =	vld [tilespmem:s29+$0x4300];
	v10 =	vadd.f32 v10, v7  }
0x2b0: {  	v17 =	vld [tilespmem:s28+$0xAA00];
	v6 =	vbroadcast v13, $0x5;
	v8 =	vadd.f32 v9, v8;
	v9 =	vmul.f32 v12, v5  }
0x2b1: {  	v12 =	vld [tilespmem:s29+$0x4380];
	v10 =	vadd.f32 v14, v10  }
0x2b2: {  	v7 =	vbroadcast v13, $0x6;
	v15 =	vmul.f32 v15, v6;
	v14 =	vld [tilespmem:s28+$0xAC00];
	v9 =	vadd.f32 v9, v8  }
0x2b3: {  	v18 =	vld [tilespmem:s29+$0x5000];
	v10 =	vadd.f32 v16, v10  }
0x2b4: {  	v8 =	vbroadcast v13, $0x7;
	v16 =	vld [tilespmem:s28+$0xAE00];
	v11 =	vmul.f32 v11, v7;
	v15 =	vadd.f32 v15, v9  }
0x2b5: {  	v19 =	vld [tilespmem:s29+$0x5080];
	v17 =	vadd.f32 v17, v10  }
0x2b6: {  	v20 =	vld [tilespmem:s28+$0xB000];
	v9 =	vbroadcast v13, $0x8;
	v12 =	vmul.f32 v12, v8;
	v11 =	vadd.f32 v11, v15  }
0x2b7: {  	v15 =	vld [tilespmem:s29+$0x5100];
	v14 =	vadd.f32 v14, v17  }
0x2b8: {  	v10 =	vbroadcast v13, $0x9;
	v18 =	vmul.f32 v18, v9;
	v17 =	vld [tilespmem:s28+$0xB200];
	v12 =	vadd.f32 v12, v11  }
0x2b9: {  	v21 =	vld [tilespmem:s29+$0x5180];
	v14 =	vadd.f32 v16, v14  }
0x2ba: {  	v19 =	vmul.f32 v19, v10;
	v11 =	vbroadcast v13, $0xA;
	v16 =	vld [tilespmem:s28+$0xB400];
	v18 =	vadd.f32 v18, v12  }
0x2bb: {  	v22 =	vld [tilespmem:s29+$0x5200];
	v14 =	vadd.f32 v20, v14  }
0x2bc: {  	v12 =	vbroadcast v13, $0xB;
	v20 =	vld [tilespmem:s28+$0xB600];
	v23 =	vmul.f32 v15, v11;
	v19 =	vadd.f32 v19, v18  }
0x2bd: {  	v15 =	vld [tilespmem:s28+$0x3080];
	v17 =	vadd.f32 v17, v14  }
0x2be: {  	v13 =	vbroadcast v13, $0xC;
	v18 =	vld [tilespmem:s28+$0xB800];
	v21 =	vmul.f32 v21, v12;
	v19 =	vadd.f32 v23, v19  }
0x2bf: {  	v14 =	vld [tilespmem:s28+$0xC600];
	v23 =	vadd.f32 v16, v17  }
0x2c0: {  	v22 =	vmul.f32 v22, v13;
	v17 =	vld [tilespmem:s28+$0xBA00];
	v24 =	vadd.f32 v21, v19  }
0x2c1: {  	v16 =	vld [tilespmem:s28+$0xC400];
	v20 =	vadd.f32 v20, v23  }
0x2c2: {  	s30 =	simm.s32 $0x20;
	s0 =	simm.s32 $0xC0;
	v19 =	vld [tilespmem:s28+$0xBC00];
	v21 =	vadd.s32 $0xFFFF6BF5, v15;
	v22 =	vadd.f32 v22, v24  }
.LBB2_10:
0x2c3: {  	p0 =	sne.s32 s0, $0x1C0;
	v23 =	vld [tilespmem:s30+$0x9400];
	v18 =	vadd.f32 v18, v20;
	vm0 =	vgt.s32 v21, $0x0  }
0x2c4: {  	v20 =	vld [tilespmem:s28+$0xBE00];
	v21 =	vnsel vm0, $0x0, v21;
	[tilespmem:s29+$0xCD00] =	vst v22;
	s29 =	smov.u32 s28;
	s28 =	smov.u32 s30  }
0x2c5: {  	v22 =	vld [tilespmem:s28+$0x9600];
	v17 =	vadd.f32 v17, v18;
	v18 =	vmin.u32 v21, $0x3FF  }
0x2c6: {  	v21 =	vld [tilespmem:s29+$0xC000]  }
0x2c7: {  	v24 =	vld [tilespmem:s28+$0x9800];
	v17 =	vadd.f32 v19, v17  }
0x2c8: {  	v19 =	vadd.f32 v23, v0;
	v23 =	vld [tilespmem:s29+$0xC200]  }
0x2c9: {  	v25 =	vld [tilespmem:s28+$0x9A00];
	v17 =	vadd.f32 v20, v17  }
0x2ca: {  	v19 =	vadd.f32 v22, v19;
	v18 =	vld.idx.msk [tilespmem:v18+s17+$0x0], $0xffff  }
0x2cb: {  	v20 =	vld [tilespmem:s28+$0x9C00];
	v17 =	vadd.f32 v21, v17  }
0x2cc: {  	v19 =	vadd.f32 v24, v19;
	v21 =	vld [tilespmem:s29+$0x4000]  }
0x2cd: {  	v22 =	vld [tilespmem:s28+$0x9E00];
	v17 =	vadd.f32 v23, v17  }
0x2ce: {  	v15 =	vadd.s32 $0xEABF5, v15;
	v19 =	vadd.f32 v25, v19;
	v23 =	vld [tilespmem:s29+$0x4080]  }
0x2cf: {  	vm0 =	vgt.s32 v15, $0xF3FFF;
	v24 =	vld [tilespmem:s28+$0xA000];
	v16 =	vadd.f32 v16, v17  }
0x2d0: {  	v14 =	vsel vm0, v18, v14;
	v15 =	vadd.f32 v20, v19;
	v17 =	vld [tilespmem:s29+$0x4100]  }
0x2d1: {  	v18 =	vld [tilespmem:s28+$0xA200];
	v14 =	vadd.f32 v14, v16;
	v16 =	vmul.f32 v21, v1  }
0x2d2: {  	v15 =	vadd.f32 v22, v15;
	v19 =	vld [tilespmem:s29+$0x4180]  }
0x2d3: {  	v20 =	vld [tilespmem:s28+$0xA400];
	v14 =	vadd.f32 v16, v14;
	v16 =	vmul.f32 v23, v2  }
0x2d4: {  	v15 =	vadd.f32 v24, v15;
	v21 =	vld [tilespmem:s29+$0x4200]  }
0x2d5: {  	v22 =	vld [tilespmem:s28+$0xA600];
	v14 =	vadd.f32 v16, v14;
	v16 =	vmul.f32 v17, v3  }
0x2d6: {  	v15 =	vadd.f32 v18, v15;
	v17 =	vld [tilespmem:s29+$0x4280]  }
0x2d7: {  	v18 =	vld [tilespmem:s28+$0xA800];
	v14 =	vadd.f32 v16, v14;
	v16 =	vmul.f32 v19, v4  }
0x2d8: {  	v15 =	vadd.f32 v20, v15;
	v19 =	vld [tilespmem:s29+$0x4300]  }
0x2d9: {  	v20 =	vld [tilespmem:s28+$0xAA00];
	v14 =	vadd.f32 v16, v14;
	v16 =	vmul.f32 v21, v5  }
0x2da: {  	v15 =	vadd.f32 v22, v15;
	v21 =	vld [tilespmem:s29+$0x4380]  }
0x2db: {  	v22 =	vld [tilespmem:s28+$0xAC00];
	v14 =	vadd.f32 v16, v14;
	v16 =	vmul.f32 v17, v6  }
0x2dc: {  	v15 =	vadd.f32 v18, v15;
	v17 =	vld [tilespmem:s29+$0x5000]  }
0x2dd: {  	v18 =	vld [tilespmem:s28+$0xAE00];
	v14 =	vadd.f32 v16, v14;
	v16 =	vmul.f32 v19, v7  }
0x2de: {  	v15 =	vadd.f32 v20, v15;
	v19 =	vld [tilespmem:s29+$0x5080]  }
0x2df: {  	v20 =	vld [tilespmem:s28+$0xB000];
	v14 =	vadd.f32 v16, v14;
	v16 =	vmul.f32 v21, v8  }
0x2e0: {  	v15 =	vadd.f32 v22, v15;
	v21 =	vld [tilespmem:s29+$0x5100]  }
0x2e1: {  	v22 =	vld [tilespmem:s28+$0xB200];
	v14 =	vadd.f32 v16, v14;
	v16 =	vmul.f32 v17, v9  }
0x2e2: {  	v15 =	vadd.f32 v18, v15;
	v17 =	vld [tilespmem:s29+$0x5180]  }
0x2e3: {  	v23 =	vld [tilespmem:s28+$0xB400];
	v14 =	vadd.f32 v16, v14;
	v16 =	vmul.f32 v19, v10  }
0x2e4: {  	v15 =	vadd.f32 v20, v15;
	v19 =	vld [tilespmem:s29+$0x5200]  }
0x2e5: {  	v20 =	vld [tilespmem:s28+$0xB600];
	v14 =	vadd.f32 v16, v14;
	v16 =	vmul.f32 v21, v11  }
0x2e6: {  	v21 =	vadd.f32 v22, v15;
	v15 =	vld [tilespmem:s28+$0x3080]  }
.Ltmp4:
0x2e7: {  	v18 =	vld [tilespmem:s28+$0xB800];
	v16 =	vadd.f32 v16, v14;
	v22 =	vmul.f32 v17, v12;
	(pc) =	sbr.rel @p0 .LBB2_10-.Ltmp4, $4  }
0x2e8: {  	v21 =	vadd.f32 v23, v21;
	v14 =	vld [tilespmem:s28+$0xC600]  }
0x2e9: {  	v17 =	vld [tilespmem:s28+$0xBA00];
	v22 =	vadd.f32 v22, v16;
	v23 =	vmul.f32 v19, v13  }
0x2ea: {  	v20 =	vadd.f32 v20, v21;
	v16 =	vld [tilespmem:s28+$0xC400]  }
0x2eb: {  	s30 =	sshra.s32 s0, $0x2;
	s0 =	sadd.s32 $0x40, s0;
	v19 =	vld [tilespmem:s28+$0xBC00];
	v21 =	vadd.s32 $0xFFFF6BF5, v15;
	v22 =	vadd.f32 v23, v22  }
0x2ec: {  	v23 =	vld [tilespmem:s30+$0x9400];
	vm0 =	vgt.s32 v21, $0x0  }
0x2ed: {  	v24 =	vld [tilespmem:s28+$0xBE00];
	v18 =	vadd.f32 v18, v20;
	v20 =	vnsel vm0, $0x0, v21;
	[tilespmem:s29+$0xCD00] =	vst v22  }
0x2ee: {  	v21 =	vld [tilespmem:s30+$0x9600];
	v20 =	vmin.u32 v20, $0x3FF  }
0x2ef: {  	v17 =	vadd.f32 v17, v18;
	v18 =	vld [tilespmem:s28+$0xC000]  }
0x2f0: {  	v22 =	vld [tilespmem:s30+$0x9800]  }
0x2f1: {  	v25 =	vld [tilespmem:s30+$0x9A00];
	v17 =	vadd.f32 v19, v17;
	v19 =	vadd.f32 v23, v0  }
0x2f2: {  	v23 =	vld [tilespmem:s28+$0xC200]  }
0x2f3: {  	v17 =	vadd.f32 v24, v17;
	v19 =	vadd.f32 v21, v19;
	v20 =	vld.idx.msk [tilespmem:v20+s17+$0x0], $0xffff  }
0x2f4: {  	v21 =	vld [tilespmem:s30+$0x9C00]  }
0x2f5: {  	v17 =	vadd.f32 v18, v17;
	v18 =	vadd.f32 v22, v19;
	v19 =	vld [tilespmem:s28+$0x4000]  }
0x2f6: {  	v22 =	vld [tilespmem:s30+$0x9E00]  }
0x2f7: {  	v59 =	vld [tilespmem:s30+$0xA000];
	v17 =	vadd.f32 v23, v17;
	v18 =	vadd.f32 v25, v18  }
0x2f8: {  	v15 =	vadd.s32 $0xEABF5, v15;
	v23 =	vld [tilespmem:s28+$0x4080]  }
0x2f9: {  	vm11 =	vgt.s32 v15, $0xF3FFF;
	v16 =	vadd.f32 v16, v17;
	v17 =	vld [tilespmem:s28+$0x4100];
	v15 =	vadd.f32 v21, v18  }
0x2fa: {  	v14 =	vsel vm11, v20, v14;
	v18 =	vld [tilespmem:s30+$0xA200]  }
0x2fb: {  	v20 =	vld [tilespmem:s30+$0xA400];
	v14 =	vadd.f32 v14, v16;
	v16 =	vmul.f32 v19, v1;
	v15 =	vadd.f32 v22, v15  }
0x2fc: {  	v19 =	vld [tilespmem:s28+$0x4180]  }
0x2fd: {  	v21 =	vld [tilespmem:s28+$0x4200];
	v14 =	vadd.f32 v16, v14;
	v16 =	vmul.f32 v23, v2;
	v15 =	vadd.f32 v59, v15  }
0x2fe: {  	v22 =	vld [tilespmem:s30+$0xA600]  }
0x2ff: {  	v14 =	vadd.f32 v16, v14;
	v16 =	vmul.f32 v17, v3;
	v17 =	vld [tilespmem:s28+$0x4280];
	v15 =	vadd.f32 v18, v15  }
0x300: {  	v18 =	vld [tilespmem:s30+$0xA800]  }
0x301: {  	v14 =	vadd.f32 v16, v14;
	v16 =	vmul.f32 v19, v4;
	v19 =	vld [tilespmem:s28+$0x4300];
	v15 =	vadd.f32 v20, v15  }
0x302: {  	v20 =	vld [tilespmem:s30+$0xAA00]  }
0x303: {  	v14 =	vadd.f32 v16, v14;
	v16 =	vmul.f32 v21, v5;
	v21 =	vld [tilespmem:s28+$0x4380];
	v15 =	vadd.f32 v22, v15  }
0x304: {  	v22 =	vld [tilespmem:s30+$0xAC00]  }
0x305: {  	v14 =	vadd.f32 v16, v14;
	v16 =	vmul.f32 v17, v6;
	v17 =	vld [tilespmem:s28+$0x5000];
	v15 =	vadd.f32 v18, v15  }
0x306: {  	v18 =	vld [tilespmem:s30+$0xAE00]  }
0x307: {  	v14 =	vadd.f32 v16, v14;
	v16 =	vmul.f32 v19, v7;
	v19 =	vld [tilespmem:s28+$0x5080];
	v15 =	vadd.f32 v20, v15  }
0x308: {  	v20 =	vld [tilespmem:s30+$0xB000]  }
0x309: {  	v14 =	vadd.f32 v16, v14;
	v16 =	vmul.f32 v21, v8;
	v21 =	vld [tilespmem:s28+$0x5100];
	v15 =	vadd.f32 v22, v15  }
0x30a: {  	v22 =	vld [tilespmem:s30+$0xB200]  }
0x30b: {  	v14 =	vadd.f32 v16, v14;
	v16 =	vmul.f32 v17, v9;
	v17 =	vld [tilespmem:s28+$0x5180];
	v15 =	vadd.f32 v18, v15  }
0x30c: {  	v18 =	vld [tilespmem:s30+$0xB400]  }
0x30d: {  	v14 =	vadd.f32 v16, v14;
	v16 =	vmul.f32 v19, v10;
	v19 =	vld [tilespmem:s28+$0x5200];
	v15 =	vadd.f32 v20, v15  }
0x30e: {  	v20 =	vld [tilespmem:s30+$0xB600]  }
0x30f: {  	v14 =	vadd.f32 v16, v14;
	v16 =	vmul.f32 v21, v11;
	v21 =	vld [tilespmem:s30+$0x3080];
	v15 =	vadd.f32 v22, v15  }
0x310: {  	v22 =	vld [tilespmem:s30+$0xB800]  }
0x311: {  	v14 =	vadd.f32 v16, v14;
	v16 =	vmul.f32 v17, v12;
	v15 =	vadd.f32 v18, v15  }
0x312: {  	v17 =	vld [tilespmem:s30+$0xBA00]  }
0x313: {  	v14 =	vadd.f32 v16, v14;
	v16 =	vmul.f32 v19, v13;
	v15 =	vadd.f32 v20, v15  }
0x314: {  	v19 =	vld [tilespmem:s30+$0xBC00]  }
0x315: {  	v18 =	vld [tilespmem:s30+$0xC600];
	v23 =	vadd.s32 $0xFFFF6BF5, v21;
	v14 =	vadd.f32 v16, v14;
	v15 =	vadd.f32 v22, v15  }
0x316: {  	vm12 =	vgt.s32 v23, $0x0;
	v16 =	vld [tilespmem:s30+$0xBE00]  }
0x317: {  	v20 =	vld [tilespmem:s30+$0xC400];
	v22 =	vnsel vm12, $0x0, v23;
	[tilespmem:s28+$0xCD00] =	vst v14;
	v14 =	vadd.f32 v17, v15  }
0x318: {  	v15 =	vmin.u32 v22, $0x3FF;
	v17 =	vld [tilespmem:s30+$0xC000]  }
0x319: {  	v14 =	vadd.f32 v19, v14  }
0x31a: {  	v19 =	vld [tilespmem:s30+$0xC200]  }
0x31b: {  	v14 =	vadd.f32 v16, v14;
	_ =	sdelay $0x1  }
0x31c: {  	v15 =	vld.idx.msk [tilespmem:v15+s17+$0x0], $0xffff;
	v14 =	vadd.f32 v17, v14  }
0x31d: {  	v16 =	vld [tilespmem:s30+$0x4000]  }
0x31e: {  	v14 =	vadd.f32 v19, v14  }
0x31f: {  	v17 =	vadd.s32 $0xEABF5, v21;
	v19 =	vld [tilespmem:s30+$0x4080]  }
0x320: {  	vm13 =	vgt.s32 v17, $0xF3FFF;
	v14 =	vadd.f32 v20, v14  }
0x321: {  	v17 =	vld [tilespmem:s30+$0x4100];
	v15 =	vsel vm13, v15, v18  }
0x322: {  	v14 =	vadd.f32 v15, v14;
	v15 =	vmul.f32 v16, v1  }
0x323: {  	v16 =	vld [tilespmem:s30+$0x4180]  }
0x324: {  	v14 =	vadd.f32 v15, v14;
	v15 =	vmul.f32 v19, v2  }
0x325: {  	v18 =	vld [tilespmem:s30+$0x4200]  }
0x326: {  	v14 =	vadd.f32 v15, v14;
	v15 =	vmul.f32 v17, v3  }
0x327: {  	v17 =	vld [tilespmem:s30+$0x4280]  }
0x328: {  	v14 =	vadd.f32 v15, v14;
	v15 =	vmul.f32 v16, v4  }
0x329: {  	v16 =	vld [tilespmem:s30+$0x4300]  }
0x32a: {  	v14 =	vadd.f32 v15, v14;
	v15 =	vmul.f32 v18, v5  }
0x32b: {  	v18 =	vld [tilespmem:s30+$0x4380]  }
0x32c: {  	v14 =	vadd.f32 v15, v14;
	v15 =	vmul.f32 v17, v6  }
0x32d: {  	v17 =	vld [tilespmem:s30+$0x5000]  }
0x32e: {  	v14 =	vadd.f32 v15, v14;
	v15 =	vmul.f32 v16, v7  }
0x32f: {  	v16 =	vld [tilespmem:s30+$0x5080]  }
0x330: {  	v14 =	vadd.f32 v15, v14;
	v15 =	vmul.f32 v18, v8  }
0x331: {  	v18 =	vld [tilespmem:s30+$0x5100]  }
0x332: {  	v14 =	vadd.f32 v15, v14;
	v15 =	vmul.f32 v17, v9  }
0x333: {  	v17 =	vld [tilespmem:s30+$0x5180]  }
0x334: {  	v14 =	vadd.f32 v15, v14;
	v15 =	vmul.f32 v16, v10  }
0x335: {  	v16 =	vld [tilespmem:s30+$0x5200]  }
0x336: {  	v14 =	vadd.f32 v15, v14;
	v15 =	vmul.f32 v18, v11;
	_ =	sdelay $0x1  }
0x337: {  	v14 =	vadd.f32 v15, v14;
	v15 =	vmul.f32 v17, v12;
	_ =	sdelay $0x1  }
0x338: {  	v14 =	vadd.f32 v15, v14;
	v15 =	vmul.f32 v16, v13;
	_ =	sdelay $0x1  }
0x339: {  	v14 =	vadd.f32 v15, v14;
	_ =	sdelay $0x1  }
0x33a: {  	[tilespmem:s30+$0xCD00] =	vst v14  }
0x33b: {  	_ =	swait.ge [sflag:s22], $0x80  }
0x33c: {  	[sflag:s22] =	ssyncset.done $0x0  }
0x33d: {  	[sflag:s22] =	ssyncadd.s32 $0xFFFFFF80  }
0x33e: {  	_ =	swait.ge [sflag:s22], $0x80  }
0x33f: {  	[sflag:s22] =	ssyncset.done $0x0  }
0x340: {  	[sflag:s22] =	ssyncadd.s32 $0xFFFFFF80  }
0x341: {  	_ =	swait.ge [sflag:s22], $0x80  }
0x342: {  	[sflag:s22] =	ssyncset.done $0x0  }
0x343: {  	[sflag:s22] =	ssyncadd.s32 $0xFFFFFF80  }
0x344: {  	_ =	swait.ge [sflag:s22], $0x80  }
0x345: {  	[sflag:s22] =	ssyncset.done $0x0  }
0x346: {  	[sflag:s22] =	ssyncadd.s32 $0xFFFFFF80  }
0x347: {  	_ =	swait.ge [sflag:s22], $0x80  }
0x348: {  	[sflag:s22] =	ssyncset.done $0x0  }
0x349: {  	[sflag:s22] =	ssyncadd.s32 $0xFFFFFF80  }
0x34a: {  	_ =	swait.ge [sflag:s22], $0x80  }
0x34b: {  	[sflag:s22] =	ssyncset.done $0x0  }
0x34c: {  	[sflag:s22] =	ssyncadd.s32 $0xFFFFFF80  }
0x34d: {  	_ =	swait.ge [sflag:s22], $0x80  }
0x34e: {  	[sflag:s22] =	ssyncset.done $0x0  }
0x34f: {  	[sflag:s22] =	ssyncadd.s32 $0xFFFFFF80  }
0x350: {  	_ =	swait.ge [sflag:s22], $0x80  }
0x351: {  	[sflag:s22] =	ssyncset.done $0x0  }
0x352: {  	[sflag:s22] =	ssyncadd.s32 $0xFFFFFF80  }
0x353: {  	_ =	swait.ge [sflag:s22], $0x80  }
0x354: {  	[sflag:s22] =	ssyncset.done $0x0  }
0x355: {  	[sflag:s22] =	ssyncadd.s32 $0xFFFFFF80  }
0x356: {  	_ =	swait.ge [sflag:s22], $0x80  }
0x357: {  	[sflag:s22] =	ssyncset.done $0x0  }
0x358: {  	[sflag:s22] =	ssyncadd.s32 $0xFFFFFF80  }
0x359: {  	_ =	swait.ge [sflag:s22], $0x80  }
0x35a: {  	[sflag:s22] =	ssyncset.done $0x0  }
0x35b: {  	[sflag:s22] =	ssyncadd.s32 $0xFFFFFF80  }
0x35c: {  	_ =	swait.ge [sflag:s22], $0x80  }
0x35d: {  	[sflag:s22] =	ssyncset.done $0x0  }
0x35e: {  	[sflag:s22] =	ssyncadd.s32 $0xFFFFFF80  }
0x35f: {  	_ =	swait.ge [sflag:s22], $0x80  }
0x360: {  	[sflag:s22] =	ssyncset.done $0x0  }
0x361: {  	[sflag:s22] =	ssyncadd.s32 $0xFFFFFF80  }
0x362: {  	_ =	swait.ge [sflag:s22], $0x80  }
0x363: {  	[sflag:s22] =	ssyncset.done $0x0  }
0x364: {  	[sflag:s22] =	ssyncadd.s32 $0xFFFFFF80  }
0x365: {  	_ =	swait.ge [sflag:s22], $0x80  }
0x366: {  	[sflag:s22] =	ssyncset.done $0x0  }
0x367: {  	[sflag:s22] =	ssyncadd.s32 $0xFFFFFF80  }
0x368: {  	_ =	swait.ge [sflag:s22], $0x80  }
0x369: {  	[sflag:s22] =	ssyncset.done $0x0  }
0x36a: {  	[sflag:s22] =	ssyncadd.s32 $0xFFFFFF80  }
0x36b: {  	_ =	swait.ge [sflag:s22], $0x80  }
0x36c: {  	[sflag:s22] =	ssyncset.done $0x0  }
0x36d: {  	[sflag:s22] =	ssyncadd.s32 $0xFFFFFF80  }
0x36e: {  	_ =	swait.ge [sflag:s22], $0x80  }
0x36f: {  	[sflag:s22] =	ssyncset.done $0x0  }
0x370: {  	[sflag:s22] =	ssyncadd.s32 $0xFFFFFF80  }
0x371: {  	_ =	swait.ge [sflag:s22], $0x80  }
0x372: {  	[sflag:s22] =	ssyncset.done $0x0  }
0x373: {  	[sflag:s22] =	ssyncadd.s32 $0xFFFFFF80  }
0x374: {  	_ =	swait.ge [sflag:s22], $0x80  }
0x375: {  	[sflag:s22] =	ssyncset.done $0x0  }
0x376: {  	[sflag:s22] =	ssyncadd.s32 $0xFFFFFF80  }
0x377: {  	_ =	swait.ge [sflag:s22], $0x80  }
0x378: {  	[sflag:s22] =	ssyncset.done $0x0  }
0x379: {  	[sflag:s22] =	ssyncadd.s32 $0xFFFFFF80  }
0x37a: {  	_ =	swait.ge [sflag:s22], $0x80  }
0x37b: {  	[sflag:s22] =	ssyncset.done $0x0  }
0x37c: {  	[sflag:s22] =	ssyncadd.s32 $0xFFFFFF80  }
0x37d: {  	_ =	swait.ge [sflag:s22], $0x80  }
0x37e: {  	[sflag:s22] =	ssyncset.done $0x0  }
0x37f: {  	[sflag:s22] =	ssyncadd.s32 $0xFFFFFF80  }
0x380: {  	_ =	swait.ge [sflag:s22], $0x80  }
0x381: {  	[sflag:s22] =	ssyncset.done $0x0  }
0x382: {  	[sflag:s22] =	ssyncadd.s32 $0xFFFFFF80  }
0x383: {  	_ =	swait.ge [sflag:s22], $0x80  }
0x384: {  	[sflag:s22] =	ssyncset.done $0x0  }
0x385: {  	[sflag:s22] =	ssyncadd.s32 $0xFFFFFF80  }
0x386: {  	_ =	swait.ge [sflag:s22], $0x80  }
0x387: {  	[sflag:s22] =	ssyncset.done $0x0  }
0x388: {  	s29 =	simm.s32 $0x0;
	[sflag:s22] =	ssyncadd.s32 $0xFFFFFF80  }
0x389: {  	v14 =	vld [tilespmem:s29+$0x9480];
	_ =	sdelay $0x1  }
0x38a: {  	v15 =	vld [tilespmem:s29+$0x9680];
	_ =	sdelay $0x1  }
0x38b: {  	v16 =	vld [tilespmem:s29+$0x9880]  }
0x38c: {  	v14 =	vadd.f32 v14, v0  }
0x38d: {  	v17 =	vld [tilespmem:s29+$0x9A80]  }
0x38e: {  	v14 =	vadd.f32 v15, v14  }
0x38f: {  	v15 =	vld [tilespmem:s29+$0x9C80]  }
0x390: {  	v14 =	vadd.f32 v16, v14  }
0x391: {  	v16 =	vld [tilespmem:s29+$0x9E80]  }
0x392: {  	v14 =	vadd.f32 v17, v14  }
0x393: {  	v17 =	vld [tilespmem:s29+$0xA080]  }
0x394: {  	v14 =	vadd.f32 v15, v14  }
0x395: {  	v15 =	vld [tilespmem:s29+$0xA280]  }
0x396: {  	v14 =	vadd.f32 v16, v14  }
0x397: {  	v16 =	vld [tilespmem:s29+$0xA480]  }
0x398: {  	v14 =	vadd.f32 v17, v14  }
0x399: {  	v17 =	vld [tilespmem:s29+$0xA680]  }
0x39a: {  	v14 =	vadd.f32 v15, v14  }
0x39b: {  	v15 =	vld [tilespmem:s29+$0xA880]  }
0x39c: {  	v14 =	vadd.f32 v16, v14  }
0x39d: {  	v16 =	vld [tilespmem:s29+$0xAA80]  }
0x39e: {  	v14 =	vadd.f32 v17, v14  }
0x39f: {  	v17 =	vld [tilespmem:s29+$0xAC80]  }
0x3a0: {  	v14 =	vadd.f32 v15, v14  }
0x3a1: {  	v15 =	vld [tilespmem:s29+$0xAE80]  }
0x3a2: {  	v14 =	vadd.f32 v16, v14  }
0x3a3: {  	v16 =	vld [tilespmem:s29+$0xB080]  }
0x3a4: {  	v14 =	vadd.f32 v17, v14  }
0x3a5: {  	v17 =	vld [tilespmem:s29+$0xB280]  }
0x3a6: {  	v14 =	vadd.f32 v15, v14  }
0x3a7: {  	v15 =	vld [tilespmem:s29+$0xB480]  }
0x3a8: {  	v14 =	vadd.f32 v16, v14  }
0x3a9: {  	v16 =	vld [tilespmem:s29+$0xB680]  }
0x3aa: {  	v14 =	vadd.f32 v17, v14;
	v17 =	vld [tilespmem:s29+$0x3480]  }
0x3ab: {  	v18 =	vld [tilespmem:s29+$0xB880]  }
0x3ac: {  	v19 =	vld [tilespmem:s29+$0xBA80];
	v14 =	vadd.f32 v15, v14  }
0x3ad: {  	s28 =	simm.s32 $0x10;
	v20 =	vld [tilespmem:s29+$0xBC80]  }
0x3ae: {  	v22 =	vld [tilespmem:s28+$0x9480];
	v14 =	vadd.f32 v16, v14  }
0x3af: {  	v23 =	vld [tilespmem:s28+$0x9680];
	v21 =	vadd.s32 $0xFFFF6BF5, v17  }
0x3b0: {  	v60 =	vld [tilespmem:s28+$0x9880];
	v14 =	vadd.f32 v18, v14;
	vm14 =	vgt.s32 v21, $0x0  }
0x3b1: {  	v18 =	vld [tilespmem:s29+$0xBE80];
	v21 =	vnsel vm14, $0x0, v21  }
0x3b2: {  	v61 =	vld [tilespmem:s28+$0x9A80];
	v14 =	vadd.f32 v19, v14;
	v19 =	vmin.u32 v21, $0x3FF  }
0x3b3: {  	v21 =	vld [tilespmem:s29+$0xC080]  }
0x3b4: {  	v15 =	vld [tilespmem:s29+$0xC680];
	v14 =	vadd.f32 v20, v14  }
0x3b5: {  	v22 =	vadd.f32 v22, v0;
	v20 =	vld [tilespmem:s29+$0xC280]  }
0x3b6: {  	v16 =	vld [tilespmem:s29+$0xC480];
	v14 =	vadd.f32 v18, v14  }
0x3b7: {  	v18 =	vld.idx.msk [tilespmem:v19+s17+$0x0], $0xffff;
	v19 =	vadd.f32 v23, v22  }
0x3b8: {  	v22 =	vld [tilespmem:s28+$0x9C80];
	v14 =	vadd.f32 v21, v14  }
0x3b9: {  	v21 =	vld [tilespmem:s29+$0x4400];
	v19 =	vadd.f32 v60, v19  }
0x3ba: {  	v23 =	vld [tilespmem:s28+$0x9E80];
	v14 =	vadd.f32 v20, v14  }
0x3bb: {  	v17 =	vadd.s32 $0xEABF5, v17;
	v20 =	vld [tilespmem:s29+$0x4480];
	v19 =	vadd.f32 v61, v19  }
0x3bc: {  	v62 =	vld [tilespmem:s28+$0xA080];
	vm15 =	vgt.s32 v17, $0xF3FFF;
	v14 =	vadd.f32 v16, v14  }
0x3bd: {  	v15 =	vsel vm15, v18, v15;
	v16 =	vld [tilespmem:s29+$0x4500];
	v17 =	vadd.f32 v22, v19  }
0x3be: {  	v18 =	vld [tilespmem:s28+$0xA280];
	v14 =	vadd.f32 v15, v14;
	v15 =	vmul.f32 v21, v1  }
0x3bf: {  	v19 =	vld [tilespmem:s29+$0x4580];
	v17 =	vadd.f32 v23, v17  }
0x3c0: {  	v21 =	vld [tilespmem:s28+$0xA480];
	v14 =	vadd.f32 v15, v14;
	v15 =	vmul.f32 v20, v2  }
0x3c1: {  	v20 =	vld [tilespmem:s29+$0x4600];
	v17 =	vadd.f32 v62, v17  }
0x3c2: {  	v22 =	vld [tilespmem:s28+$0xA680];
	v14 =	vadd.f32 v15, v14;
	v15 =	vmul.f32 v16, v3  }
0x3c3: {  	v16 =	vld [tilespmem:s29+$0x4680];
	v17 =	vadd.f32 v18, v17  }
0x3c4: {  	v18 =	vld [tilespmem:s28+$0xA880];
	v14 =	vadd.f32 v15, v14;
	v15 =	vmul.f32 v19, v4  }
0x3c5: {  	v19 =	vld [tilespmem:s29+$0x4700];
	v17 =	vadd.f32 v21, v17  }
0x3c6: {  	v21 =	vld [tilespmem:s28+$0xAA80];
	v14 =	vadd.f32 v15, v14;
	v15 =	vmul.f32 v20, v5  }
0x3c7: {  	v20 =	vld [tilespmem:s29+$0x4780];
	v17 =	vadd.f32 v22, v17  }
0x3c8: {  	v22 =	vld [tilespmem:s28+$0xAC80];
	v14 =	vadd.f32 v15, v14;
	v15 =	vmul.f32 v16, v6  }
0x3c9: {  	v16 =	vld [tilespmem:s29+$0x5400];
	v17 =	vadd.f32 v18, v17  }
0x3ca: {  	v18 =	vld [tilespmem:s28+$0xAE80];
	v14 =	vadd.f32 v15, v14;
	v15 =	vmul.f32 v19, v7  }
0x3cb: {  	v19 =	vld [tilespmem:s29+$0x5480];
	v17 =	vadd.f32 v21, v17  }
0x3cc: {  	v21 =	vld [tilespmem:s28+$0xB080];
	v14 =	vadd.f32 v15, v14;
	v15 =	vmul.f32 v20, v8  }
0x3cd: {  	v20 =	vld [tilespmem:s29+$0x5500];
	v17 =	vadd.f32 v22, v17  }
0x3ce: {  	v22 =	vld [tilespmem:s28+$0xB280];
	v14 =	vadd.f32 v15, v14;
	v15 =	vmul.f32 v16, v9  }
0x3cf: {  	v16 =	vld [tilespmem:s29+$0x5580];
	v17 =	vadd.f32 v18, v17  }
0x3d0: {  	v23 =	vld [tilespmem:s28+$0xB480];
	v14 =	vadd.f32 v15, v14;
	v15 =	vmul.f32 v19, v10  }
0x3d1: {  	v19 =	vld [tilespmem:s29+$0x5600];
	v17 =	vadd.f32 v21, v17  }
0x3d2: {  	v21 =	vld [tilespmem:s28+$0xB680];
	v20 =	vmul.f32 v20, v11;
	v14 =	vadd.f32 v15, v14  }
0x3d3: {  	v15 =	vld [tilespmem:s28+$0x3480];
	v17 =	vadd.f32 v22, v17  }
0x3d4: {  	v18 =	vld [tilespmem:s28+$0xB880];
	v16 =	vmul.f32 v16, v12;
	v20 =	vadd.f32 v20, v14  }
0x3d5: {  	v14 =	vld [tilespmem:s28+$0xC680];
	v22 =	vadd.f32 v23, v17  }
0x3d6: {  	v17 =	vld [tilespmem:s28+$0xBA80];
	v63 =	vmul.f32 v19, v13;
	v23 =	vadd.f32 v16, v20  }
0x3d7: {  	v19 =	vld [tilespmem:s28+$0xBC80];
	v20 =	vadd.f32 v21, v22  }
0x3d8: {  	s0 =	simm.s32 $0xC0;
	s30 =	simm.s32 $0x20;
	v16 =	vld [tilespmem:s28+$0xC480];
	v21 =	vadd.s32 $0xFFFF6BF5, v15;
	v22 =	vadd.f32 v63, v23  }
.LBB2_12:
0x3d9: {  	p0 =	sne.s32 s0, $0x1C0;
	v23 =	vld [tilespmem:s30+$0x9480];
	v18 =	vadd.f32 v18, v20;
	vm0 =	vgt.s32 v21, $0x0  }
0x3da: {  	v20 =	vld [tilespmem:s28+$0xBE80];
	v21 =	vnsel vm0, $0x0, v21;
	[tilespmem:s29+$0xCD80] =	vst v22;
	s29 =	smov.u32 s28;
	s28 =	smov.u32 s30  }
0x3db: {  	v22 =	vld [tilespmem:s28+$0x9680];
	v17 =	vadd.f32 v17, v18;
	v18 =	vmin.u32 v21, $0x3FF  }
0x3dc: {  	v21 =	vld [tilespmem:s29+$0xC080]  }
0x3dd: {  	v24 =	vld [tilespmem:s28+$0x9880];
	v17 =	vadd.f32 v19, v17  }
0x3de: {  	v19 =	vadd.f32 v23, v0;
	v23 =	vld [tilespmem:s29+$0xC280]  }
0x3df: {  	v25 =	vld [tilespmem:s28+$0x9A80];
	v17 =	vadd.f32 v20, v17  }
0x3e0: {  	v19 =	vadd.f32 v22, v19;
	v18 =	vld.idx.msk [tilespmem:v18+s17+$0x0], $0xffff  }
0x3e1: {  	v20 =	vld [tilespmem:s28+$0x9C80];
	v17 =	vadd.f32 v21, v17  }
0x3e2: {  	v19 =	vadd.f32 v24, v19;
	v21 =	vld [tilespmem:s29+$0x4400]  }
0x3e3: {  	v22 =	vld [tilespmem:s28+$0x9E80];
	v17 =	vadd.f32 v23, v17  }
0x3e4: {  	v15 =	vadd.s32 $0xEABF5, v15;
	v19 =	vadd.f32 v25, v19;
	v23 =	vld [tilespmem:s29+$0x4480]  }
0x3e5: {  	vm0 =	vgt.s32 v15, $0xF3FFF;
	v24 =	vld [tilespmem:s28+$0xA080];
	v16 =	vadd.f32 v16, v17  }
0x3e6: {  	v14 =	vsel vm0, v18, v14;
	v15 =	vadd.f32 v20, v19;
	v17 =	vld [tilespmem:s29+$0x4500]  }
0x3e7: {  	v18 =	vld [tilespmem:s28+$0xA280];
	v14 =	vadd.f32 v14, v16;
	v16 =	vmul.f32 v21, v1  }
0x3e8: {  	v15 =	vadd.f32 v22, v15;
	v19 =	vld [tilespmem:s29+$0x4580]  }
0x3e9: {  	v20 =	vld [tilespmem:s28+$0xA480];
	v14 =	vadd.f32 v16, v14;
	v16 =	vmul.f32 v23, v2  }
0x3ea: {  	v15 =	vadd.f32 v24, v15;
	v21 =	vld [tilespmem:s29+$0x4600]  }
0x3eb: {  	v22 =	vld [tilespmem:s28+$0xA680];
	v14 =	vadd.f32 v16, v14;
	v16 =	vmul.f32 v17, v3  }
0x3ec: {  	v15 =	vadd.f32 v18, v15;
	v17 =	vld [tilespmem:s29+$0x4680]  }
0x3ed: {  	v18 =	vld [tilespmem:s28+$0xA880];
	v14 =	vadd.f32 v16, v14;
	v16 =	vmul.f32 v19, v4  }
0x3ee: {  	v15 =	vadd.f32 v20, v15;
	v19 =	vld [tilespmem:s29+$0x4700]  }
0x3ef: {  	v20 =	vld [tilespmem:s28+$0xAA80];
	v14 =	vadd.f32 v16, v14;
	v16 =	vmul.f32 v21, v5  }
0x3f0: {  	v15 =	vadd.f32 v22, v15;
	v21 =	vld [tilespmem:s29+$0x4780]  }
0x3f1: {  	v22 =	vld [tilespmem:s28+$0xAC80];
	v14 =	vadd.f32 v16, v14;
	v16 =	vmul.f32 v17, v6  }
0x3f2: {  	v15 =	vadd.f32 v18, v15;
	v17 =	vld [tilespmem:s29+$0x5400]  }
0x3f3: {  	v18 =	vld [tilespmem:s28+$0xAE80];
	v14 =	vadd.f32 v16, v14;
	v16 =	vmul.f32 v19, v7  }
0x3f4: {  	v15 =	vadd.f32 v20, v15;
	v19 =	vld [tilespmem:s29+$0x5480]  }
0x3f5: {  	v20 =	vld [tilespmem:s28+$0xB080];
	v14 =	vadd.f32 v16, v14;
	v16 =	vmul.f32 v21, v8  }
0x3f6: {  	v15 =	vadd.f32 v22, v15;
	v21 =	vld [tilespmem:s29+$0x5500]  }
0x3f7: {  	v22 =	vld [tilespmem:s28+$0xB280];
	v14 =	vadd.f32 v16, v14;
	v16 =	vmul.f32 v17, v9  }
0x3f8: {  	v15 =	vadd.f32 v18, v15;
	v17 =	vld [tilespmem:s29+$0x5580]  }
0x3f9: {  	v23 =	vld [tilespmem:s28+$0xB480];
	v14 =	vadd.f32 v16, v14;
	v16 =	vmul.f32 v19, v10  }
0x3fa: {  	v15 =	vadd.f32 v20, v15;
	v19 =	vld [tilespmem:s29+$0x5600]  }
0x3fb: {  	v20 =	vld [tilespmem:s28+$0xB680];
	v14 =	vadd.f32 v16, v14;
	v16 =	vmul.f32 v21, v11  }
0x3fc: {  	v21 =	vadd.f32 v22, v15;
	v15 =	vld [tilespmem:s28+$0x3480]  }
.Ltmp5:
0x3fd: {  	v18 =	vld [tilespmem:s28+$0xB880];
	v16 =	vadd.f32 v16, v14;
	v22 =	vmul.f32 v17, v12;
	(pc) =	sbr.rel @p0 .LBB2_12-.Ltmp5, $4  }
0x3fe: {  	v21 =	vadd.f32 v23, v21;
	v14 =	vld [tilespmem:s28+$0xC680]  }
0x3ff: {  	v17 =	vld [tilespmem:s28+$0xBA80];
	v22 =	vadd.f32 v22, v16;
	v23 =	vmul.f32 v19, v13  }
0x400: {  	v20 =	vadd.f32 v20, v21;
	v16 =	vld [tilespmem:s28+$0xC480]  }
0x401: {  	s30 =	sshra.s32 s0, $0x2;
	s0 =	sadd.s32 $0x40, s0;
	v19 =	vld [tilespmem:s28+$0xBC80];
	v21 =	vadd.s32 $0xFFFF6BF5, v15;
	v22 =	vadd.f32 v23, v22  }
0x402: {  	v23 =	vld [tilespmem:s30+$0x9480];
	vm0 =	vgt.s32 v21, $0x0  }
0x403: {  	v24 =	vld [tilespmem:s28+$0xBE80];
	v18 =	vadd.f32 v18, v20;
	v20 =	vnsel vm0, $0x0, v21;
	[tilespmem:s29+$0xCD80] =	vst v22  }
0x404: {  	v21 =	vld [tilespmem:s30+$0x9680];
	v20 =	vmin.u32 v20, $0x3FF  }
0x405: {  	v17 =	vadd.f32 v17, v18;
	v18 =	vld [tilespmem:s28+$0xC080]  }
0x406: {  	v22 =	vld [tilespmem:s30+$0x9880]  }
0x407: {  	v25 =	vld [tilespmem:s30+$0x9A80];
	v17 =	vadd.f32 v19, v17;
	v19 =	vadd.f32 v23, v0  }
0x408: {  	v23 =	vld [tilespmem:s28+$0xC280]  }
0x409: {  	v17 =	vadd.f32 v24, v17;
	v19 =	vadd.f32 v21, v19;
	v20 =	vld.idx.msk [tilespmem:v20+s17+$0x0], $0xffff  }
0x40a: {  	v21 =	vld [tilespmem:s30+$0x9C80]  }
0x40b: {  	v17 =	vadd.f32 v18, v17;
	v18 =	vadd.f32 v22, v19;
	v19 =	vld [tilespmem:s28+$0x4400]  }
0x40c: {  	v22 =	vld [tilespmem:s30+$0x9E80]  }
0x40d: {  	v59 =	vld [tilespmem:s30+$0xA080];
	v17 =	vadd.f32 v23, v17;
	v18 =	vadd.f32 v25, v18  }
0x40e: {  	v15 =	vadd.s32 $0xEABF5, v15;
	v23 =	vld [tilespmem:s28+$0x4480]  }
0x40f: {  	vm11 =	vgt.s32 v15, $0xF3FFF;
	v16 =	vadd.f32 v16, v17;
	v17 =	vld [tilespmem:s28+$0x4500];
	v15 =	vadd.f32 v21, v18  }
0x410: {  	v14 =	vsel vm11, v20, v14;
	v18 =	vld [tilespmem:s30+$0xA280]  }
0x411: {  	v20 =	vld [tilespmem:s30+$0xA480];
	v14 =	vadd.f32 v14, v16;
	v16 =	vmul.f32 v19, v1;
	v15 =	vadd.f32 v22, v15  }
0x412: {  	v19 =	vld [tilespmem:s28+$0x4580]  }
0x413: {  	v21 =	vld [tilespmem:s28+$0x4600];
	v14 =	vadd.f32 v16, v14;
	v16 =	vmul.f32 v23, v2;
	v15 =	vadd.f32 v59, v15  }
0x414: {  	v22 =	vld [tilespmem:s30+$0xA680]  }
0x415: {  	v14 =	vadd.f32 v16, v14;
	v16 =	vmul.f32 v17, v3;
	v17 =	vld [tilespmem:s28+$0x4680];
	v15 =	vadd.f32 v18, v15  }
0x416: {  	v18 =	vld [tilespmem:s30+$0xA880]  }
0x417: {  	v14 =	vadd.f32 v16, v14;
	v16 =	vmul.f32 v19, v4;
	v19 =	vld [tilespmem:s28+$0x4700];
	v15 =	vadd.f32 v20, v15  }
0x418: {  	v20 =	vld [tilespmem:s30+$0xAA80]  }
0x419: {  	v14 =	vadd.f32 v16, v14;
	v16 =	vmul.f32 v21, v5;
	v21 =	vld [tilespmem:s28+$0x4780];
	v15 =	vadd.f32 v22, v15  }
0x41a: {  	v22 =	vld [tilespmem:s30+$0xAC80]  }
0x41b: {  	v14 =	vadd.f32 v16, v14;
	v16 =	vmul.f32 v17, v6;
	v17 =	vld [tilespmem:s28+$0x5400];
	v15 =	vadd.f32 v18, v15  }
0x41c: {  	v18 =	vld [tilespmem:s30+$0xAE80]  }
0x41d: {  	v14 =	vadd.f32 v16, v14;
	v16 =	vmul.f32 v19, v7;
	v19 =	vld [tilespmem:s28+$0x5480];
	v15 =	vadd.f32 v20, v15  }
0x41e: {  	v20 =	vld [tilespmem:s30+$0xB080]  }
0x41f: {  	v14 =	vadd.f32 v16, v14;
	v16 =	vmul.f32 v21, v8;
	v21 =	vld [tilespmem:s28+$0x5500];
	v15 =	vadd.f32 v22, v15  }
0x420: {  	v22 =	vld [tilespmem:s30+$0xB280]  }
0x421: {  	v14 =	vadd.f32 v16, v14;
	v16 =	vmul.f32 v17, v9;
	v17 =	vld [tilespmem:s28+$0x5580];
	v15 =	vadd.f32 v18, v15  }
0x422: {  	v18 =	vld [tilespmem:s30+$0xB480]  }
0x423: {  	v14 =	vadd.f32 v16, v14;
	v16 =	vmul.f32 v19, v10;
	v19 =	vld [tilespmem:s28+$0x5600];
	v15 =	vadd.f32 v20, v15  }
0x424: {  	v20 =	vld [tilespmem:s30+$0xB680]  }
0x425: {  	v14 =	vadd.f32 v16, v14;
	v16 =	vmul.f32 v21, v11;
	v21 =	vld [tilespmem:s30+$0x3480];
	v15 =	vadd.f32 v22, v15  }
0x426: {  	v22 =	vld [tilespmem:s30+$0xB880]  }
0x427: {  	v14 =	vadd.f32 v16, v14;
	v16 =	vmul.f32 v17, v12;
	v15 =	vadd.f32 v18, v15  }
0x428: {  	v17 =	vld [tilespmem:s30+$0xBA80]  }
0x429: {  	v14 =	vadd.f32 v16, v14;
	v16 =	vmul.f32 v19, v13;
	v15 =	vadd.f32 v20, v15  }
0x42a: {  	v19 =	vld [tilespmem:s30+$0xBC80]  }
0x42b: {  	v18 =	vld [tilespmem:s30+$0xC680];
	v23 =	vadd.s32 $0xFFFF6BF5, v21;
	v14 =	vadd.f32 v16, v14;
	v15 =	vadd.f32 v22, v15  }
0x42c: {  	vm12 =	vgt.s32 v23, $0x0;
	v16 =	vld [tilespmem:s30+$0xBE80]  }
0x42d: {  	v20 =	vld [tilespmem:s30+$0xC480];
	v22 =	vnsel vm12, $0x0, v23;
	[tilespmem:s28+$0xCD80] =	vst v14;
	v14 =	vadd.f32 v17, v15  }
0x42e: {  	v15 =	vmin.u32 v22, $0x3FF;
	v17 =	vld [tilespmem:s30+$0xC080]  }
0x42f: {  	v14 =	vadd.f32 v19, v14  }
0x430: {  	v19 =	vld [tilespmem:s30+$0xC280]  }
0x431: {  	v14 =	vadd.f32 v16, v14;
	_ =	sdelay $0x1  }
0x432: {  	v15 =	vld.idx.msk [tilespmem:v15+s17+$0x0], $0xffff;
	v14 =	vadd.f32 v17, v14  }
0x433: {  	v16 =	vld [tilespmem:s30+$0x4400]  }
0x434: {  	v14 =	vadd.f32 v19, v14  }
0x435: {  	v17 =	vadd.s32 $0xEABF5, v21;
	v19 =	vld [tilespmem:s30+$0x4480]  }
0x436: {  	vm13 =	vgt.s32 v17, $0xF3FFF;
	v14 =	vadd.f32 v20, v14  }
0x437: {  	v17 =	vld [tilespmem:s30+$0x4500];
	v15 =	vsel vm13, v15, v18  }
0x438: {  	v14 =	vadd.f32 v15, v14;
	v15 =	vmul.f32 v16, v1  }
0x439: {  	v16 =	vld [tilespmem:s30+$0x4580]  }
0x43a: {  	v14 =	vadd.f32 v15, v14;
	v15 =	vmul.f32 v19, v2  }
0x43b: {  	v18 =	vld [tilespmem:s30+$0x4600]  }
0x43c: {  	v14 =	vadd.f32 v15, v14;
	v15 =	vmul.f32 v17, v3  }
0x43d: {  	v17 =	vld [tilespmem:s30+$0x4680]  }
0x43e: {  	v14 =	vadd.f32 v15, v14;
	v15 =	vmul.f32 v16, v4  }
0x43f: {  	v16 =	vld [tilespmem:s30+$0x4700]  }
0x440: {  	v14 =	vadd.f32 v15, v14;
	v15 =	vmul.f32 v18, v5  }
0x441: {  	v18 =	vld [tilespmem:s30+$0x4780]  }
0x442: {  	v14 =	vadd.f32 v15, v14;
	v15 =	vmul.f32 v17, v6  }
0x443: {  	v17 =	vld [tilespmem:s30+$0x5400]  }
0x444: {  	v14 =	vadd.f32 v15, v14;
	v15 =	vmul.f32 v16, v7  }
0x445: {  	v16 =	vld [tilespmem:s30+$0x5480]  }
0x446: {  	v14 =	vadd.f32 v15, v14;
	v15 =	vmul.f32 v18, v8  }
0x447: {  	v18 =	vld [tilespmem:s30+$0x5500]  }
0x448: {  	v14 =	vadd.f32 v15, v14;
	v15 =	vmul.f32 v17, v9  }
0x449: {  	v17 =	vld [tilespmem:s30+$0x5580]  }
0x44a: {  	v14 =	vadd.f32 v15, v14;
	v15 =	vmul.f32 v16, v10  }
0x44b: {  	v16 =	vld [tilespmem:s30+$0x5600]  }
0x44c: {  	v14 =	vadd.f32 v15, v14;
	v15 =	vmul.f32 v18, v11;
	_ =	sdelay $0x1  }
0x44d: {  	v14 =	vadd.f32 v15, v14;
	v15 =	vmul.f32 v17, v12;
	_ =	sdelay $0x1  }
0x44e: {  	v14 =	vadd.f32 v15, v14;
	v15 =	vmul.f32 v16, v13;
	_ =	sdelay $0x1  }
0x44f: {  	v14 =	vadd.f32 v15, v14;
	_ =	sdelay $0x1  }
0x450: {  	[tilespmem:s30+$0xCD80] =	vst v14  }
0x451: {  	_ =	swait.ge [sflag:s23], $0x80  }
0x452: {  	[sflag:s23] =	ssyncset.done $0x0  }
0x453: {  	[sflag:s23] =	ssyncadd.s32 $0xFFFFFF80  }
0x454: {  	_ =	swait.ge [sflag:s23], $0x80  }
0x455: {  	[sflag:s23] =	ssyncset.done $0x0  }
0x456: {  	[sflag:s23] =	ssyncadd.s32 $0xFFFFFF80  }
0x457: {  	_ =	swait.ge [sflag:s23], $0x80  }
0x458: {  	[sflag:s23] =	ssyncset.done $0x0  }
0x459: {  	[sflag:s23] =	ssyncadd.s32 $0xFFFFFF80  }
0x45a: {  	_ =	swait.ge [sflag:s23], $0x80  }
0x45b: {  	[sflag:s23] =	ssyncset.done $0x0  }
0x45c: {  	[sflag:s23] =	ssyncadd.s32 $0xFFFFFF80  }
0x45d: {  	_ =	swait.ge [sflag:s23], $0x80  }
0x45e: {  	[sflag:s23] =	ssyncset.done $0x0  }
0x45f: {  	[sflag:s23] =	ssyncadd.s32 $0xFFFFFF80  }
0x460: {  	_ =	swait.ge [sflag:s23], $0x80  }
0x461: {  	[sflag:s23] =	ssyncset.done $0x0  }
0x462: {  	[sflag:s23] =	ssyncadd.s32 $0xFFFFFF80  }
0x463: {  	_ =	swait.ge [sflag:s23], $0x80  }
0x464: {  	[sflag:s23] =	ssyncset.done $0x0  }
0x465: {  	[sflag:s23] =	ssyncadd.s32 $0xFFFFFF80  }
0x466: {  	_ =	swait.ge [sflag:s23], $0x80  }
0x467: {  	[sflag:s23] =	ssyncset.done $0x0  }
0x468: {  	[sflag:s23] =	ssyncadd.s32 $0xFFFFFF80  }
0x469: {  	_ =	swait.ge [sflag:s23], $0x80  }
0x46a: {  	[sflag:s23] =	ssyncset.done $0x0  }
0x46b: {  	[sflag:s23] =	ssyncadd.s32 $0xFFFFFF80  }
0x46c: {  	_ =	swait.ge [sflag:s23], $0x80  }
0x46d: {  	[sflag:s23] =	ssyncset.done $0x0  }
0x46e: {  	[sflag:s23] =	ssyncadd.s32 $0xFFFFFF80  }
0x46f: {  	_ =	swait.ge [sflag:s23], $0x80  }
0x470: {  	[sflag:s23] =	ssyncset.done $0x0  }
0x471: {  	[sflag:s23] =	ssyncadd.s32 $0xFFFFFF80  }
0x472: {  	_ =	swait.ge [sflag:s23], $0x80  }
0x473: {  	[sflag:s23] =	ssyncset.done $0x0  }
0x474: {  	[sflag:s23] =	ssyncadd.s32 $0xFFFFFF80  }
0x475: {  	_ =	swait.ge [sflag:s23], $0x80  }
0x476: {  	[sflag:s23] =	ssyncset.done $0x0  }
0x477: {  	[sflag:s23] =	ssyncadd.s32 $0xFFFFFF80  }
0x478: {  	_ =	swait.ge [sflag:s23], $0x80  }
0x479: {  	[sflag:s23] =	ssyncset.done $0x0  }
0x47a: {  	[sflag:s23] =	ssyncadd.s32 $0xFFFFFF80  }
0x47b: {  	_ =	swait.ge [sflag:s23], $0x80  }
0x47c: {  	[sflag:s23] =	ssyncset.done $0x0  }
0x47d: {  	[sflag:s23] =	ssyncadd.s32 $0xFFFFFF80  }
0x47e: {  	_ =	swait.ge [sflag:s23], $0x80  }
0x47f: {  	[sflag:s23] =	ssyncset.done $0x0  }
0x480: {  	[sflag:s23] =	ssyncadd.s32 $0xFFFFFF80  }
0x481: {  	_ =	swait.ge [sflag:s23], $0x80  }
0x482: {  	[sflag:s23] =	ssyncset.done $0x0  }
0x483: {  	[sflag:s23] =	ssyncadd.s32 $0xFFFFFF80  }
0x484: {  	_ =	swait.ge [sflag:s23], $0x80  }
0x485: {  	[sflag:s23] =	ssyncset.done $0x0  }
0x486: {  	[sflag:s23] =	ssyncadd.s32 $0xFFFFFF80  }
0x487: {  	_ =	swait.ge [sflag:s23], $0x80  }
0x488: {  	[sflag:s23] =	ssyncset.done $0x0  }
0x489: {  	[sflag:s23] =	ssyncadd.s32 $0xFFFFFF80  }
0x48a: {  	_ =	swait.ge [sflag:s23], $0x80  }
0x48b: {  	[sflag:s23] =	ssyncset.done $0x0  }
0x48c: {  	[sflag:s23] =	ssyncadd.s32 $0xFFFFFF80  }
0x48d: {  	_ =	swait.ge [sflag:s23], $0x80  }
0x48e: {  	[sflag:s23] =	ssyncset.done $0x0  }
0x48f: {  	[sflag:s23] =	ssyncadd.s32 $0xFFFFFF80  }
0x490: {  	_ =	swait.ge [sflag:s23], $0x80  }
0x491: {  	[sflag:s23] =	ssyncset.done $0x0  }
0x492: {  	[sflag:s23] =	ssyncadd.s32 $0xFFFFFF80  }
0x493: {  	_ =	swait.ge [sflag:s23], $0x80  }
0x494: {  	[sflag:s23] =	ssyncset.done $0x0  }
0x495: {  	[sflag:s23] =	ssyncadd.s32 $0xFFFFFF80  }
0x496: {  	_ =	swait.ge [sflag:s23], $0x80  }
0x497: {  	[sflag:s23] =	ssyncset.done $0x0  }
0x498: {  	[sflag:s23] =	ssyncadd.s32 $0xFFFFFF80  }
0x499: {  	_ =	swait.ge [sflag:s23], $0x80  }
0x49a: {  	[sflag:s23] =	ssyncset.done $0x0  }
0x49b: {  	[sflag:s23] =	ssyncadd.s32 $0xFFFFFF80  }
0x49c: {  	_ =	swait.ge [sflag:s23], $0x80  }
0x49d: {  	[sflag:s23] =	ssyncset.done $0x0  }
0x49e: {  	s29 =	simm.s32 $0x0;
	[sflag:s23] =	ssyncadd.s32 $0xFFFFFF80  }
0x49f: {  	v14 =	vld [tilespmem:s29+$0x9500];
	_ =	sdelay $0x1  }
0x4a0: {  	v15 =	vld [tilespmem:s29+$0x9700];
	_ =	sdelay $0x1  }
0x4a1: {  	v16 =	vld [tilespmem:s29+$0x9900]  }
0x4a2: {  	v14 =	vadd.f32 v14, v0  }
0x4a3: {  	v17 =	vld [tilespmem:s29+$0x9B00]  }
0x4a4: {  	v14 =	vadd.f32 v15, v14  }
0x4a5: {  	v15 =	vld [tilespmem:s29+$0x9D00]  }
0x4a6: {  	v14 =	vadd.f32 v16, v14  }
0x4a7: {  	v16 =	vld [tilespmem:s29+$0x9F00]  }
0x4a8: {  	v14 =	vadd.f32 v17, v14  }
0x4a9: {  	v17 =	vld [tilespmem:s29+$0xA100]  }
0x4aa: {  	v14 =	vadd.f32 v15, v14  }
0x4ab: {  	v15 =	vld [tilespmem:s29+$0xA300]  }
0x4ac: {  	v14 =	vadd.f32 v16, v14  }
0x4ad: {  	v16 =	vld [tilespmem:s29+$0xA500]  }
0x4ae: {  	v14 =	vadd.f32 v17, v14  }
0x4af: {  	v17 =	vld [tilespmem:s29+$0xA700]  }
0x4b0: {  	v14 =	vadd.f32 v15, v14  }
0x4b1: {  	v15 =	vld [tilespmem:s29+$0xA900]  }
0x4b2: {  	v14 =	vadd.f32 v16, v14  }
0x4b3: {  	v16 =	vld [tilespmem:s29+$0xAB00]  }
0x4b4: {  	v14 =	vadd.f32 v17, v14  }
0x4b5: {  	v17 =	vld [tilespmem:s29+$0xAD00]  }
0x4b6: {  	v14 =	vadd.f32 v15, v14  }
0x4b7: {  	v15 =	vld [tilespmem:s29+$0xAF00]  }
0x4b8: {  	v14 =	vadd.f32 v16, v14  }
0x4b9: {  	v16 =	vld [tilespmem:s29+$0xB100]  }
0x4ba: {  	v14 =	vadd.f32 v17, v14  }
0x4bb: {  	v17 =	vld [tilespmem:s29+$0xB300]  }
0x4bc: {  	v14 =	vadd.f32 v15, v14  }
0x4bd: {  	v15 =	vld [tilespmem:s29+$0xB500]  }
0x4be: {  	v14 =	vadd.f32 v16, v14  }
0x4bf: {  	v16 =	vld [tilespmem:s29+$0xB700]  }
0x4c0: {  	v14 =	vadd.f32 v17, v14;
	v17 =	vld [tilespmem:s29+$0x3880]  }
0x4c1: {  	v18 =	vld [tilespmem:s29+$0xB900]  }
0x4c2: {  	v19 =	vld [tilespmem:s29+$0xBB00];
	v14 =	vadd.f32 v15, v14  }
0x4c3: {  	s28 =	simm.s32 $0x10;
	v20 =	vld [tilespmem:s29+$0xBD00]  }
0x4c4: {  	v22 =	vld [tilespmem:s28+$0x9500];
	v14 =	vadd.f32 v16, v14  }
0x4c5: {  	v23 =	vld [tilespmem:s28+$0x9700];
	v21 =	vadd.s32 $0xFFFF6BF5, v17  }
0x4c6: {  	v60 =	vld [tilespmem:s28+$0x9900];
	v14 =	vadd.f32 v18, v14;
	vm14 =	vgt.s32 v21, $0x0  }
0x4c7: {  	v18 =	vld [tilespmem:s29+$0xBF00];
	v21 =	vnsel vm14, $0x0, v21  }
0x4c8: {  	v61 =	vld [tilespmem:s28+$0x9B00];
	v14 =	vadd.f32 v19, v14;
	v19 =	vmin.u32 v21, $0x3FF  }
0x4c9: {  	v21 =	vld [tilespmem:s29+$0xC100]  }
0x4ca: {  	v15 =	vld [tilespmem:s29+$0xC700];
	v14 =	vadd.f32 v20, v14  }
0x4cb: {  	v22 =	vadd.f32 v22, v0;
	v20 =	vld [tilespmem:s29+$0xC300]  }
0x4cc: {  	v16 =	vld [tilespmem:s29+$0xC500];
	v14 =	vadd.f32 v18, v14  }
0x4cd: {  	v18 =	vld.idx.msk [tilespmem:v19+s17+$0x0], $0xffff;
	v19 =	vadd.f32 v23, v22  }
0x4ce: {  	v22 =	vld [tilespmem:s28+$0x9D00];
	v14 =	vadd.f32 v21, v14  }
0x4cf: {  	v21 =	vld [tilespmem:s29+$0x4800];
	v19 =	vadd.f32 v60, v19  }
0x4d0: {  	v23 =	vld [tilespmem:s28+$0x9F00];
	v14 =	vadd.f32 v20, v14  }
0x4d1: {  	v17 =	vadd.s32 $0xEABF5, v17;
	v20 =	vld [tilespmem:s29+$0x4880];
	v19 =	vadd.f32 v61, v19  }
0x4d2: {  	v62 =	vld [tilespmem:s28+$0xA100];
	vm15 =	vgt.s32 v17, $0xF3FFF;
	v14 =	vadd.f32 v16, v14  }
0x4d3: {  	v15 =	vsel vm15, v18, v15;
	v16 =	vld [tilespmem:s29+$0x4900];
	v17 =	vadd.f32 v22, v19  }
0x4d4: {  	v18 =	vld [tilespmem:s28+$0xA300];
	v14 =	vadd.f32 v15, v14;
	v15 =	vmul.f32 v21, v1  }
0x4d5: {  	v19 =	vld [tilespmem:s29+$0x4980];
	v17 =	vadd.f32 v23, v17  }
0x4d6: {  	v21 =	vld [tilespmem:s28+$0xA500];
	v14 =	vadd.f32 v15, v14;
	v15 =	vmul.f32 v20, v2  }
0x4d7: {  	v20 =	vld [tilespmem:s29+$0x4A00];
	v17 =	vadd.f32 v62, v17  }
0x4d8: {  	v22 =	vld [tilespmem:s28+$0xA700];
	v14 =	vadd.f32 v15, v14;
	v15 =	vmul.f32 v16, v3  }
0x4d9: {  	v16 =	vld [tilespmem:s29+$0x4A80];
	v17 =	vadd.f32 v18, v17  }
0x4da: {  	v18 =	vld [tilespmem:s28+$0xA900];
	v14 =	vadd.f32 v15, v14;
	v15 =	vmul.f32 v19, v4  }
0x4db: {  	v19 =	vld [tilespmem:s29+$0x4B00];
	v17 =	vadd.f32 v21, v17  }
0x4dc: {  	v21 =	vld [tilespmem:s28+$0xAB00];
	v14 =	vadd.f32 v15, v14;
	v15 =	vmul.f32 v20, v5  }
0x4dd: {  	v20 =	vld [tilespmem:s29+$0x4B80];
	v17 =	vadd.f32 v22, v17  }
0x4de: {  	v22 =	vld [tilespmem:s28+$0xAD00];
	v14 =	vadd.f32 v15, v14;
	v15 =	vmul.f32 v16, v6  }
0x4df: {  	v16 =	vld [tilespmem:s29+$0x5800];
	v17 =	vadd.f32 v18, v17  }
0x4e0: {  	v18 =	vld [tilespmem:s28+$0xAF00];
	v14 =	vadd.f32 v15, v14;
	v15 =	vmul.f32 v19, v7  }
0x4e1: {  	v19 =	vld [tilespmem:s29+$0x5880];
	v17 =	vadd.f32 v21, v17  }
0x4e2: {  	v21 =	vld [tilespmem:s28+$0xB100];
	v14 =	vadd.f32 v15, v14;
	v15 =	vmul.f32 v20, v8  }
0x4e3: {  	v20 =	vld [tilespmem:s29+$0x5900];
	v17 =	vadd.f32 v22, v17  }
0x4e4: {  	v22 =	vld [tilespmem:s28+$0xB300];
	v14 =	vadd.f32 v15, v14;
	v15 =	vmul.f32 v16, v9  }
0x4e5: {  	v16 =	vld [tilespmem:s29+$0x5980];
	v17 =	vadd.f32 v18, v17  }
0x4e6: {  	v23 =	vld [tilespmem:s28+$0xB500];
	v14 =	vadd.f32 v15, v14;
	v15 =	vmul.f32 v19, v10  }
0x4e7: {  	v19 =	vld [tilespmem:s29+$0x5A00];
	v17 =	vadd.f32 v21, v17  }
0x4e8: {  	v21 =	vld [tilespmem:s28+$0xB700];
	v20 =	vmul.f32 v20, v11;
	v14 =	vadd.f32 v15, v14  }
0x4e9: {  	v15 =	vld [tilespmem:s28+$0x3880];
	v17 =	vadd.f32 v22, v17  }
0x4ea: {  	v18 =	vld [tilespmem:s28+$0xB900];
	v16 =	vmul.f32 v16, v12;
	v20 =	vadd.f32 v20, v14  }
0x4eb: {  	v14 =	vld [tilespmem:s28+$0xC700];
	v22 =	vadd.f32 v23, v17  }
0x4ec: {  	v17 =	vld [tilespmem:s28+$0xBB00];
	v63 =	vmul.f32 v19, v13;
	v23 =	vadd.f32 v16, v20  }
0x4ed: {  	v19 =	vld [tilespmem:s28+$0xBD00];
	v20 =	vadd.f32 v21, v22  }
0x4ee: {  	s0 =	simm.s32 $0xC0;
	s30 =	simm.s32 $0x20;
	v16 =	vld [tilespmem:s28+$0xC500];
	v21 =	vadd.s32 $0xFFFF6BF5, v15;
	v22 =	vadd.f32 v63, v23  }
.LBB2_14:
0x4ef: {  	p0 =	sne.s32 s0, $0x1C0;
	v23 =	vld [tilespmem:s30+$0x9500];
	v18 =	vadd.f32 v18, v20;
	vm0 =	vgt.s32 v21, $0x0  }
0x4f0: {  	v20 =	vld [tilespmem:s28+$0xBF00];
	v21 =	vnsel vm0, $0x0, v21;
	[tilespmem:s29+$0xCE00] =	vst v22;
	s29 =	smov.u32 s28;
	s28 =	smov.u32 s30  }
0x4f1: {  	v22 =	vld [tilespmem:s28+$0x9700];
	v17 =	vadd.f32 v17, v18;
	v18 =	vmin.u32 v21, $0x3FF  }
0x4f2: {  	v21 =	vld [tilespmem:s29+$0xC100]  }
0x4f3: {  	v24 =	vld [tilespmem:s28+$0x9900];
	v17 =	vadd.f32 v19, v17  }
0x4f4: {  	v19 =	vadd.f32 v23, v0;
	v23 =	vld [tilespmem:s29+$0xC300]  }
0x4f5: {  	v25 =	vld [tilespmem:s28+$0x9B00];
	v17 =	vadd.f32 v20, v17  }
0x4f6: {  	v19 =	vadd.f32 v22, v19;
	v18 =	vld.idx.msk [tilespmem:v18+s17+$0x0], $0xffff  }
0x4f7: {  	v20 =	vld [tilespmem:s28+$0x9D00];
	v17 =	vadd.f32 v21, v17  }
0x4f8: {  	v19 =	vadd.f32 v24, v19;
	v21 =	vld [tilespmem:s29+$0x4800]  }
0x4f9: {  	v22 =	vld [tilespmem:s28+$0x9F00];
	v17 =	vadd.f32 v23, v17  }
0x4fa: {  	v15 =	vadd.s32 $0xEABF5, v15;
	v19 =	vadd.f32 v25, v19;
	v23 =	vld [tilespmem:s29+$0x4880]  }
0x4fb: {  	vm0 =	vgt.s32 v15, $0xF3FFF;
	v24 =	vld [tilespmem:s28+$0xA100];
	v16 =	vadd.f32 v16, v17  }
0x4fc: {  	v14 =	vsel vm0, v18, v14;
	v15 =	vadd.f32 v20, v19;
	v17 =	vld [tilespmem:s29+$0x4900]  }
0x4fd: {  	v18 =	vld [tilespmem:s28+$0xA300];
	v14 =	vadd.f32 v14, v16;
	v16 =	vmul.f32 v21, v1  }
0x4fe: {  	v15 =	vadd.f32 v22, v15;
	v19 =	vld [tilespmem:s29+$0x4980]  }
0x4ff: {  	v20 =	vld [tilespmem:s28+$0xA500];
	v14 =	vadd.f32 v16, v14;
	v16 =	vmul.f32 v23, v2  }
0x500: {  	v15 =	vadd.f32 v24, v15;
	v21 =	vld [tilespmem:s29+$0x4A00]  }
0x501: {  	v22 =	vld [tilespmem:s28+$0xA700];
	v14 =	vadd.f32 v16, v14;
	v16 =	vmul.f32 v17, v3  }
0x502: {  	v15 =	vadd.f32 v18, v15;
	v17 =	vld [tilespmem:s29+$0x4A80]  }
0x503: {  	v18 =	vld [tilespmem:s28+$0xA900];
	v14 =	vadd.f32 v16, v14;
	v16 =	vmul.f32 v19, v4  }
0x504: {  	v15 =	vadd.f32 v20, v15;
	v19 =	vld [tilespmem:s29+$0x4B00]  }
0x505: {  	v20 =	vld [tilespmem:s28+$0xAB00];
	v14 =	vadd.f32 v16, v14;
	v16 =	vmul.f32 v21, v5  }
0x506: {  	v15 =	vadd.f32 v22, v15;
	v21 =	vld [tilespmem:s29+$0x4B80]  }
0x507: {  	v22 =	vld [tilespmem:s28+$0xAD00];
	v14 =	vadd.f32 v16, v14;
	v16 =	vmul.f32 v17, v6  }
0x508: {  	v15 =	vadd.f32 v18, v15;
	v17 =	vld [tilespmem:s29+$0x5800]  }
0x509: {  	v18 =	vld [tilespmem:s28+$0xAF00];
	v14 =	vadd.f32 v16, v14;
	v16 =	vmul.f32 v19, v7  }
0x50a: {  	v15 =	vadd.f32 v20, v15;
	v19 =	vld [tilespmem:s29+$0x5880]  }
0x50b: {  	v20 =	vld [tilespmem:s28+$0xB100];
	v14 =	vadd.f32 v16, v14;
	v16 =	vmul.f32 v21, v8  }
0x50c: {  	v15 =	vadd.f32 v22, v15;
	v21 =	vld [tilespmem:s29+$0x5900]  }
0x50d: {  	v22 =	vld [tilespmem:s28+$0xB300];
	v14 =	vadd.f32 v16, v14;
	v16 =	vmul.f32 v17, v9  }
0x50e: {  	v15 =	vadd.f32 v18, v15;
	v17 =	vld [tilespmem:s29+$0x5980]  }
0x50f: {  	v23 =	vld [tilespmem:s28+$0xB500];
	v14 =	vadd.f32 v16, v14;
	v16 =	vmul.f32 v19, v10  }
0x510: {  	v15 =	vadd.f32 v20, v15;
	v19 =	vld [tilespmem:s29+$0x5A00]  }
0x511: {  	v20 =	vld [tilespmem:s28+$0xB700];
	v14 =	vadd.f32 v16, v14;
	v16 =	vmul.f32 v21, v11  }
0x512: {  	v21 =	vadd.f32 v22, v15;
	v15 =	vld [tilespmem:s28+$0x3880]  }
.Ltmp6:
0x513: {  	v18 =	vld [tilespmem:s28+$0xB900];
	v16 =	vadd.f32 v16, v14;
	v22 =	vmul.f32 v17, v12;
	(pc) =	sbr.rel @p0 .LBB2_14-.Ltmp6, $4  }
0x514: {  	v21 =	vadd.f32 v23, v21;
	v14 =	vld [tilespmem:s28+$0xC700]  }
0x515: {  	v17 =	vld [tilespmem:s28+$0xBB00];
	v22 =	vadd.f32 v22, v16;
	v23 =	vmul.f32 v19, v13  }
0x516: {  	v20 =	vadd.f32 v20, v21;
	v16 =	vld [tilespmem:s28+$0xC500]  }
0x517: {  	s30 =	sshra.s32 s0, $0x2;
	s0 =	sadd.s32 $0x40, s0;
	v19 =	vld [tilespmem:s28+$0xBD00];
	v21 =	vadd.s32 $0xFFFF6BF5, v15;
	v22 =	vadd.f32 v23, v22  }
0x518: {  	v23 =	vld [tilespmem:s30+$0x9500];
	vm0 =	vgt.s32 v21, $0x0  }
0x519: {  	v24 =	vld [tilespmem:s28+$0xBF00];
	v18 =	vadd.f32 v18, v20;
	v20 =	vnsel vm0, $0x0, v21;
	[tilespmem:s29+$0xCE00] =	vst v22  }
0x51a: {  	v21 =	vld [tilespmem:s30+$0x9700];
	v20 =	vmin.u32 v20, $0x3FF  }
0x51b: {  	v17 =	vadd.f32 v17, v18;
	v18 =	vld [tilespmem:s28+$0xC100]  }
0x51c: {  	v22 =	vld [tilespmem:s30+$0x9900]  }
0x51d: {  	v25 =	vld [tilespmem:s30+$0x9B00];
	v17 =	vadd.f32 v19, v17;
	v19 =	vadd.f32 v23, v0  }
0x51e: {  	v23 =	vld [tilespmem:s28+$0xC300]  }
0x51f: {  	v17 =	vadd.f32 v24, v17;
	v19 =	vadd.f32 v21, v19;
	v20 =	vld.idx.msk [tilespmem:v20+s17+$0x0], $0xffff  }
0x520: {  	v21 =	vld [tilespmem:s30+$0x9D00]  }
0x521: {  	v17 =	vadd.f32 v18, v17;
	v18 =	vadd.f32 v22, v19;
	v19 =	vld [tilespmem:s28+$0x4800]  }
0x522: {  	v22 =	vld [tilespmem:s30+$0x9F00]  }
0x523: {  	v59 =	vld [tilespmem:s30+$0xA100];
	v17 =	vadd.f32 v23, v17;
	v18 =	vadd.f32 v25, v18  }
0x524: {  	v15 =	vadd.s32 $0xEABF5, v15;
	v23 =	vld [tilespmem:s28+$0x4880]  }
0x525: {  	vm11 =	vgt.s32 v15, $0xF3FFF;
	v16 =	vadd.f32 v16, v17;
	v17 =	vld [tilespmem:s28+$0x4900];
	v15 =	vadd.f32 v21, v18  }
0x526: {  	v14 =	vsel vm11, v20, v14;
	v18 =	vld [tilespmem:s30+$0xA300]  }
0x527: {  	v20 =	vld [tilespmem:s30+$0xA500];
	v14 =	vadd.f32 v14, v16;
	v16 =	vmul.f32 v19, v1;
	v15 =	vadd.f32 v22, v15  }
0x528: {  	v19 =	vld [tilespmem:s28+$0x4980]  }
0x529: {  	v21 =	vld [tilespmem:s28+$0x4A00];
	v14 =	vadd.f32 v16, v14;
	v16 =	vmul.f32 v23, v2;
	v15 =	vadd.f32 v59, v15  }
0x52a: {  	v22 =	vld [tilespmem:s30+$0xA700]  }
0x52b: {  	v14 =	vadd.f32 v16, v14;
	v16 =	vmul.f32 v17, v3;
	v17 =	vld [tilespmem:s28+$0x4A80];
	v15 =	vadd.f32 v18, v15  }
0x52c: {  	v18 =	vld [tilespmem:s30+$0xA900]  }
0x52d: {  	v14 =	vadd.f32 v16, v14;
	v16 =	vmul.f32 v19, v4;
	v19 =	vld [tilespmem:s28+$0x4B00];
	v15 =	vadd.f32 v20, v15  }
0x52e: {  	v20 =	vld [tilespmem:s30+$0xAB00]  }
0x52f: {  	v14 =	vadd.f32 v16, v14;
	v16 =	vmul.f32 v21, v5;
	v21 =	vld [tilespmem:s28+$0x4B80];
	v15 =	vadd.f32 v22, v15  }
0x530: {  	v22 =	vld [tilespmem:s30+$0xAD00]  }
0x531: {  	v14 =	vadd.f32 v16, v14;
	v16 =	vmul.f32 v17, v6;
	v17 =	vld [tilespmem:s28+$0x5800];
	v15 =	vadd.f32 v18, v15  }
0x532: {  	v18 =	vld [tilespmem:s30+$0xAF00]  }
0x533: {  	v14 =	vadd.f32 v16, v14;
	v16 =	vmul.f32 v19, v7;
	v19 =	vld [tilespmem:s28+$0x5880];
	v15 =	vadd.f32 v20, v15  }
0x534: {  	v20 =	vld [tilespmem:s30+$0xB100]  }
0x535: {  	v14 =	vadd.f32 v16, v14;
	v16 =	vmul.f32 v21, v8;
	v21 =	vld [tilespmem:s28+$0x5900];
	v15 =	vadd.f32 v22, v15  }
0x536: {  	v22 =	vld [tilespmem:s30+$0xB300]  }
0x537: {  	v14 =	vadd.f32 v16, v14;
	v16 =	vmul.f32 v17, v9;
	v17 =	vld [tilespmem:s28+$0x5980];
	v15 =	vadd.f32 v18, v15  }
0x538: {  	v18 =	vld [tilespmem:s30+$0xB500]  }
0x539: {  	v14 =	vadd.f32 v16, v14;
	v16 =	vmul.f32 v19, v10;
	v19 =	vld [tilespmem:s28+$0x5A00];
	v15 =	vadd.f32 v20, v15  }
0x53a: {  	v20 =	vld [tilespmem:s30+$0xB700]  }
0x53b: {  	v14 =	vadd.f32 v16, v14;
	v16 =	vmul.f32 v21, v11;
	v21 =	vld [tilespmem:s30+$0x3880];
	v15 =	vadd.f32 v22, v15  }
0x53c: {  	v22 =	vld [tilespmem:s30+$0xB900]  }
0x53d: {  	v14 =	vadd.f32 v16, v14;
	v16 =	vmul.f32 v17, v12;
	v15 =	vadd.f32 v18, v15  }
0x53e: {  	v17 =	vld [tilespmem:s30+$0xBB00]  }
0x53f: {  	v14 =	vadd.f32 v16, v14;
	v16 =	vmul.f32 v19, v13;
	v15 =	vadd.f32 v20, v15  }
0x540: {  	v19 =	vld [tilespmem:s30+$0xBD00]  }
0x541: {  	v18 =	vld [tilespmem:s30+$0xC700];
	v23 =	vadd.s32 $0xFFFF6BF5, v21;
	v14 =	vadd.f32 v16, v14;
	v15 =	vadd.f32 v22, v15  }
0x542: {  	vm12 =	vgt.s32 v23, $0x0;
	v16 =	vld [tilespmem:s30+$0xBF00]  }
0x543: {  	v20 =	vld [tilespmem:s30+$0xC500];
	v22 =	vnsel vm12, $0x0, v23;
	[tilespmem:s28+$0xCE00] =	vst v14;
	v14 =	vadd.f32 v17, v15  }
0x544: {  	v15 =	vmin.u32 v22, $0x3FF;
	v17 =	vld [tilespmem:s30+$0xC100]  }
0x545: {  	v14 =	vadd.f32 v19, v14  }
0x546: {  	v19 =	vld [tilespmem:s30+$0xC300]  }
0x547: {  	v14 =	vadd.f32 v16, v14;
	_ =	sdelay $0x1  }
0x548: {  	v15 =	vld.idx.msk [tilespmem:v15+s17+$0x0], $0xffff;
	v14 =	vadd.f32 v17, v14  }
0x549: {  	v16 =	vld [tilespmem:s30+$0x4800]  }
0x54a: {  	v14 =	vadd.f32 v19, v14  }
0x54b: {  	v17 =	vadd.s32 $0xEABF5, v21;
	v19 =	vld [tilespmem:s30+$0x4880]  }
0x54c: {  	vm13 =	vgt.s32 v17, $0xF3FFF;
	v14 =	vadd.f32 v20, v14  }
0x54d: {  	v17 =	vld [tilespmem:s30+$0x4900];
	v15 =	vsel vm13, v15, v18  }
0x54e: {  	v14 =	vadd.f32 v15, v14;
	v15 =	vmul.f32 v16, v1  }
0x54f: {  	v16 =	vld [tilespmem:s30+$0x4980]  }
0x550: {  	v14 =	vadd.f32 v15, v14;
	v15 =	vmul.f32 v19, v2  }
0x551: {  	v18 =	vld [tilespmem:s30+$0x4A00]  }
0x552: {  	v14 =	vadd.f32 v15, v14;
	v15 =	vmul.f32 v17, v3  }
0x553: {  	v17 =	vld [tilespmem:s30+$0x4A80]  }
0x554: {  	v14 =	vadd.f32 v15, v14;
	v15 =	vmul.f32 v16, v4  }
0x555: {  	v16 =	vld [tilespmem:s30+$0x4B00]  }
0x556: {  	v14 =	vadd.f32 v15, v14;
	v15 =	vmul.f32 v18, v5  }
0x557: {  	v18 =	vld [tilespmem:s30+$0x4B80]  }
0x558: {  	v14 =	vadd.f32 v15, v14;
	v15 =	vmul.f32 v17, v6  }
0x559: {  	v17 =	vld [tilespmem:s30+$0x5800]  }
0x55a: {  	v14 =	vadd.f32 v15, v14;
	v15 =	vmul.f32 v16, v7  }
0x55b: {  	v16 =	vld [tilespmem:s30+$0x5880]  }
0x55c: {  	v14 =	vadd.f32 v15, v14;
	v15 =	vmul.f32 v18, v8  }
0x55d: {  	v18 =	vld [tilespmem:s30+$0x5900]  }
0x55e: {  	v14 =	vadd.f32 v15, v14;
	v15 =	vmul.f32 v17, v9  }
0x55f: {  	v17 =	vld [tilespmem:s30+$0x5980]  }
0x560: {  	v14 =	vadd.f32 v15, v14;
	v15 =	vmul.f32 v16, v10  }
0x561: {  	v16 =	vld [tilespmem:s30+$0x5A00]  }
0x562: {  	v14 =	vadd.f32 v15, v14;
	v15 =	vmul.f32 v18, v11;
	_ =	sdelay $0x1  }
0x563: {  	v14 =	vadd.f32 v15, v14;
	v15 =	vmul.f32 v17, v12;
	_ =	sdelay $0x1  }
0x564: {  	v14 =	vadd.f32 v15, v14;
	v15 =	vmul.f32 v16, v13;
	_ =	sdelay $0x1  }
0x565: {  	v14 =	vadd.f32 v15, v14;
	_ =	sdelay $0x1  }
0x566: {  	[tilespmem:s30+$0xCE00] =	vst v14  }
0x567: {  	_ =	swait.ge [sflag:s24], $0x80  }
0x568: {  	[sflag:s24] =	ssyncset.done $0x0  }
0x569: {  	[sflag:s24] =	ssyncadd.s32 $0xFFFFFF80  }
0x56a: {  	_ =	swait.ge [sflag:s24], $0x80  }
0x56b: {  	[sflag:s24] =	ssyncset.done $0x0  }
0x56c: {  	[sflag:s24] =	ssyncadd.s32 $0xFFFFFF80  }
0x56d: {  	_ =	swait.ge [sflag:s24], $0x80  }
0x56e: {  	[sflag:s24] =	ssyncset.done $0x0  }
0x56f: {  	[sflag:s24] =	ssyncadd.s32 $0xFFFFFF80  }
0x570: {  	_ =	swait.ge [sflag:s24], $0x80  }
0x571: {  	[sflag:s24] =	ssyncset.done $0x0  }
0x572: {  	[sflag:s24] =	ssyncadd.s32 $0xFFFFFF80  }
0x573: {  	_ =	swait.ge [sflag:s24], $0x80  }
0x574: {  	[sflag:s24] =	ssyncset.done $0x0  }
0x575: {  	[sflag:s24] =	ssyncadd.s32 $0xFFFFFF80  }
0x576: {  	_ =	swait.ge [sflag:s24], $0x80  }
0x577: {  	[sflag:s24] =	ssyncset.done $0x0  }
0x578: {  	[sflag:s24] =	ssyncadd.s32 $0xFFFFFF80  }
0x579: {  	_ =	swait.ge [sflag:s24], $0x80  }
0x57a: {  	[sflag:s24] =	ssyncset.done $0x0  }
0x57b: {  	[sflag:s24] =	ssyncadd.s32 $0xFFFFFF80  }
0x57c: {  	_ =	swait.ge [sflag:s24], $0x80  }
0x57d: {  	[sflag:s24] =	ssyncset.done $0x0  }
0x57e: {  	[sflag:s24] =	ssyncadd.s32 $0xFFFFFF80  }
0x57f: {  	_ =	swait.ge [sflag:s24], $0x80  }
0x580: {  	[sflag:s24] =	ssyncset.done $0x0  }
0x581: {  	[sflag:s24] =	ssyncadd.s32 $0xFFFFFF80  }
0x582: {  	_ =	swait.ge [sflag:s24], $0x80  }
0x583: {  	[sflag:s24] =	ssyncset.done $0x0  }
0x584: {  	[sflag:s24] =	ssyncadd.s32 $0xFFFFFF80  }
0x585: {  	_ =	swait.ge [sflag:s24], $0x80  }
0x586: {  	[sflag:s24] =	ssyncset.done $0x0  }
0x587: {  	[sflag:s24] =	ssyncadd.s32 $0xFFFFFF80  }
0x588: {  	_ =	swait.ge [sflag:s24], $0x80  }
0x589: {  	[sflag:s24] =	ssyncset.done $0x0  }
0x58a: {  	[sflag:s24] =	ssyncadd.s32 $0xFFFFFF80  }
0x58b: {  	_ =	swait.ge [sflag:s24], $0x80  }
0x58c: {  	[sflag:s24] =	ssyncset.done $0x0  }
0x58d: {  	[sflag:s24] =	ssyncadd.s32 $0xFFFFFF80  }
0x58e: {  	_ =	swait.ge [sflag:s24], $0x80  }
0x58f: {  	[sflag:s24] =	ssyncset.done $0x0  }
0x590: {  	[sflag:s24] =	ssyncadd.s32 $0xFFFFFF80  }
0x591: {  	_ =	swait.ge [sflag:s24], $0x80  }
0x592: {  	[sflag:s24] =	ssyncset.done $0x0  }
0x593: {  	[sflag:s24] =	ssyncadd.s32 $0xFFFFFF80  }
0x594: {  	_ =	swait.ge [sflag:s24], $0x80  }
0x595: {  	[sflag:s24] =	ssyncset.done $0x0  }
0x596: {  	[sflag:s24] =	ssyncadd.s32 $0xFFFFFF80  }
0x597: {  	_ =	swait.ge [sflag:s24], $0x80  }
0x598: {  	[sflag:s24] =	ssyncset.done $0x0  }
0x599: {  	[sflag:s24] =	ssyncadd.s32 $0xFFFFFF80  }
0x59a: {  	_ =	swait.ge [sflag:s24], $0x80  }
0x59b: {  	[sflag:s24] =	ssyncset.done $0x0  }
0x59c: {  	[sflag:s24] =	ssyncadd.s32 $0xFFFFFF80  }
0x59d: {  	_ =	swait.ge [sflag:s24], $0x80  }
0x59e: {  	[sflag:s24] =	ssyncset.done $0x0  }
0x59f: {  	[sflag:s24] =	ssyncadd.s32 $0xFFFFFF80  }
0x5a0: {  	_ =	swait.ge [sflag:s24], $0x80  }
0x5a1: {  	[sflag:s24] =	ssyncset.done $0x0  }
0x5a2: {  	[sflag:s24] =	ssyncadd.s32 $0xFFFFFF80  }
0x5a3: {  	_ =	swait.ge [sflag:s24], $0x80  }
0x5a4: {  	[sflag:s24] =	ssyncset.done $0x0  }
0x5a5: {  	[sflag:s24] =	ssyncadd.s32 $0xFFFFFF80  }
0x5a6: {  	_ =	swait.ge [sflag:s24], $0x80  }
0x5a7: {  	[sflag:s24] =	ssyncset.done $0x0  }
0x5a8: {  	[sflag:s24] =	ssyncadd.s32 $0xFFFFFF80  }
0x5a9: {  	_ =	swait.ge [sflag:s24], $0x80  }
0x5aa: {  	[sflag:s24] =	ssyncset.done $0x0  }
0x5ab: {  	[sflag:s24] =	ssyncadd.s32 $0xFFFFFF80  }
0x5ac: {  	_ =	swait.ge [sflag:s24], $0x80  }
0x5ad: {  	[sflag:s24] =	ssyncset.done $0x0  }
0x5ae: {  	[sflag:s24] =	ssyncadd.s32 $0xFFFFFF80  }
0x5af: {  	_ =	swait.ge [sflag:s24], $0x80  }
0x5b0: {  	[sflag:s24] =	ssyncset.done $0x0  }
0x5b1: {  	[sflag:s24] =	ssyncadd.s32 $0xFFFFFF80  }
0x5b2: {  	_ =	swait.ge [sflag:s24], $0x80  }
0x5b3: {  	[sflag:s24] =	ssyncset.done $0x0  }
0x5b4: {  	s29 =	simm.s32 $0x0;
	[sflag:s24] =	ssyncadd.s32 $0xFFFFFF80  }
0x5b5: {  	v14 =	vld [tilespmem:s29+$0x9580];
	_ =	sdelay $0x1  }
0x5b6: {  	v15 =	vld [tilespmem:s29+$0x9780];
	_ =	sdelay $0x1  }
0x5b7: {  	v16 =	vld [tilespmem:s29+$0x9980]  }
0x5b8: {  	v14 =	vadd.f32 v14, v0  }
0x5b9: {  	v17 =	vld [tilespmem:s29+$0x9B80]  }
0x5ba: {  	v14 =	vadd.f32 v15, v14  }
0x5bb: {  	v15 =	vld [tilespmem:s29+$0x9D80]  }
0x5bc: {  	v14 =	vadd.f32 v16, v14  }
0x5bd: {  	v16 =	vld [tilespmem:s29+$0x9F80]  }
0x5be: {  	v14 =	vadd.f32 v17, v14  }
0x5bf: {  	v17 =	vld [tilespmem:s29+$0xA180]  }
0x5c0: {  	v14 =	vadd.f32 v15, v14  }
0x5c1: {  	v15 =	vld [tilespmem:s29+$0xA380]  }
0x5c2: {  	v14 =	vadd.f32 v16, v14  }
0x5c3: {  	v16 =	vld [tilespmem:s29+$0xA580]  }
0x5c4: {  	v14 =	vadd.f32 v17, v14  }
0x5c5: {  	v17 =	vld [tilespmem:s29+$0xA780]  }
0x5c6: {  	v14 =	vadd.f32 v15, v14  }
0x5c7: {  	v15 =	vld [tilespmem:s29+$0xA980]  }
0x5c8: {  	v14 =	vadd.f32 v16, v14  }
0x5c9: {  	v16 =	vld [tilespmem:s29+$0xAB80]  }
0x5ca: {  	v14 =	vadd.f32 v17, v14  }
0x5cb: {  	v17 =	vld [tilespmem:s29+$0xAD80]  }
0x5cc: {  	v14 =	vadd.f32 v15, v14  }
0x5cd: {  	v15 =	vld [tilespmem:s29+$0xAF80]  }
0x5ce: {  	v14 =	vadd.f32 v16, v14  }
0x5cf: {  	v16 =	vld [tilespmem:s29+$0xB180]  }
0x5d0: {  	v14 =	vadd.f32 v17, v14  }
0x5d1: {  	v17 =	vld [tilespmem:s29+$0xB380]  }
0x5d2: {  	v14 =	vadd.f32 v15, v14  }
0x5d3: {  	v15 =	vld [tilespmem:s29+$0xB580]  }
0x5d4: {  	v14 =	vadd.f32 v16, v14  }
0x5d5: {  	v16 =	vld [tilespmem:s29+$0xB780]  }
0x5d6: {  	v14 =	vadd.f32 v17, v14;
	v17 =	vld [tilespmem:s29+$0x3C80]  }
0x5d7: {  	v18 =	vld [tilespmem:s29+$0xB980]  }
0x5d8: {  	v19 =	vld [tilespmem:s29+$0xBB80];
	v14 =	vadd.f32 v15, v14  }
0x5d9: {  	s28 =	simm.s32 $0x10;
	v20 =	vld [tilespmem:s29+$0xBD80]  }
0x5da: {  	v22 =	vld [tilespmem:s28+$0x9580];
	v14 =	vadd.f32 v16, v14  }
0x5db: {  	v23 =	vld [tilespmem:s28+$0x9780];
	v21 =	vadd.s32 $0xFFFF6BF5, v17  }
0x5dc: {  	v60 =	vld [tilespmem:s28+$0x9980];
	v14 =	vadd.f32 v18, v14;
	vm14 =	vgt.s32 v21, $0x0  }
0x5dd: {  	v18 =	vld [tilespmem:s29+$0xBF80];
	v21 =	vnsel vm14, $0x0, v21  }
0x5de: {  	v61 =	vld [tilespmem:s28+$0x9B80];
	v14 =	vadd.f32 v19, v14;
	v19 =	vmin.u32 v21, $0x3FF  }
0x5df: {  	v21 =	vld [tilespmem:s29+$0xC180]  }
0x5e0: {  	v15 =	vld [tilespmem:s29+$0xC780];
	v14 =	vadd.f32 v20, v14  }
0x5e1: {  	v22 =	vadd.f32 v22, v0;
	v20 =	vld [tilespmem:s29+$0xC380]  }
0x5e2: {  	v16 =	vld [tilespmem:s29+$0xC580];
	v14 =	vadd.f32 v18, v14  }
0x5e3: {  	v18 =	vld.idx.msk [tilespmem:v19+s17+$0x0], $0xffff;
	v19 =	vadd.f32 v23, v22  }
0x5e4: {  	v22 =	vld [tilespmem:s28+$0x9D80];
	v14 =	vadd.f32 v21, v14  }
0x5e5: {  	v21 =	vld [tilespmem:s29+$0x4C00];
	v19 =	vadd.f32 v60, v19  }
0x5e6: {  	v23 =	vld [tilespmem:s28+$0x9F80];
	v14 =	vadd.f32 v20, v14  }
0x5e7: {  	v17 =	vadd.s32 $0xEABF5, v17;
	v20 =	vld [tilespmem:s29+$0x4C80];
	v19 =	vadd.f32 v61, v19  }
0x5e8: {  	v62 =	vld [tilespmem:s28+$0xA180];
	vm15 =	vgt.s32 v17, $0xF3FFF;
	v14 =	vadd.f32 v16, v14  }
0x5e9: {  	v15 =	vsel vm15, v18, v15;
	v16 =	vld [tilespmem:s29+$0x4D00];
	v17 =	vadd.f32 v22, v19  }
0x5ea: {  	v18 =	vld [tilespmem:s28+$0xA380];
	v14 =	vadd.f32 v15, v14;
	v15 =	vmul.f32 v21, v1  }
0x5eb: {  	v19 =	vld [tilespmem:s29+$0x4D80];
	v17 =	vadd.f32 v23, v17  }
0x5ec: {  	v21 =	vld [tilespmem:s28+$0xA580];
	v14 =	vadd.f32 v15, v14;
	v15 =	vmul.f32 v20, v2  }
0x5ed: {  	v20 =	vld [tilespmem:s29+$0x4E00];
	v17 =	vadd.f32 v62, v17  }
0x5ee: {  	v22 =	vld [tilespmem:s28+$0xA780];
	v14 =	vadd.f32 v15, v14;
	v15 =	vmul.f32 v16, v3  }
0x5ef: {  	v16 =	vld [tilespmem:s29+$0x4E80];
	v17 =	vadd.f32 v18, v17  }
0x5f0: {  	v18 =	vld [tilespmem:s28+$0xA980];
	v14 =	vadd.f32 v15, v14;
	v15 =	vmul.f32 v19, v4  }
0x5f1: {  	v19 =	vld [tilespmem:s29+$0x4F00];
	v17 =	vadd.f32 v21, v17  }
0x5f2: {  	v21 =	vld [tilespmem:s28+$0xAB80];
	v14 =	vadd.f32 v15, v14;
	v15 =	vmul.f32 v20, v5  }
0x5f3: {  	v20 =	vld [tilespmem:s29+$0x4F80];
	v17 =	vadd.f32 v22, v17  }
0x5f4: {  	v22 =	vld [tilespmem:s28+$0xAD80];
	v14 =	vadd.f32 v15, v14;
	v15 =	vmul.f32 v16, v6  }
0x5f5: {  	v16 =	vld [tilespmem:s29+$0x5C00];
	v17 =	vadd.f32 v18, v17  }
0x5f6: {  	v18 =	vld [tilespmem:s28+$0xAF80];
	v14 =	vadd.f32 v15, v14;
	v15 =	vmul.f32 v19, v7  }
0x5f7: {  	v19 =	vld [tilespmem:s29+$0x5C80];
	v17 =	vadd.f32 v21, v17  }
0x5f8: {  	v21 =	vld [tilespmem:s28+$0xB180];
	v14 =	vadd.f32 v15, v14;
	v15 =	vmul.f32 v20, v8  }
0x5f9: {  	v20 =	vld [tilespmem:s29+$0x5D00];
	v17 =	vadd.f32 v22, v17  }
0x5fa: {  	v22 =	vld [tilespmem:s28+$0xB380];
	v14 =	vadd.f32 v15, v14;
	v15 =	vmul.f32 v16, v9  }
0x5fb: {  	v16 =	vld [tilespmem:s29+$0x5D80];
	v17 =	vadd.f32 v18, v17  }
0x5fc: {  	v23 =	vld [tilespmem:s28+$0xB580];
	v14 =	vadd.f32 v15, v14;
	v15 =	vmul.f32 v19, v10  }
0x5fd: {  	v19 =	vld [tilespmem:s29+$0x5E00];
	v17 =	vadd.f32 v21, v17  }
0x5fe: {  	v21 =	vld [tilespmem:s28+$0xB780];
	v20 =	vmul.f32 v20, v11;
	v14 =	vadd.f32 v15, v14  }
0x5ff: {  	v15 =	vld [tilespmem:s28+$0x3C80];
	v17 =	vadd.f32 v22, v17  }
0x600: {  	v18 =	vld [tilespmem:s28+$0xB980];
	v16 =	vmul.f32 v16, v12;
	v20 =	vadd.f32 v20, v14  }
0x601: {  	v14 =	vld [tilespmem:s28+$0xC780];
	v22 =	vadd.f32 v23, v17  }
0x602: {  	v17 =	vld [tilespmem:s28+$0xBB80];
	v63 =	vmul.f32 v19, v13;
	v23 =	vadd.f32 v16, v20  }
0x603: {  	v19 =	vld [tilespmem:s28+$0xBD80];
	v20 =	vadd.f32 v21, v22  }
0x604: {  	s0 =	simm.s32 $0xC0;
	s30 =	simm.s32 $0x20;
	v16 =	vld [tilespmem:s28+$0xC580];
	v21 =	vadd.s32 $0xFFFF6BF5, v15;
	v22 =	vadd.f32 v63, v23  }
.LBB2_16:
0x605: {  	p0 =	sne.s32 s0, $0x1C0;
	v23 =	vld [tilespmem:s30+$0x9580];
	v18 =	vadd.f32 v18, v20;
	vm0 =	vgt.s32 v21, $0x0  }
0x606: {  	v20 =	vld [tilespmem:s28+$0xBF80];
	v21 =	vnsel vm0, $0x0, v21;
	[tilespmem:s29+$0xCE80] =	vst v22;
	s29 =	smov.u32 s28;
	s28 =	smov.u32 s30  }
0x607: {  	v22 =	vld [tilespmem:s28+$0x9780];
	v17 =	vadd.f32 v17, v18;
	v18 =	vmin.u32 v21, $0x3FF  }
0x608: {  	v21 =	vld [tilespmem:s29+$0xC180]  }
0x609: {  	v24 =	vld [tilespmem:s28+$0x9980];
	v17 =	vadd.f32 v19, v17  }
0x60a: {  	v19 =	vadd.f32 v23, v0;
	v23 =	vld [tilespmem:s29+$0xC380]  }
0x60b: {  	v25 =	vld [tilespmem:s28+$0x9B80];
	v17 =	vadd.f32 v20, v17  }
0x60c: {  	v19 =	vadd.f32 v22, v19;
	v18 =	vld.idx.msk [tilespmem:v18+s17+$0x0], $0xffff  }
0x60d: {  	v20 =	vld [tilespmem:s28+$0x9D80];
	v17 =	vadd.f32 v21, v17  }
0x60e: {  	v19 =	vadd.f32 v24, v19;
	v21 =	vld [tilespmem:s29+$0x4C00]  }
0x60f: {  	v22 =	vld [tilespmem:s28+$0x9F80];
	v17 =	vadd.f32 v23, v17  }
0x610: {  	v15 =	vadd.s32 $0xEABF5, v15;
	v19 =	vadd.f32 v25, v19;
	v23 =	vld [tilespmem:s29+$0x4C80]  }
0x611: {  	vm0 =	vgt.s32 v15, $0xF3FFF;
	v24 =	vld [tilespmem:s28+$0xA180];
	v16 =	vadd.f32 v16, v17  }
0x612: {  	v14 =	vsel vm0, v18, v14;
	v15 =	vadd.f32 v20, v19;
	v17 =	vld [tilespmem:s29+$0x4D00]  }
0x613: {  	v18 =	vld [tilespmem:s28+$0xA380];
	v14 =	vadd.f32 v14, v16;
	v16 =	vmul.f32 v21, v1  }
0x614: {  	v15 =	vadd.f32 v22, v15;
	v19 =	vld [tilespmem:s29+$0x4D80]  }
0x615: {  	v20 =	vld [tilespmem:s28+$0xA580];
	v14 =	vadd.f32 v16, v14;
	v16 =	vmul.f32 v23, v2  }
0x616: {  	v15 =	vadd.f32 v24, v15;
	v21 =	vld [tilespmem:s29+$0x4E00]  }
0x617: {  	v22 =	vld [tilespmem:s28+$0xA780];
	v14 =	vadd.f32 v16, v14;
	v16 =	vmul.f32 v17, v3  }
0x618: {  	v15 =	vadd.f32 v18, v15;
	v17 =	vld [tilespmem:s29+$0x4E80]  }
0x619: {  	v18 =	vld [tilespmem:s28+$0xA980];
	v14 =	vadd.f32 v16, v14;
	v16 =	vmul.f32 v19, v4  }
0x61a: {  	v15 =	vadd.f32 v20, v15;
	v19 =	vld [tilespmem:s29+$0x4F00]  }
0x61b: {  	v20 =	vld [tilespmem:s28+$0xAB80];
	v14 =	vadd.f32 v16, v14;
	v16 =	vmul.f32 v21, v5  }
0x61c: {  	v15 =	vadd.f32 v22, v15;
	v21 =	vld [tilespmem:s29+$0x4F80]  }
0x61d: {  	v22 =	vld [tilespmem:s28+$0xAD80];
	v14 =	vadd.f32 v16, v14;
	v16 =	vmul.f32 v17, v6  }
0x61e: {  	v15 =	vadd.f32 v18, v15;
	v17 =	vld [tilespmem:s29+$0x5C00]  }
0x61f: {  	v18 =	vld [tilespmem:s28+$0xAF80];
	v14 =	vadd.f32 v16, v14;
	v16 =	vmul.f32 v19, v7  }
0x620: {  	v15 =	vadd.f32 v20, v15;
	v19 =	vld [tilespmem:s29+$0x5C80]  }
0x621: {  	v20 =	vld [tilespmem:s28+$0xB180];
	v14 =	vadd.f32 v16, v14;
	v16 =	vmul.f32 v21, v8  }
0x622: {  	v15 =	vadd.f32 v22, v15;
	v21 =	vld [tilespmem:s29+$0x5D00]  }
0x623: {  	v22 =	vld [tilespmem:s28+$0xB380];
	v14 =	vadd.f32 v16, v14;
	v16 =	vmul.f32 v17, v9  }
0x624: {  	v15 =	vadd.f32 v18, v15;
	v17 =	vld [tilespmem:s29+$0x5D80]  }
0x625: {  	v23 =	vld [tilespmem:s28+$0xB580];
	v14 =	vadd.f32 v16, v14;
	v16 =	vmul.f32 v19, v10  }
0x626: {  	v15 =	vadd.f32 v20, v15;
	v19 =	vld [tilespmem:s29+$0x5E00]  }
0x627: {  	v20 =	vld [tilespmem:s28+$0xB780];
	v14 =	vadd.f32 v16, v14;
	v16 =	vmul.f32 v21, v11  }
0x628: {  	v21 =	vadd.f32 v22, v15;
	v15 =	vld [tilespmem:s28+$0x3C80]  }
.Ltmp7:
0x629: {  	v18 =	vld [tilespmem:s28+$0xB980];
	v16 =	vadd.f32 v16, v14;
	v22 =	vmul.f32 v17, v12;
	(pc) =	sbr.rel @p0 .LBB2_16-.Ltmp7, $4  }
0x62a: {  	v21 =	vadd.f32 v23, v21;
	v14 =	vld [tilespmem:s28+$0xC780]  }
0x62b: {  	v17 =	vld [tilespmem:s28+$0xBB80];
	v22 =	vadd.f32 v22, v16;
	v23 =	vmul.f32 v19, v13  }
0x62c: {  	v20 =	vadd.f32 v20, v21;
	v16 =	vld [tilespmem:s28+$0xC580]  }
0x62d: {  	s30 =	sshra.s32 s0, $0x2;
	s0 =	sadd.s32 $0x40, s0;
	v19 =	vld [tilespmem:s28+$0xBD80];
	v21 =	vadd.s32 $0xFFFF6BF5, v15;
	v22 =	vadd.f32 v23, v22  }
0x62e: {  	v23 =	vld [tilespmem:s30+$0x9580]  }
0x62f: {  	v24 =	vld [tilespmem:s28+$0xBF80];
	v18 =	vadd.f32 v18, v20;
	[tilespmem:s29+$0xCE80] =	vst v22  }
0x630: {  	vm0 =	vgt.s32 v21, $0x0;
	v61 =	vld [tilespmem:s30+$0x9780]  }
0x631: {  	v60 =	vnsel vm0, $0x0, v21;
	v17 =	vadd.f32 v17, v18;
	v62 =	vld [tilespmem:s28+$0xC180]  }
0x632: {  	v20 =	vmin.u32 v60, $0x3FF;
	v22 =	vld [tilespmem:s30+$0x9980]  }
0x633: {  	v63 =	vld [tilespmem:s28+$0xC380];
	v17 =	vadd.f32 v19, v17;
	v0 =	vadd.f32 v23, v0  }
0x634: {  	v25 =	vld [tilespmem:s30+$0x9B80]  }
0x635: {  	v26 =	vld [tilespmem:s30+$0x9D80];
	v17 =	vadd.f32 v24, v17;
	v0 =	vadd.f32 v61, v0  }
0x636: {  	v27 =	vld [tilespmem:s28+$0x4C00]  }
0x637: {  	v20 =	vld.idx.msk [tilespmem:v20+s17+$0x0], $0xffff;
	v17 =	vadd.f32 v62, v17;
	v0 =	vadd.f32 v22, v0  }
0x638: {  	v28 =	vld [tilespmem:s30+$0x9F80]  }
0x639: {  	v29 =	vld [tilespmem:s28+$0x4C80];
	v17 =	vadd.f32 v63, v17;
	v0 =	vadd.f32 v25, v0  }
0x63a: {  	v15 =	vadd.s32 $0xEABF5, v15;
	v30 =	vld [tilespmem:s30+$0xA180]  }
0x63b: {  	vm13 =	vgt.s32 v15, $0xF3FFF;
	v31 =	vld [tilespmem:s28+$0x4D00];
	v16 =	vadd.f32 v16, v17;
	v0 =	vadd.f32 v26, v0  }
0x63c: {  	v32 =	vld [tilespmem:s30+$0xA380];
	v14 =	vsel vm13, v20, v14  }
0x63d: {  	v34 =	vld [tilespmem:s28+$0x4D80];
	v33 =	vmul.f32 v27, v1;
	v14 =	vadd.f32 v14, v16;
	v0 =	vadd.f32 v28, v0  }
0x63e: {  	v35 =	vld [tilespmem:s30+$0xA580]  }
0x63f: {  	v37 =	vld [tilespmem:s28+$0x4E00];
	v36 =	vmul.f32 v29, v2;
	v14 =	vadd.f32 v33, v14;
	v0 =	vadd.f32 v30, v0  }
0x640: {  	v38 =	vld [tilespmem:s30+$0xA780]  }
0x641: {  	v39 =	vld [tilespmem:s28+$0x4E80];
	v15 =	vmul.f32 v31, v3;
	v14 =	vadd.f32 v36, v14;
	v0 =	vadd.f32 v32, v0  }
0x642: {  	v40 =	vld [tilespmem:s30+$0xA980]  }
0x643: {  	v42 =	vld [tilespmem:s28+$0x4F00];
	v41 =	vmul.f32 v34, v4;
	v14 =	vadd.f32 v15, v14;
	v0 =	vadd.f32 v35, v0  }
0x644: {  	v43 =	vld [tilespmem:s30+$0xAB80]  }
0x645: {  	v45 =	vld [tilespmem:s28+$0x4F80];
	v44 =	vmul.f32 v37, v5;
	v14 =	vadd.f32 v41, v14;
	v0 =	vadd.f32 v38, v0  }
0x646: {  	v46 =	vld [tilespmem:s30+$0xAD80]  }
0x647: {  	v48 =	vld [tilespmem:s28+$0x5C00];
	v47 =	vmul.f32 v39, v6;
	v14 =	vadd.f32 v44, v14;
	v0 =	vadd.f32 v40, v0  }
0x648: {  	v49 =	vld [tilespmem:s30+$0xAF80]  }
0x649: {  	v51 =	vld [tilespmem:s28+$0x5C80];
	v50 =	vmul.f32 v42, v7;
	v14 =	vadd.f32 v47, v14;
	v0 =	vadd.f32 v43, v0  }
0x64a: {  	v52 =	vld [tilespmem:s30+$0xB180]  }
0x64b: {  	v54 =	vld [tilespmem:s28+$0x5D00];
	v53 =	vmul.f32 v45, v8;
	v14 =	vadd.f32 v50, v14;
	v0 =	vadd.f32 v46, v0  }
0x64c: {  	v55 =	vld [tilespmem:s30+$0xB380]  }
0x64d: {  	v57 =	vld [tilespmem:s28+$0x5D80];
	v56 =	vmul.f32 v48, v9;
	v14 =	vadd.f32 v53, v14;
	v0 =	vadd.f32 v49, v0  }
0x64e: {  	v58 =	vld [tilespmem:s30+$0xB580]  }
0x64f: {  	v60 =	vld [tilespmem:s28+$0x5E00];
	v59 =	vmul.f32 v51, v10;
	v14 =	vadd.f32 v56, v14;
	v0 =	vadd.f32 v52, v0  }
0x650: {  	v61 =	vld [tilespmem:s30+$0xB780]  }
0x651: {  	v24 =	vld [tilespmem:s30+$0xB980];
	v62 =	vmul.f32 v54, v11;
	v14 =	vadd.f32 v59, v14;
	v0 =	vadd.f32 v55, v0  }
0x652: {  	v63 =	vld [tilespmem:s30+$0x3C80]  }
0x653: {  	v25 =	vmul.f32 v57, v12;
	v14 =	vadd.f32 v62, v14;
	v0 =	vadd.f32 v58, v0  }
0x654: {  	v26 =	vld [tilespmem:s30+$0xBB80]  }
0x655: {  	v28 =	vmul.f32 v60, v13;
	v14 =	vadd.f32 v25, v14;
	v0 =	vadd.f32 v61, v0  }
0x656: {  	v29 =	vld [tilespmem:s30+$0xBD80]  }
0x657: {  	v27 =	vld [tilespmem:s30+$0xC780];
	v31 =	vadd.s32 $0xFFFF6BF5, v63;
	v14 =	vadd.f32 v28, v14;
	v0 =	vadd.f32 v24, v0  }
0x658: {  	vm14 =	vgt.s32 v31, $0x0;
	v32 =	vld [tilespmem:s30+$0xBF80]  }
0x659: {  	v30 =	vld [tilespmem:s30+$0xC580];
	v33 =	vnsel vm14, $0x0, v31;
	[tilespmem:s28+$0xCE80] =	vst v14;
	v0 =	vadd.f32 v26, v0  }
0x65a: {  	v34 =	vmin.u32 v33, $0x3FF;
	v35 =	vld [tilespmem:s30+$0xC180]  }
0x65b: {  	v0 =	vadd.f32 v29, v0  }
0x65c: {  	v36 =	vld [tilespmem:s30+$0xC380]  }
0x65d: {  	v0 =	vadd.f32 v32, v0;
	_ =	sdelay $0x1  }
0x65e: {  	v14 =	vld.idx.msk [tilespmem:v34+s17+$0x0], $0xffff;
	v0 =	vadd.f32 v35, v0  }
0x65f: {  	v37 =	vld [tilespmem:s30+$0x4C00]  }
0x660: {  	v0 =	vadd.f32 v36, v0  }
0x661: {  	v38 =	vadd.s32 $0xEABF5, v63;
	v39 =	vld [tilespmem:s30+$0x4C80]  }
0x662: {  	vm15 =	vgt.s32 v38, $0xF3FFF;
	v0 =	vadd.f32 v30, v0  }
0x663: {  	v40 =	vld [tilespmem:s30+$0x4D00];
	v14 =	vsel vm15, v14, v27  }
0x664: {  	v41 =	vmul.f32 v37, v1;
	v0 =	vadd.f32 v14, v0  }
0x665: {  	v42 =	vld [tilespmem:s30+$0x4D80]  }
0x666: {  	v43 =	vmul.f32 v39, v2;
	v0 =	vadd.f32 v41, v0  }
0x667: {  	v44 =	vld [tilespmem:s30+$0x4E00]  }
0x668: {  	v45 =	vmul.f32 v40, v3;
	v0 =	vadd.f32 v43, v0  }
0x669: {  	v46 =	vld [tilespmem:s30+$0x4E80]  }
0x66a: {  	v47 =	vmul.f32 v42, v4;
	v0 =	vadd.f32 v45, v0  }
0x66b: {  	v48 =	vld [tilespmem:s30+$0x4F00]  }
0x66c: {  	v49 =	vmul.f32 v44, v5;
	v0 =	vadd.f32 v47, v0  }
0x66d: {  	v50 =	vld [tilespmem:s30+$0x4F80]  }
0x66e: {  	v51 =	vmul.f32 v46, v6;
	v0 =	vadd.f32 v49, v0  }
0x66f: {  	v52 =	vld [tilespmem:s30+$0x5C00]  }
0x670: {  	v53 =	vmul.f32 v48, v7;
	v0 =	vadd.f32 v51, v0  }
0x671: {  	v54 =	vld [tilespmem:s30+$0x5C80]  }
0x672: {  	v55 =	vmul.f32 v50, v8;
	v0 =	vadd.f32 v53, v0  }
0x673: {  	v56 =	vld [tilespmem:s30+$0x5D00]  }
0x674: {  	v57 =	vmul.f32 v52, v9;
	v0 =	vadd.f32 v55, v0  }
0x675: {  	v58 =	vld [tilespmem:s30+$0x5D80]  }
0x676: {  	v59 =	vmul.f32 v54, v10;
	v0 =	vadd.f32 v57, v0  }
0x677: {  	v60 =	vld [tilespmem:s30+$0x5E00]  }
0x678: {  	v61 =	vmul.f32 v56, v11;
	v0 =	vadd.f32 v59, v0;
	_ =	sdelay $0x1  }
0x679: {  	v62 =	vmul.f32 v58, v12;
	v0 =	vadd.f32 v61, v0;
	_ =	sdelay $0x1  }
0x67a: {  	v63 =	vmul.f32 v60, v13;
	v0 =	vadd.f32 v62, v0;
	_ =	sdelay $0x1  }
0x67b: {  	s26 =	sadd.s32 $0x1, s26;
	v0 =	vadd.f32 v63, v0  }
0x67c: {  	p0 =	sne.s32 s26, s10  }
.Ltmp8:
0x67d: {  	s0 =	simm.s32 $0xCD00;
	[tilespmem:s30+$0xCE80] =	vst v0;
	(pc) =	sbr.rel @p0 .LBB2_1-.Ltmp8, $4  }
0x67e: {  	[hbm4b:s9+s3] =	stream.linear.scatter [tilespmem:s0], [sflag:$0x7], $0x200, $0x38;
	[tilespmem:$0xCF00] =	vst v63  }
0x67f: {  	_ =	swait.ge [sflag:s15], $0x200  }
0x680: {  	[sflag:s15] =	ssyncset.done $0x0  }
0x681: {  	[sflag:s15] =	ssyncadd.s32 $0xFFFFFE00  }
0x682: {  	_ =	sfence.sel $0x180000  }
0x683: {  	[bflag:$0x0] =	sbarrier.arrive $0xFFFF  }
0x684: {  	_ =	strace $0x90000047  }
0x685: {  	s0 =	stileid.u32;
	[bflag:$0x2] =	sbarrier.arrive $0xFFFF  }
0x686: {  	p0 =	sne.s32 s0, $0x0;
	s0 =	rddreg [dreg:$0x6]  }
0x687: {  	s0 =	sadd.s32 @!p0 $0x100000, s0  }
0x688: {  	[sflag:s0] =	ssyncadd.tile.s32 @!p0 $0x1;
	_ =	shalt  }
.Lfunc_end2:
_tile_overlayer_lowered:
.L_overlay_start_2:
0x689: {  	(tag) =	ssettag $0x2  }
0x68a: {  	s0 =	rddreg [dreg:$0x0];
	s2 =	stileid.u32  }
0x68b: {  	s1 =	rddreg [dreg:$0x1];
	p0 =	sne.s32 s2, $0x0  }
0x68c: {  	s3 =	rddreg [dreg:$0x2];
	[bflag:$0x3] =	sbarrier.arrive $0xFFFF;
	s2 =	simm.s32 @!p0 $0x1C07  }
0x68d: {  	[timem:s3], [sflag:s2] =	dma.local @!p0 [hbm:s0], s1  }
0x68e: {  	s0 =	simm.s32 @!p0 $0x7  }
0x68f: {  	_ =	swait.ge @!p0 [sflag:s0], s1  }
0x690: {  	s1 =	ssub.s32 @!p0 $0x0, s1;
	[sflag:s0] =	ssyncset.done @!p0 $0x0  }
0x691: {  	[sflag:s0] =	ssyncadd.s32 @!p0 s1  }
0x692: {  	[bflag:$0x3] =	sbarrier.arrive $0xFFFF  }
0x693: {  	_ =	shalt  }

</sc_bundles>
